<compile_context>
chip_gen: v7x
topology: tpu7x:2x2x1
jax: 0.10.2.dev20260603
libtpu: 0.0.44.dev20260713+nightly
codegen_flags: <defaults>
</compile_context>

<pallas_src>
import functools

import numpy as np
import jax
import jax.numpy as jnp
from jax import lax
from jax.experimental import pallas as pl
from jax.experimental.pallas import tpu as pltpu
from jax.experimental.pallas import tpu_sc as plsc

N = 10000
NPAD = 10112
ROWS_PER_TILE = NPAD // 16
E = 320000
NW = 32
CHUNK = 64
NCH = 160
CHUNK2 = 128
NCH2 = 80
NCH_S = 156
NCH_F = 158
NCH_PAIR = NCH_S + NCH_F
TOTCH = 16 * NCH_PAIR + NCH_F
NCH2_S = 78
NCH2_F = 80
NCH2_PAIR = NCH2_S + NCH2_F
TOTCH2 = 16 * NCH2_PAIR + NCH2_F
EPT = NCH * CHUNK
ETOT = EPT * NW
NIDS = 2000
NIDS_PAD = 2048
IDS_PER_TILE = NIDS_PAD // NW

_MESH = plsc.VectorSubcoreMesh(core_axis_name="c", subcore_axis_name="s")
_SC_PARAMS = pltpu.CompilerParams(use_tc_tiling_on_sc=False,
                                  needs_layout_passes=False)


def _tile_ids():
    c = lax.axis_index("c")
    s = lax.axis_index("s")
    return c, s, s * 2 + c


@functools.partial(
    pl.kernel,
    out_type=jax.ShapeDtypeStruct((2, NPAD, 16), jnp.float32),
    mesh=_MESH,
    scratch_types=[
        pltpu.VMEM((NCH2_F, CHUNK2), jnp.int32),
        pltpu.VMEM((CHUNK2, 16), jnp.float32),
        pltpu.VMEM_SHARED((NPAD, 16), jnp.float32),
        pltpu.SemaphoreType.DMA,
    ],
    compiler_params=_SC_PARAMS,
)
def _sc_deg(dsts_hbm, ones_hbm, zeros_hbm, out_hbm, didx, ones_v, acc, sem):
    c, s, wid = _tile_ids()
    nch = lax.select(c == 0, NCH2_S, NCH2_F)
    start = s * NCH2_PAIR + c * NCH2_S
    rows = pl.ds(s * ROWS_PER_TILE, ROWS_PER_TILE)
    pltpu.sync_copy(zeros_hbm.at[rows], acc.at[rows])
    pltpu.sync_copy(dsts_hbm.at[pl.ds(start, NCH2_F)], didx)
    pltpu.sync_copy(ones_hbm, ones_v)
    plsc.subcore_barrier()

    def fire(j, _):
        pltpu.async_copy(ones_v, acc.at[didx.at[j]], sem, add=True)
        return _

    lax.fori_loop(0, nch, fire, None)

    def drain(j, _):
        pltpu.make_async_copy(ones_v, acc.at[didx.at[j]], sem).wait()
        return _

    lax.fori_loop(0, nch, drain, None)
    plsc.subcore_barrier()
    pltpu.sync_copy(acc.at[rows], out_hbm.at[c, rows])


def _make_sc_pass(d, nch_by_core, chunk, pair):
    nch_max = max(nch_by_core)

    @functools.partial(
        pl.kernel,
        out_type=jax.ShapeDtypeStruct((2, NPAD, d), jnp.float32),
        mesh=_MESH,
        scratch_types=[
            pltpu.VMEM((nch_max, chunk), jnp.int32),
            pltpu.VMEM((nch_max, chunk), jnp.int32),
            pltpu.VMEM((2, chunk, d), jnp.float32),
            pltpu.VMEM_SHARED((NPAD, d), jnp.float32),
            pltpu.SemaphoreType.DMA,
            pltpu.SemaphoreType.DMA,
        ],
        compiler_params=_SC_PARAMS,
    )
    def _sc_pass(h_hbm, srcs_hbm, dsts_hbm, zeros_hbm, out_hbm,
                 sidx, didx, gbuf, acc, sem0, sem1):
        c, s, wid = _tile_ids()
        nch = lax.select(c == 0, nch_by_core[0], nch_by_core[1])
        start = s * pair + c * nch_by_core[0]
        pltpu.sync_copy(srcs_hbm.at[pl.ds(start, nch_max)], sidx)
        pltpu.sync_copy(dsts_hbm.at[pl.ds(start, nch_max)], didx)
        rows = pl.ds(s * ROWS_PER_TILE, ROWS_PER_TILE)
        pltpu.sync_copy(zeros_hbm.at[rows], acc.at[rows])
        plsc.subcore_barrier()

        gb0, gb1 = gbuf.at[0], gbuf.at[1]
        pltpu.async_copy(h_hbm.at[sidx.at[0]], gb0, sem0)
        pltpu.async_copy(h_hbm.at[sidx.at[1]], gb1, sem1)

        def body(j, _):
            pltpu.make_async_copy(h_hbm.at[sidx.at[2 * j]], gb0, sem0).wait()
            pltpu.sync_copy(gb0, acc.at[didx.at[2 * j]], add=True)
            pltpu.async_copy(h_hbm.at[sidx.at[2 * j + 2]], gb0, sem0)
            pltpu.make_async_copy(h_hbm.at[sidx.at[2 * j + 1]], gb1, sem1).wait()
            pltpu.sync_copy(gb1, acc.at[didx.at[2 * j + 1]], add=True)
            pltpu.async_copy(h_hbm.at[sidx.at[2 * j + 3]], gb1, sem1)
            return _

        lax.fori_loop(0, nch // 2 - 1, body, None)
        pltpu.make_async_copy(h_hbm.at[sidx.at[nch - 2]], gb0, sem0).wait()
        pltpu.sync_copy(gb0, acc.at[didx.at[nch - 2]], add=True)
        pltpu.make_async_copy(h_hbm.at[sidx.at[nch - 1]], gb1, sem1).wait()
        pltpu.sync_copy(gb1, acc.at[didx.at[nch - 1]], add=True)
        plsc.subcore_barrier()
        pltpu.sync_copy(acc.at[rows], out_hbm.at[c, rows])

    return _sc_pass


_sc_pass128 = _make_sc_pass(128, (NCH_S, NCH_F), CHUNK, NCH_PAIR)
_sc_pass16 = _make_sc_pass(16, (NCH2_S, NCH2_F), CHUNK2, NCH2_PAIR)


@functools.partial(
    pl.kernel,
    out_type=(jax.ShapeDtypeStruct((NIDS_PAD, 16), jnp.float32),
              jax.ShapeDtypeStruct((NIDS_PAD,), jnp.int32)),
    mesh=_MESH,
    scratch_types=[
        pltpu.VMEM((IDS_PER_TILE,), jnp.int32),
        pltpu.VMEM((IDS_PER_TILE, 16), jnp.float32),
        pltpu.VMEM((NPAD,), jnp.int32),
        pltpu.VMEM((IDS_PER_TILE,), jnp.int32),
        pltpu.SemaphoreType.DMA,
    ],
    compiler_params=_SC_PARAMS,
)
def _sc_pred(out2_hbm, nid_hbm, lab_hbm, yp_hbm, yt_hbm,
             nid_v, rows_v, lab_v, yt_v, sem):
    _, _, wid = _tile_ids()
    sl = pl.ds(wid * IDS_PER_TILE, IDS_PER_TILE)
    pltpu.sync_copy(nid_hbm.at[sl], nid_v)
    pltpu.sync_copy(lab_hbm, lab_v)
    pltpu.async_copy(out2_hbm.at[nid_v], rows_v, sem).wait()
    pltpu.sync_copy(rows_v, yp_hbm.at[sl])
    for k in range(IDS_PER_TILE // 16):
        idx = nid_v[pl.ds(k * 16, 16)]
        yt_v[pl.ds(k * 16, 16)] = plsc.load_gather(lab_v, [idx])
    pltpu.sync_copy(yt_v, yt_hbm.at[sl])


def _dinv_from_degp(degp_blk):
    deg = degp_blk[0, :, 0] + degp_blk[1, :, 0] + 1.0
    return lax.rsqrt(deg)


def _tc1_body(x_ref, w_ref, degp_ref, o_ref):
    dinv = _dinv_from_degp(degp_ref[...])
    h = jnp.dot(x_ref[...], w_ref[...], preferred_element_type=jnp.float32)
    o_ref[...] = h * dinv[:, None]


def _tc2_body(r1_ref, h1p_ref, degp_ref, b1_ref, w2_ref, o_ref):
    dinv = _dinv_from_degp(degp_ref[...])
    s = r1_ref[0] + r1_ref[1] + h1p_ref[...]
    h2 = jnp.maximum(s * dinv[:, None] + b1_ref[...], 0.0)
    o_ref[...] = jnp.dot(h2, w2_ref[...],
                         preferred_element_type=jnp.float32) * dinv[:, None]


def _tc3_body(r2_ref, h2p_ref, degp_ref, b2_ref, o_ref):
    dinv = _dinv_from_degp(degp_ref[...])
    s = r2_ref[0] + r2_ref[1] + h2p_ref[...]
    o_ref[...] = s * dinv[:, None] + b2_ref[...]


def _tc_loss_body(yp_ref, yt_ref, o_ref):
    yp = yp_ref[...].reshape(16, 128, 16)
    lab = yt_ref[...]
    m = jnp.max(yp, axis=2)
    lse = jnp.log(jnp.sum(jnp.exp(yp - m[:, :, None]), axis=2)) + m
    onehot = (lax.broadcasted_iota(jnp.int32, (16, 128, 16), 2)
              == lab[:, :, None])
    pick = jnp.sum(jnp.where(onehot, yp, 0.0), axis=2)
    ridx = (lax.broadcasted_iota(jnp.int32, (16, 128), 0) * 128
            + lax.broadcasted_iota(jnp.int32, (16, 128), 1))
    nll = jnp.where(ridx < NIDS, lse - pick, 0.0)
    o_ref[...] = (jnp.sum(nll) / NIDS).reshape(1, 1)


_RB = 1000


def _tc1(x, w1, degp):
    return pl.pallas_call(
        _tc1_body,
        grid=(N // _RB,),
        in_specs=[
            pl.BlockSpec((_RB, 128), lambda i: (i, 0)),
            pl.BlockSpec((128, 128), lambda i: (0, 0)),
            pl.BlockSpec((2, _RB, 16), lambda i: (0, i, 0)),
        ],
        out_specs=pl.BlockSpec((_RB, 128), lambda i: (i, 0)),
        out_shape=jax.ShapeDtypeStruct((N, 128), jnp.float32),
    )(x, w1, degp)


def _tc2(r1, h1p, degp, b1, w2):
    return pl.pallas_call(
        _tc2_body,
        grid=(N // _RB,),
        in_specs=[
            pl.BlockSpec((2, _RB, 128), lambda i: (0, i, 0)),
            pl.BlockSpec((_RB, 128), lambda i: (i, 0)),
            pl.BlockSpec((2, _RB, 16), lambda i: (0, i, 0)),
            pl.BlockSpec((1, 128), lambda i: (0, 0)),
            pl.BlockSpec((128, 16), lambda i: (0, 0)),
        ],
        out_specs=pl.BlockSpec((_RB, 16), lambda i: (i, 0)),
        out_shape=jax.ShapeDtypeStruct((N, 16), jnp.float32),
    )(r1, h1p, degp, b1, w2)


def _tc3(r2, h2p, degp, b2):
    return pl.pallas_call(
        _tc3_body,
        grid=(N // _RB,),
        in_specs=[
            pl.BlockSpec((2, _RB, 16), lambda i: (0, i, 0)),
            pl.BlockSpec((_RB, 16), lambda i: (i, 0)),
            pl.BlockSpec((2, _RB, 16), lambda i: (0, i, 0)),
            pl.BlockSpec((1, 16), lambda i: (0, 0)),
        ],
        out_specs=pl.BlockSpec((_RB, 16), lambda i: (i, 0)),
        out_shape=jax.ShapeDtypeStruct((N, 16), jnp.float32),
    )(r2, h2p, degp, b2)


def _tc_loss(yp, yt2d):
    return pl.pallas_call(
        _tc_loss_body,
        out_shape=jax.ShapeDtypeStruct((1, 1), jnp.float32),
    )(yp, yt2d)


def kernel(x, edge_index, node_ids, label_inds, W1, b1, W2, b2):
    i32 = jnp.int32
    src = edge_index[0]
    dst = edge_index[1]
    fpad = TOTCH * CHUNK - E
    srcs = jnp.concatenate([src, jnp.zeros((fpad,), i32)]).reshape(TOTCH, CHUNK)
    dsts = jnp.concatenate([dst, jnp.full((fpad,), N, i32)]).reshape(TOTCH, CHUNK)
    fpad2 = TOTCH2 * CHUNK2 - E
    srcs2 = jnp.concatenate([src, jnp.zeros((fpad2,), i32)]).reshape(TOTCH2, CHUNK2)
    dsts2 = jnp.concatenate([dst, jnp.full((fpad2,), N, i32)]).reshape(TOTCH2, CHUNK2)
    z16 = jnp.zeros((NPAD, 16), jnp.float32)
    z128 = jnp.zeros((NPAD, 128), jnp.float32)
    ones16 = jnp.ones((CHUNK2, 16), jnp.float32)
    nid_p = jnp.concatenate([node_ids, jnp.zeros((NIDS_PAD - NIDS,), i32)])
    lab_p = jnp.concatenate([label_inds, jnp.zeros((NPAD - N,), i32)])

    degp = _sc_deg(dsts2, ones16, z16)
    h1p = _tc1(x, W1, degp)
    r1 = _sc_pass128(h1p, srcs, dsts, z128)
    h2p = _tc2(r1, h1p, degp, b1.reshape(1, 128), W2)
    r2 = _sc_pass16(h2p, srcs2, dsts2, z16)
    out2 = _tc3(r2, h2p, degp, b2.reshape(1, 16))
    yp, yt = _sc_pred(out2, nid_p, lab_p)
    loss = _tc_loss(yp, yt.reshape(16, 128))
    return (loss[0, 0], yp[:NIDS])

# --- scband reference (transcript-rebuilt; emitter-appended) ---
"""Pipeline reference for scband-text-gnn-9234179687482 (READ-ONLY COPY).

The authoritative reference and input builder live on the scoring server;
editing this copy changes nothing except your own understanding.
"""

import jax, jax.numpy as jnp
import numpy as np

N = 10000
E = 320000
D_IN = 128
D_HID = 128
N_LABELS = 16
N_IDS = 2000


def _glorot(key, shape):
    fan_in, fan_out = shape[0], shape[1]
    gain = float(np.sqrt(2.0))  # calculate_gain('relu')
    a = gain * float(np.sqrt(6.0 / (fan_in + fan_out)))
    return jax.random.uniform(key, shape, jnp.float32, -a, a)


def setup_inputs(seed: int = 0) -> dict:
    key = jax.random.key(seed)
    ks = jax.random.split(key, 8)
    x = jax.random.normal(ks[0], (N, D_IN), jnp.float32)
    edge_index = jax.random.randint(ks[1], (2, E), 0, N, jnp.int32)
    node_ids = jax.random.randint(ks[2], (N_IDS,), 0, N, jnp.int32)
    label_inds = jax.random.randint(ks[3], (N,), 0, N_LABELS, jnp.int32)
    W1 = _glorot(ks[4], (D_IN, D_HID))
    b1 = jnp.zeros((D_HID,), jnp.float32)
    W2 = _glorot(ks[5], (D_HID, N_LABELS))
    b2 = jnp.zeros((N_LABELS,), jnp.float32)
    return {"x": x, "edge_index": edge_index, "node_ids": node_ids,
            "label_inds": label_inds, "W1": W1, "b1": b1, "W2": W2, "b2": b2}


def _gcn_conv(x, edge_index, W, b):
    n = x.shape[0]
    loops = jnp.arange(n, dtype=edge_index.dtype)
    src = jnp.concatenate([edge_index[0], loops])
    dst = jnp.concatenate([edge_index[1], loops])
    deg = jnp.zeros((n,), jnp.float32).at[dst].add(1.0)
    dinv = jax.lax.rsqrt(jnp.maximum(deg, 1.0))
    norm = dinv[src] * dinv[dst]
    h = x @ W
    msg = h[src] * norm[:, None]
    out = jnp.zeros((n, W.shape[1]), jnp.float32).at[dst].add(msg)
    return out + b


def reference(x, edge_index, node_ids, label_inds, W1, b1, W2, b2):
    # layer 1: GCNConv + relu
    h = _gcn_conv(x, edge_index, W1, b1)
    h = jax.nn.relu(h)
    # layer 2: GCNConv + identity
    out = _gcn_conv(h, edge_index, W2, b2)
    # softmax pred head: gather logits at node_ids, cross-entropy vs labels
    y_preds = out[node_ids]
    y_true = label_inds[node_ids]
    logp = jax.nn.log_softmax(y_preds, axis=-1)
    nll = -jnp.take_along_axis(logp, y_true[:, None].astype(jnp.int32), axis=1)[:, 0]
    loss = jnp.mean(nll)
    return (loss, y_preds)

if __name__ == "__main__":
    import jax
    _d = setup_inputs()
    print(jax.jit(kernel)(*tuple(_d.values())))

</pallas_src>

<mosaic_0001>
#map = affine_map<(d0, d1) -> (0, 0)>
#map1 = affine_map<(d0, d1) -> (0, 0, 0)>
module attributes {stable_mosaic.version = 14 : i64} {
  func.func @_sc_pass(%arg0: i32, %arg1: i32, %arg2: memref<10000x16xf32, #tpu.memory_space<hbm>>, %arg3: memref<2608x128xi32, #tpu.memory_space<hbm>>, %arg4: memref<2608x128xi32, #tpu.memory_space<hbm>>, %arg5: memref<10112x16xf32, #tpu.memory_space<hbm>>, %arg6: memref<2x10112x16xf32, #tpu.memory_space<hbm>>, %arg7: memref<80x128xi32, #tpu.memory_space<vmem>>, %arg8: memref<80x128xi32, #tpu.memory_space<vmem>>, %arg9: memref<2x128x16xf32, #tpu.memory_space<vmem>>, %arg10: memref<10112x16xf32, #tpu.memory_space<vmem_shared>>, %arg11: memref<!tpu.dma_semaphore, #tpu.memory_space<semaphore_mem>>, %arg12: memref<!tpu.dma_semaphore, #tpu.memory_space<semaphore_mem>>) attributes {dimension_semantics = [#tpu.dimension_semantics<core_parallel>, #tpu.dimension_semantics<subcore_parallel>], iteration_bounds = array<i64: 2, 16>, scalar_prefetch = 0 : i64, scratch_operands = 6 : i64, tpu.core_type = #tpu.core_type<sc_vector_subcore>, window_params = [{transform_indices = #map}, {transform_indices = #map}, {transform_indices = #map}, {transform_indices = #map}, {transform_indices = #map1}]} {
    %mul3A = arith.constant 2 : i32
    %mul3A_0 = arith.muli %arg1, %mul3A : i32
    %add3A = arith.addi %mul3A_0, %arg0 : i32
    %eq3A = arith.constant 0 : i32
    %eq3A_1 = arith.cmpi eq, %arg0, %eq3A : i32
    %select_n3A = arith.constant 80 : i32
    %select_n3A_2 = arith.constant 78 : i32
    %select_n3A_3 = arith.select %eq3A_1, %select_n3A_2, %select_n3A : i32
    %mul3A_4 = arith.constant 158 : i32
    %mul3A_5 = arith.muli %arg1, %mul3A_4 : i32
    %mul3A_6 = arith.constant 78 : i32
    %mul3A_7 = arith.muli %arg0, %mul3A_6 : i32
    %add3A_8 = arith.addi %mul3A_5, %mul3A_7 : i32
    "tpu.region"() ({
      %run_scoped3A_94 = tpu.sem_alloc : memref<!tpu.dma_semaphore, #tpu.memory_space<semaphore_mem>>
      %dma_start3A_95 = arith.constant 0 : i32
      %dma_start3A_96 = tpu.memref_slice %arg3[%add3A_8, %dma_start3A_95] : memref<2608x128xi32, #tpu.memory_space<hbm>> -> memref<80x128xi32, #tpu.memory_space<hbm>>
      %dma_start3A_97 = arith.constant 0 : i32
      %dma_start3A_98 = tpu.memref_slice %arg3[%add3A_8, %dma_start3A_97] : memref<2608x128xi32, #tpu.memory_space<hbm>> -> memref<80x128xi32, #tpu.memory_space<hbm>>
      tpu.enqueue_dma source(%dma_start3A_98 : memref<80x128xi32, #tpu.memory_space<hbm>>) target(%arg7 : memref<80x128xi32, #tpu.memory_space<vmem>>) target_semaphore(%run_scoped3A_94 : memref<!tpu.dma_semaphore, #tpu.memory_space<semaphore_mem>>)
      %dma_wait3A_99 = arith.constant 0 : i32
      %dma_wait3A_100 = tpu.memref_slice %arg3[%add3A_8, %dma_wait3A_99] : memref<2608x128xi32, #tpu.memory_space<hbm>> -> memref<80x128xi32, #tpu.memory_space<hbm>>
      %dma_wait3A_101 = arith.constant 0 : i32
      %dma_wait3A_102 = tpu.memref_slice %arg3[%add3A_8, %dma_wait3A_101] : memref<2608x128xi32, #tpu.memory_space<hbm>> -> memref<80x128xi32, #tpu.memory_space<hbm>>
      tpu.wait_dma2 semaphore(%run_scoped3A_94 : memref<!tpu.dma_semaphore, #tpu.memory_space<semaphore_mem>>) src(%dma_wait3A_102 : memref<80x128xi32, #tpu.memory_space<hbm>>) dst(%arg7 : memref<80x128xi32, #tpu.memory_space<vmem>>)
      tpu.yield
    }) : () -> ()
    "tpu.region"() ({
      %run_scoped3A_94 = tpu.sem_alloc : memref<!tpu.dma_semaphore, #tpu.memory_space<semaphore_mem>>
      %dma_start3A_95 = arith.constant 0 : i32
      %dma_start3A_96 = tpu.memref_slice %arg4[%add3A_8, %dma_start3A_95] : memref<2608x128xi32, #tpu.memory_space<hbm>> -> memref<80x128xi32, #tpu.memory_space<hbm>>
      %dma_start3A_97 = arith.constant 0 : i32
      %dma_start3A_98 = tpu.memref_slice %arg4[%add3A_8, %dma_start3A_97] : memref<2608x128xi32, #tpu.memory_space<hbm>> -> memref<80x128xi32, #tpu.memory_space<hbm>>
      tpu.enqueue_dma source(%dma_start3A_98 : memref<80x128xi32, #tpu.memory_space<hbm>>) target(%arg8 : memref<80x128xi32, #tpu.memory_space<vmem>>) target_semaphore(%run_scoped3A_94 : memref<!tpu.dma_semaphore, #tpu.memory_space<semaphore_mem>>)
      %dma_wait3A_99 = arith.constant 0 : i32
      %dma_wait3A_100 = tpu.memref_slice %arg4[%add3A_8, %dma_wait3A_99] : memref<2608x128xi32, #tpu.memory_space<hbm>> -> memref<80x128xi32, #tpu.memory_space<hbm>>
      %dma_wait3A_101 = arith.constant 0 : i32
      %dma_wait3A_102 = tpu.memref_slice %arg4[%add3A_8, %dma_wait3A_101] : memref<2608x128xi32, #tpu.memory_space<hbm>> -> memref<80x128xi32, #tpu.memory_space<hbm>>
      tpu.wait_dma2 semaphore(%run_scoped3A_94 : memref<!tpu.dma_semaphore, #tpu.memory_space<semaphore_mem>>) src(%dma_wait3A_102 : memref<80x128xi32, #tpu.memory_space<hbm>>) dst(%arg8 : memref<80x128xi32, #tpu.memory_space<vmem>>)
      tpu.yield
    }) : () -> ()
    %mul3A_9 = arith.constant 632 : i32
    %mul3A_10 = arith.muli %arg1, %mul3A_9 : i32
    "tpu.region"() ({
      %run_scoped3A_94 = tpu.sem_alloc : memref<!tpu.dma_semaphore, #tpu.memory_space<semaphore_mem>>
      %dma_start3A_95 = arith.constant 0 : i32
      %dma_start3A_96 = tpu.memref_slice %arg10[%mul3A_10, %dma_start3A_95] : memref<10112x16xf32, #tpu.memory_space<vmem_shared>> -> memref<632x16xf32, #tpu.memory_space<vmem_shared>>
      %dma_start3A_97 = arith.constant 0 : i32
      %dma_start3A_98 = tpu.memref_slice %arg5[%mul3A_10, %dma_start3A_97] : memref<10112x16xf32, #tpu.memory_space<hbm>> -> memref<632x16xf32, #tpu.memory_space<hbm>>
      tpu.enqueue_dma source(%dma_start3A_98 : memref<632x16xf32, #tpu.memory_space<hbm>>) target(%dma_start3A_96 : memref<632x16xf32, #tpu.memory_space<vmem_shared>>) target_semaphore(%run_scoped3A_94 : memref<!tpu.dma_semaphore, #tpu.memory_space<semaphore_mem>>)
      %dma_wait3A_99 = arith.constant 0 : i32
      %dma_wait3A_100 = tpu.memref_slice %arg10[%mul3A_10, %dma_wait3A_99] : memref<10112x16xf32, #tpu.memory_space<vmem_shared>> -> memref<632x16xf32, #tpu.memory_space<vmem_shared>>
      %dma_wait3A_101 = arith.constant 0 : i32
      %dma_wait3A_102 = tpu.memref_slice %arg5[%mul3A_10, %dma_wait3A_101] : memref<10112x16xf32, #tpu.memory_space<hbm>> -> memref<632x16xf32, #tpu.memory_space<hbm>>
      tpu.wait_dma2 semaphore(%run_scoped3A_94 : memref<!tpu.dma_semaphore, #tpu.memory_space<semaphore_mem>>) src(%dma_wait3A_102 : memref<632x16xf32, #tpu.memory_space<hbm>>) dst(%dma_wait3A_100 : memref<632x16xf32, #tpu.memory_space<vmem_shared>>)
      tpu.yield
    }) : () -> ()
    %barrier3A = arith.constant 0 : index
    tpu.barrier barrier_id(%barrier3A)
    %dma_start3A = arith.constant 0 : i32
    %dma_start3A_11 = arith.constant 0 : i32
    %dma_start3A_12 = arith.constant 0 : i32
    %dma_start3A_13 = arith.constant 0 : i32
    %dma_start3A_14 = tpu.memref_slice %arg9[%dma_start3A_11, %dma_start3A_12, %dma_start3A_13] : memref<2x128x16xf32, #tpu.memory_space<vmem>> -> memref<1x128x16xf32, #tpu.memory_space<vmem>>
    %dma_start3A_15 = tpu.memref_squeeze %dma_start3A_14 : memref<1x128x16xf32, #tpu.memory_space<vmem>> -> memref<128x16xf32, #tpu.memory_space<vmem>>
    %dma_start3A_16 = arith.constant 0 : i32
    %dma_start3A_17 = tpu.memref_slice %arg7[%dma_start3A, %dma_start3A_16] : memref<80x128xi32, #tpu.memory_space<vmem>> -> memref<1x128xi32, #tpu.memory_space<vmem>>
    %dma_start3A_18 = tpu.memref_squeeze %dma_start3A_17 : memref<1x128xi32, #tpu.memory_space<vmem>> -> memref<128xi32, #tpu.memory_space<vmem>>
    %dma_start3A_19 = arith.constant 0 : i32
    %dma_start3A_20 = arith.constant 0 : i32
    %dma_start3A_21 = tpu.memref_slice %arg2[%dma_start3A_19, %dma_start3A_20] : memref<10000x16xf32, #tpu.memory_space<hbm>> -> memref<10000x16xf32, #tpu.memory_space<hbm>>
    tpu.enqueue_indirect_dma source(%dma_start3A_21 : memref<10000x16xf32, #tpu.memory_space<hbm>>) target(%dma_start3A_15 : memref<128x16xf32, #tpu.memory_space<vmem>>) offsets(%dma_start3A_18 : memref<128xi32, #tpu.memory_space<vmem>>) semaphore(%arg11 : memref<!tpu.dma_semaphore, #tpu.memory_space<semaphore_mem>>)
    %dma_start3A_22 = arith.constant 1 : i32
    %dma_start3A_23 = arith.constant 1 : i32
    %dma_start3A_24 = arith.constant 0 : i32
    %dma_start3A_25 = arith.constant 0 : i32
    %dma_start3A_26 = tpu.memref_slice %arg9[%dma_start3A_23, %dma_start3A_24, %dma_start3A_25] : memref<2x128x16xf32, #tpu.memory_space<vmem>> -> memref<1x128x16xf32, #tpu.memory_space<vmem>>
    %dma_start3A_27 = tpu.memref_squeeze %dma_start3A_26 : memref<1x128x16xf32, #tpu.memory_space<vmem>> -> memref<128x16xf32, #tpu.memory_space<vmem>>
    %dma_start3A_28 = arith.constant 0 : i32
    %dma_start3A_29 = tpu.memref_slice %arg7[%dma_start3A_22, %dma_start3A_28] : memref<80x128xi32, #tpu.memory_space<vmem>> -> memref<1x128xi32, #tpu.memory_space<vmem>>
    %dma_start3A_30 = tpu.memref_squeeze %dma_start3A_29 : memref<1x128xi32, #tpu.memory_space<vmem>> -> memref<128xi32, #tpu.memory_space<vmem>>
    %dma_start3A_31 = arith.constant 0 : i32
    %dma_start3A_32 = arith.constant 0 : i32
    %dma_start3A_33 = tpu.memref_slice %arg2[%dma_start3A_31, %dma_start3A_32] : memref<10000x16xf32, #tpu.memory_space<hbm>> -> memref<10000x16xf32, #tpu.memory_space<hbm>>
    tpu.enqueue_indirect_dma source(%dma_start3A_33 : memref<10000x16xf32, #tpu.memory_space<hbm>>) target(%dma_start3A_27 : memref<128x16xf32, #tpu.memory_space<vmem>>) offsets(%dma_start3A_30 : memref<128xi32, #tpu.memory_space<vmem>>) semaphore(%arg12 : memref<!tpu.dma_semaphore, #tpu.memory_space<semaphore_mem>>)
    %jit3A = arith.constant 2 : i32
    %div3A = arith.divsi %select_n3A_3, %jit3A : i32
    %sign3A = arith.constant 0 : i32
    %sign3A_34 = arith.cmpi sgt, %select_n3A_3, %sign3A : i32
    %sign3A_35 = arith.extui %sign3A_34 : i1 to i32
    %sign3A_36 = arith.constant 0 : i32
    %sign3A_37 = arith.cmpi slt, %select_n3A_3, %sign3A_36 : i32
    %sign3A_38 = arith.extui %sign3A_37 : i1 to i32
    %sign3A_39 = arith.subi %sign3A_35, %sign3A_38 : i32
    %sign3A_40 = arith.constant 0 : i32
    %sign3A_41 = arith.cmpi sgt, %jit3A, %sign3A_40 : i32
    %sign3A_42 = arith.extui %sign3A_41 : i1 to i32
    %sign3A_43 = arith.constant 0 : i32
    %sign3A_44 = arith.cmpi slt, %jit3A, %sign3A_43 : i32
    %sign3A_45 = arith.extui %sign3A_44 : i1 to i32
    %sign3A_46 = arith.subi %sign3A_42, %sign3A_45 : i32
    %ne3A = arith.cmpi ne, %sign3A_39, %sign3A_46 : i32
    %rem3A = arith.remsi %select_n3A_3, %jit3A : i32
    %ne3A_47 = arith.constant 0 : i32
    %ne3A_48 = arith.cmpi ne, %rem3A, %ne3A_47 : i32
    %and3A = arith.andi %ne3A, %ne3A_48 : i1
    %sub3A = arith.constant 1 : i32
    %sub3A_49 = arith.subi %div3A, %sub3A : i32
    %select_n3A_50 = arith.select %and3A, %sub3A_49, %div3A : i32
    %sub3A_51 = arith.constant 1 : i32
    %sub3A_52 = arith.subi %select_n3A_50, %sub3A_51 : i32
    %while3A = arith.constant 0 : i32
    %while3A_53 = arith.constant 1 : i32
    %while3A_54 = arith.constant 0 : i32
    %while3A_55 = arith.subi %sub3A_52, %while3A_54 : i32
    %while3A_56 = arith.addi %while3A_54, %while3A_55 : i32
    %while3A_57 = arith.constant 1 : i32
    %while3A_58 = arith.divsi %while3A_55, %while3A_57 : i32
    %while3A_59 = arith.muli %while3A_58, %while3A_57 : i32
    %while3A_60 = arith.addi %while3A_54, %while3A_59 : i32
    %while3A_61 = arith.constant 1 : i32
    scf.for %while3A_94 = %while3A_54 to %while3A_60 step %while3A_61  : i32 {
      %mul3A_95 = arith.constant 2 : i32
      %mul3A_96 = arith.muli %mul3A_95, %while3A_94 : i32
      %dma_wait3A_97 = arith.constant 0 : i32
      %dma_wait3A_98 = arith.constant 0 : i32
      %dma_wait3A_99 = tpu.memref_slice %arg9[%while3A, %dma_wait3A_97, %dma_wait3A_98] : memref<2x128x16xf32, #tpu.memory_space<vmem>> -> memref<1x128x16xf32, #tpu.memory_space<vmem>>
      %dma_wait3A_100 = tpu.memref_squeeze %dma_wait3A_99 : memref<1x128x16xf32, #tpu.memory_space<vmem>> -> memref<128x16xf32, #tpu.memory_space<vmem>>
      %dma_wait3A_101 = arith.constant 0 : i32
      %dma_wait3A_102 = tpu.memref_slice %arg7[%mul3A_96, %dma_wait3A_101] : memref<80x128xi32, #tpu.memory_space<vmem>> -> memref<1x128xi32, #tpu.memory_space<vmem>>
      %dma_wait3A_103 = tpu.memref_squeeze %dma_wait3A_102 : memref<1x128xi32, #tpu.memory_space<vmem>> -> memref<128xi32, #tpu.memory_space<vmem>>
      %dma_wait3A_104 = arith.constant 0 : i32
      %dma_wait3A_105 = arith.constant 0 : i32
      %dma_wait3A_106 = tpu.memref_slice %arg2[%dma_wait3A_104, %dma_wait3A_105] : memref<10000x16xf32, #tpu.memory_space<hbm>> -> memref<10000x16xf32, #tpu.memory_space<hbm>>
      tpu.wait_indirect_dma semaphore(%arg11 : memref<!tpu.dma_semaphore, #tpu.memory_space<semaphore_mem>>) src(%dma_wait3A_106 : memref<10000x16xf32, #tpu.memory_space<hbm>>) dst(%dma_wait3A_100 : memref<128x16xf32, #tpu.memory_space<vmem>>)
      %mul3A_107 = arith.constant 2 : i32
      %mul3A_108 = arith.muli %mul3A_107, %while3A_94 : i32
      "tpu.region"() ({
        %run_scoped3A_155 = tpu.sem_alloc : memref<!tpu.dma_semaphore, #tpu.memory_space<semaphore_mem>>
        %dma_start3A_156 = arith.constant 0 : i32
        %dma_start3A_157 = arith.constant 0 : i32
        %dma_start3A_158 = tpu.memref_slice %arg9[%while3A, %dma_start3A_156, %dma_start3A_157] : memref<2x128x16xf32, #tpu.memory_space<vmem>> -> memref<1x128x16xf32, #tpu.memory_space<vmem>>
        %dma_start3A_159 = tpu.memref_squeeze %dma_start3A_158 : memref<1x128x16xf32, #tpu.memory_space<vmem>> -> memref<128x16xf32, #tpu.memory_space<vmem>>
        %dma_start3A_160 = arith.constant 0 : i32
        %dma_start3A_161 = tpu.memref_slice %arg8[%mul3A_108, %dma_start3A_160] : memref<80x128xi32, #tpu.memory_space<vmem>> -> memref<1x128xi32, #tpu.memory_space<vmem>>
        %dma_start3A_162 = tpu.memref_squeeze %dma_start3A_161 : memref<1x128xi32, #tpu.memory_space<vmem>> -> memref<128xi32, #tpu.memory_space<vmem>>
        %dma_start3A_163 = arith.constant 0 : i32
        %dma_start3A_164 = arith.constant 0 : i32
        %dma_start3A_165 = tpu.memref_slice %arg10[%dma_start3A_163, %dma_start3A_164] : memref<10112x16xf32, #tpu.memory_space<vmem_shared>> -> memref<10112x16xf32, #tpu.memory_space<vmem_shared>>
        tpu.enqueue_indirect_dma source(%dma_start3A_159 : memref<128x16xf32, #tpu.memory_space<vmem>>) target(%dma_start3A_165 : memref<10112x16xf32, #tpu.memory_space<vmem_shared>>) offsets(%dma_start3A_162 : memref<128xi32, #tpu.memory_space<vmem>>) semaphore(%run_scoped3A_155 : memref<!tpu.dma_semaphore, #tpu.memory_space<semaphore_mem>>) {add = true}
        %dma_wait3A_166 = arith.constant 0 : i32
        %dma_wait3A_167 = arith.constant 0 : i32
        %dma_wait3A_168 = tpu.memref_slice %arg9[%while3A, %dma_wait3A_166, %dma_wait3A_167] : memref<2x128x16xf32, #tpu.memory_space<vmem>> -> memref<1x128x16xf32, #tpu.memory_space<vmem>>
        %dma_wait3A_169 = tpu.memref_squeeze %dma_wait3A_168 : memref<1x128x16xf32, #tpu.memory_space<vmem>> -> memref<128x16xf32, #tpu.memory_space<vmem>>
        %dma_wait3A_170 = arith.constant 0 : i32
        %dma_wait3A_171 = tpu.memref_slice %arg8[%mul3A_108, %dma_wait3A_170] : memref<80x128xi32, #tpu.memory_space<vmem>> -> memref<1x128xi32, #tpu.memory_space<vmem>>
        %dma_wait3A_172 = tpu.memref_squeeze %dma_wait3A_171 : memref<1x128xi32, #tpu.memory_space<vmem>> -> memref<128xi32, #tpu.memory_space<vmem>>
        %dma_wait3A_173 = arith.constant 0 : i32
        %dma_wait3A_174 = arith.constant 0 : i32
        %dma_wait3A_175 = tpu.memref_slice %arg10[%dma_wait3A_173, %dma_wait3A_174] : memref<10112x16xf32, #tpu.memory_space<vmem_shared>> -> memref<10112x16xf32, #tpu.memory_space<vmem_shared>>
        tpu.wait_indirect_dma semaphore(%run_scoped3A_155 : memref<!tpu.dma_semaphore, #tpu.memory_space<semaphore_mem>>) src(%dma_wait3A_169 : memref<128x16xf32, #tpu.memory_space<vmem>>) dst(%dma_wait3A_175 : memref<10112x16xf32, #tpu.memory_space<vmem_shared>>)
        tpu.yield
      }) : () -> ()
      %mul3A_109 = arith.constant 2 : i32
      %mul3A_110 = arith.muli %mul3A_109, %while3A_94 : i32
      %add3A_111 = arith.constant 2 : i32
      %add3A_112 = arith.addi %mul3A_110, %add3A_111 : i32
      %dma_start3A_113 = arith.constant 0 : i32
      %dma_start3A_114 = arith.constant 0 : i32
      %dma_start3A_115 = tpu.memref_slice %arg9[%while3A, %dma_start3A_113, %dma_start3A_114] : memref<2x128x16xf32, #tpu.memory_space<vmem>> -> memref<1x128x16xf32, #tpu.memory_space<vmem>>
      %dma_start3A_116 = tpu.memref_squeeze %dma_start3A_115 : memref<1x128x16xf32, #tpu.memory_space<vmem>> -> memref<128x16xf32, #tpu.memory_space<vmem>>
      %dma_start3A_117 = arith.constant 0 : i32
      %dma_start3A_118 = tpu.memref_slice %arg7[%add3A_112, %dma_start3A_117] : memref<80x128xi32, #tpu.memory_space<vmem>> -> memref<1x128xi32, #tpu.memory_space<vmem>>
      %dma_start3A_119 = tpu.memref_squeeze %dma_start3A_118 : memref<1x128xi32, #tpu.memory_space<vmem>> -> memref<128xi32, #tpu.memory_space<vmem>>
      %dma_start3A_120 = arith.constant 0 : i32
      %dma_start3A_121 = arith.constant 0 : i32
      %dma_start3A_122 = tpu.memref_slice %arg2[%dma_start3A_120, %dma_start3A_121] : memref<10000x16xf32, #tpu.memory_space<hbm>> -> memref<10000x16xf32, #tpu.memory_space<hbm>>
      tpu.enqueue_indirect_dma source(%dma_start3A_122 : memref<10000x16xf32, #tpu.memory_space<hbm>>) target(%dma_start3A_116 : memref<128x16xf32, #tpu.memory_space<vmem>>) offsets(%dma_start3A_119 : memref<128xi32, #tpu.memory_space<vmem>>) semaphore(%arg11 : memref<!tpu.dma_semaphore, #tpu.memory_space<semaphore_mem>>)
      %mul3A_123 = arith.constant 2 : i32
      %mul3A_124 = arith.muli %mul3A_123, %while3A_94 : i32
      %add3A_125 = arith.constant 1 : i32
      %add3A_126 = arith.addi %mul3A_124, %add3A_125 : i32
      %dma_wait3A_127 = arith.constant 0 : i32
      %dma_wait3A_128 = arith.constant 0 : i32
      %dma_wait3A_129 = tpu.memref_slice %arg9[%while3A_53, %dma_wait3A_127, %dma_wait3A_128] : memref<2x128x16xf32, #tpu.memory_space<vmem>> -> memref<1x128x16xf32, #tpu.memory_space<vmem>>
      %dma_wait3A_130 = tpu.memref_squeeze %dma_wait3A_129 : memref<1x128x16xf32, #tpu.memory_space<vmem>> -> memref<128x16xf32, #tpu.memory_space<vmem>>
      %dma_wait3A_131 = arith.constant 0 : i32
      %dma_wait3A_132 = tpu.memref_slice %arg7[%add3A_126, %dma_wait3A_131] : memref<80x128xi32, #tpu.memory_space<vmem>> -> memref<1x128xi32, #tpu.memory_space<vmem>>
      %dma_wait3A_133 = tpu.memref_squeeze %dma_wait3A_132 : memref<1x128xi32, #tpu.memory_space<vmem>> -> memref<128xi32, #tpu.memory_space<vmem>>
      %dma_wait3A_134 = arith.constant 0 : i32
      %dma_wait3A_135 = arith.constant 0 : i32
      %dma_wait3A_136 = tpu.memref_slice %arg2[%dma_wait3A_134, %dma_wait3A_135] : memref<10000x16xf32, #tpu.memory_space<hbm>> -> memref<10000x16xf32, #tpu.memory_space<hbm>>
      tpu.wait_indirect_dma semaphore(%arg12 : memref<!tpu.dma_semaphore, #tpu.memory_space<semaphore_mem>>) src(%dma_wait3A_136 : memref<10000x16xf32, #tpu.memory_space<hbm>>) dst(%dma_wait3A_130 : memref<128x16xf32, #tpu.memory_space<vmem>>)
      %mul3A_137 = arith.constant 2 : i32
      %mul3A_138 = arith.muli %mul3A_137, %while3A_94 : i32
      %add3A_139 = arith.constant 1 : i32
      %add3A_140 = arith.addi %mul3A_138, %add3A_139 : i32
      "tpu.region"() ({
        %run_scoped3A_155 = tpu.sem_alloc : memref<!tpu.dma_semaphore, #tpu.memory_space<semaphore_mem>>
        %dma_start3A_156 = arith.constant 0 : i32
        %dma_start3A_157 = arith.constant 0 : i32
        %dma_start3A_158 = tpu.memref_slice %arg9[%while3A_53, %dma_start3A_156, %dma_start3A_157] : memref<2x128x16xf32, #tpu.memory_space<vmem>> -> memref<1x128x16xf32, #tpu.memory_space<vmem>>
        %dma_start3A_159 = tpu.memref_squeeze %dma_start3A_158 : memref<1x128x16xf32, #tpu.memory_space<vmem>> -> memref<128x16xf32, #tpu.memory_space<vmem>>
        %dma_start3A_160 = arith.constant 0 : i32
        %dma_start3A_161 = tpu.memref_slice %arg8[%add3A_140, %dma_start3A_160] : memref<80x128xi32, #tpu.memory_space<vmem>> -> memref<1x128xi32, #tpu.memory_space<vmem>>
        %dma_start3A_162 = tpu.memref_squeeze %dma_start3A_161 : memref<1x128xi32, #tpu.memory_space<vmem>> -> memref<128xi32, #tpu.memory_space<vmem>>
        %dma_start3A_163 = arith.constant 0 : i32
        %dma_start3A_164 = arith.constant 0 : i32
        %dma_start3A_165 = tpu.memref_slice %arg10[%dma_start3A_163, %dma_start3A_164] : memref<10112x16xf32, #tpu.memory_space<vmem_shared>> -> memref<10112x16xf32, #tpu.memory_space<vmem_shared>>
        tpu.enqueue_indirect_dma source(%dma_start3A_159 : memref<128x16xf32, #tpu.memory_space<vmem>>) target(%dma_start3A_165 : memref<10112x16xf32, #tpu.memory_space<vmem_shared>>) offsets(%dma_start3A_162 : memref<128xi32, #tpu.memory_space<vmem>>) semaphore(%run_scoped3A_155 : memref<!tpu.dma_semaphore, #tpu.memory_space<semaphore_mem>>) {add = true}
        %dma_wait3A_166 = arith.constant 0 : i32
        %dma_wait3A_167 = arith.constant 0 : i32
        %dma_wait3A_168 = tpu.memref_slice %arg9[%while3A_53, %dma_wait3A_166, %dma_wait3A_167] : memref<2x128x16xf32, #tpu.memory_space<vmem>> -> memref<1x128x16xf32, #tpu.memory_space<vmem>>
        %dma_wait3A_169 = tpu.memref_squeeze %dma_wait3A_168 : memref<1x128x16xf32, #tpu.memory_space<vmem>> -> memref<128x16xf32, #tpu.memory_space<vmem>>
        %dma_wait3A_170 = arith.constant 0 : i32
        %dma_wait3A_171 = tpu.memref_slice %arg8[%add3A_140, %dma_wait3A_170] : memref<80x128xi32, #tpu.memory_space<vmem>> -> memref<1x128xi32, #tpu.memory_space<vmem>>
        %dma_wait3A_172 = tpu.memref_squeeze %dma_wait3A_171 : memref<1x128xi32, #tpu.memory_space<vmem>> -> memref<128xi32, #tpu.memory_space<vmem>>
        %dma_wait3A_173 = arith.constant 0 : i32
        %dma_wait3A_174 = arith.constant 0 : i32
        %dma_wait3A_175 = tpu.memref_slice %arg10[%dma_wait3A_173, %dma_wait3A_174] : memref<10112x16xf32, #tpu.memory_space<vmem_shared>> -> memref<10112x16xf32, #tpu.memory_space<vmem_shared>>
        tpu.wait_indirect_dma semaphore(%run_scoped3A_155 : memref<!tpu.dma_semaphore, #tpu.memory_space<semaphore_mem>>) src(%dma_wait3A_169 : memref<128x16xf32, #tpu.memory_space<vmem>>) dst(%dma_wait3A_175 : memref<10112x16xf32, #tpu.memory_space<vmem_shared>>)
        tpu.yield
      }) : () -> ()
      %mul3A_141 = arith.constant 2 : i32
      %mul3A_142 = arith.muli %mul3A_141, %while3A_94 : i32
      %add3A_143 = arith.constant 3 : i32
      %add3A_144 = arith.addi %mul3A_142, %add3A_143 : i32
      %dma_start3A_145 = arith.constant 0 : i32
      %dma_start3A_146 = arith.constant 0 : i32
      %dma_start3A_147 = tpu.memref_slice %arg9[%while3A_53, %dma_start3A_145, %dma_start3A_146] : memref<2x128x16xf32, #tpu.memory_space<vmem>> -> memref<1x128x16xf32, #tpu.memory_space<vmem>>
      %dma_start3A_148 = tpu.memref_squeeze %dma_start3A_147 : memref<1x128x16xf32, #tpu.memory_space<vmem>> -> memref<128x16xf32, #tpu.memory_space<vmem>>
      %dma_start3A_149 = arith.constant 0 : i32
      %dma_start3A_150 = tpu.memref_slice %arg7[%add3A_144, %dma_start3A_149] : memref<80x128xi32, #tpu.memory_space<vmem>> -> memref<1x128xi32, #tpu.memory_space<vmem>>
      %dma_start3A_151 = tpu.memref_squeeze %dma_start3A_150 : memref<1x128xi32, #tpu.memory_space<vmem>> -> memref<128xi32, #tpu.memory_space<vmem>>
      %dma_start3A_152 = arith.constant 0 : i32
      %dma_start3A_153 = arith.constant 0 : i32
      %dma_start3A_154 = tpu.memref_slice %arg2[%dma_start3A_152, %dma_start3A_153] : memref<10000x16xf32, #tpu.memory_space<hbm>> -> memref<10000x16xf32, #tpu.memory_space<hbm>>
      tpu.enqueue_indirect_dma source(%dma_start3A_154 : memref<10000x16xf32, #tpu.memory_space<hbm>>) target(%dma_start3A_148 : memref<128x16xf32, #tpu.memory_space<vmem>>) offsets(%dma_start3A_151 : memref<128xi32, #tpu.memory_space<vmem>>) semaphore(%arg12 : memref<!tpu.dma_semaphore, #tpu.memory_space<semaphore_mem>>)
    }
    %while3A_62 = arith.constant 1 : i32
    scf.for %while3A_94 = %while3A_60 to %while3A_56 step %while3A_62  : i32 {
      %mul3A_95 = arith.constant 2 : i32
      %mul3A_96 = arith.muli %mul3A_95, %while3A_94 : i32
      %dma_wait3A_97 = arith.constant 0 : i32
      %dma_wait3A_98 = arith.constant 0 : i32
      %dma_wait3A_99 = tpu.memref_slice %arg9[%while3A, %dma_wait3A_97, %dma_wait3A_98] : memref<2x128x16xf32, #tpu.memory_space<vmem>> -> memref<1x128x16xf32, #tpu.memory_space<vmem>>
      %dma_wait3A_100 = tpu.memref_squeeze %dma_wait3A_99 : memref<1x128x16xf32, #tpu.memory_space<vmem>> -> memref<128x16xf32, #tpu.memory_space<vmem>>
      %dma_wait3A_101 = arith.constant 0 : i32
      %dma_wait3A_102 = tpu.memref_slice %arg7[%mul3A_96, %dma_wait3A_101] : memref<80x128xi32, #tpu.memory_space<vmem>> -> memref<1x128xi32, #tpu.memory_space<vmem>>
      %dma_wait3A_103 = tpu.memref_squeeze %dma_wait3A_102 : memref<1x128xi32, #tpu.memory_space<vmem>> -> memref<128xi32, #tpu.memory_space<vmem>>
      %dma_wait3A_104 = arith.constant 0 : i32
      %dma_wait3A_105 = arith.constant 0 : i32
      %dma_wait3A_106 = tpu.memref_slice %arg2[%dma_wait3A_104, %dma_wait3A_105] : memref<10000x16xf32, #tpu.memory_space<hbm>> -> memref<10000x16xf32, #tpu.memory_space<hbm>>
      tpu.wait_indirect_dma semaphore(%arg11 : memref<!tpu.dma_semaphore, #tpu.memory_space<semaphore_mem>>) src(%dma_wait3A_106 : memref<10000x16xf32, #tpu.memory_space<hbm>>) dst(%dma_wait3A_100 : memref<128x16xf32, #tpu.memory_space<vmem>>)
      %mul3A_107 = arith.constant 2 : i32
      %mul3A_108 = arith.muli %mul3A_107, %while3A_94 : i32
      "tpu.region"() ({
        %run_scoped3A_155 = tpu.sem_alloc : memref<!tpu.dma_semaphore, #tpu.memory_space<semaphore_mem>>
        %dma_start3A_156 = arith.constant 0 : i32
        %dma_start3A_157 = arith.constant 0 : i32
        %dma_start3A_158 = tpu.memref_slice %arg9[%while3A, %dma_start3A_156, %dma_start3A_157] : memref<2x128x16xf32, #tpu.memory_space<vmem>> -> memref<1x128x16xf32, #tpu.memory_space<vmem>>
        %dma_start3A_159 = tpu.memref_squeeze %dma_start3A_158 : memref<1x128x16xf32, #tpu.memory_space<vmem>> -> memref<128x16xf32, #tpu.memory_space<vmem>>
        %dma_start3A_160 = arith.constant 0 : i32
        %dma_start3A_161 = tpu.memref_slice %arg8[%mul3A_108, %dma_start3A_160] : memref<80x128xi32, #tpu.memory_space<vmem>> -> memref<1x128xi32, #tpu.memory_space<vmem>>
        %dma_start3A_162 = tpu.memref_squeeze %dma_start3A_161 : memref<1x128xi32, #tpu.memory_space<vmem>> -> memref<128xi32, #tpu.memory_space<vmem>>
        %dma_start3A_163 = arith.constant 0 : i32
        %dma_start3A_164 = arith.constant 0 : i32
        %dma_start3A_165 = tpu.memref_slice %arg10[%dma_start3A_163, %dma_start3A_164] : memref<10112x16xf32, #tpu.memory_space<vmem_shared>> -> memref<10112x16xf32, #tpu.memory_space<vmem_shared>>
        tpu.enqueue_indirect_dma source(%dma_start3A_159 : memref<128x16xf32, #tpu.memory_space<vmem>>) target(%dma_start3A_165 : memref<10112x16xf32, #tpu.memory_space<vmem_shared>>) offsets(%dma_start3A_162 : memref<128xi32, #tpu.memory_space<vmem>>) semaphore(%run_scoped3A_155 : memref<!tpu.dma_semaphore, #tpu.memory_space<semaphore_mem>>) {add = true}
        %dma_wait3A_166 = arith.constant 0 : i32
        %dma_wait3A_167 = arith.constant 0 : i32
        %dma_wait3A_168 = tpu.memref_slice %arg9[%while3A, %dma_wait3A_166, %dma_wait3A_167] : memref<2x128x16xf32, #tpu.memory_space<vmem>> -> memref<1x128x16xf32, #tpu.memory_space<vmem>>
        %dma_wait3A_169 = tpu.memref_squeeze %dma_wait3A_168 : memref<1x128x16xf32, #tpu.memory_space<vmem>> -> memref<128x16xf32, #tpu.memory_space<vmem>>
        %dma_wait3A_170 = arith.constant 0 : i32
        %dma_wait3A_171 = tpu.memref_slice %arg8[%mul3A_108, %dma_wait3A_170] : memref<80x128xi32, #tpu.memory_space<vmem>> -> memref<1x128xi32, #tpu.memory_space<vmem>>
        %dma_wait3A_172 = tpu.memref_squeeze %dma_wait3A_171 : memref<1x128xi32, #tpu.memory_space<vmem>> -> memref<128xi32, #tpu.memory_space<vmem>>
        %dma_wait3A_173 = arith.constant 0 : i32
        %dma_wait3A_174 = arith.constant 0 : i32
        %dma_wait3A_175 = tpu.memref_slice %arg10[%dma_wait3A_173, %dma_wait3A_174] : memref<10112x16xf32, #tpu.memory_space<vmem_shared>> -> memref<10112x16xf32, #tpu.memory_space<vmem_shared>>
        tpu.wait_indirect_dma semaphore(%run_scoped3A_155 : memref<!tpu.dma_semaphore, #tpu.memory_space<semaphore_mem>>) src(%dma_wait3A_169 : memref<128x16xf32, #tpu.memory_space<vmem>>) dst(%dma_wait3A_175 : memref<10112x16xf32, #tpu.memory_space<vmem_shared>>)
        tpu.yield
      }) : () -> ()
      %mul3A_109 = arith.constant 2 : i32
      %mul3A_110 = arith.muli %mul3A_109, %while3A_94 : i32
      %add3A_111 = arith.constant 2 : i32
      %add3A_112 = arith.addi %mul3A_110, %add3A_111 : i32
      %dma_start3A_113 = arith.constant 0 : i32
      %dma_start3A_114 = arith.constant 0 : i32
      %dma_start3A_115 = tpu.memref_slice %arg9[%while3A, %dma_start3A_113, %dma_start3A_114] : memref<2x128x16xf32, #tpu.memory_space<vmem>> -> memref<1x128x16xf32, #tpu.memory_space<vmem>>
      %dma_start3A_116 = tpu.memref_squeeze %dma_start3A_115 : memref<1x128x16xf32, #tpu.memory_space<vmem>> -> memref<128x16xf32, #tpu.memory_space<vmem>>
      %dma_start3A_117 = arith.constant 0 : i32
      %dma_start3A_118 = tpu.memref_slice %arg7[%add3A_112, %dma_start3A_117] : memref<80x128xi32, #tpu.memory_space<vmem>> -> memref<1x128xi32, #tpu.memory_space<vmem>>
      %dma_start3A_119 = tpu.memref_squeeze %dma_start3A_118 : memref<1x128xi32, #tpu.memory_space<vmem>> -> memref<128xi32, #tpu.memory_space<vmem>>
      %dma_start3A_120 = arith.constant 0 : i32
      %dma_start3A_121 = arith.constant 0 : i32
      %dma_start3A_122 = tpu.memref_slice %arg2[%dma_start3A_120, %dma_start3A_121] : memref<10000x16xf32, #tpu.memory_space<hbm>> -> memref<10000x16xf32, #tpu.memory_space<hbm>>
      tpu.enqueue_indirect_dma source(%dma_start3A_122 : memref<10000x16xf32, #tpu.memory_space<hbm>>) target(%dma_start3A_116 : memref<128x16xf32, #tpu.memory_space<vmem>>) offsets(%dma_start3A_119 : memref<128xi32, #tpu.memory_space<vmem>>) semaphore(%arg11 : memref<!tpu.dma_semaphore, #tpu.memory_space<semaphore_mem>>)
      %mul3A_123 = arith.constant 2 : i32
      %mul3A_124 = arith.muli %mul3A_123, %while3A_94 : i32
      %add3A_125 = arith.constant 1 : i32
      %add3A_126 = arith.addi %mul3A_124, %add3A_125 : i32
      %dma_wait3A_127 = arith.constant 0 : i32
      %dma_wait3A_128 = arith.constant 0 : i32
      %dma_wait3A_129 = tpu.memref_slice %arg9[%while3A_53, %dma_wait3A_127, %dma_wait3A_128] : memref<2x128x16xf32, #tpu.memory_space<vmem>> -> memref<1x128x16xf32, #tpu.memory_space<vmem>>
      %dma_wait3A_130 = tpu.memref_squeeze %dma_wait3A_129 : memref<1x128x16xf32, #tpu.memory_space<vmem>> -> memref<128x16xf32, #tpu.memory_space<vmem>>
      %dma_wait3A_131 = arith.constant 0 : i32
      %dma_wait3A_132 = tpu.memref_slice %arg7[%add3A_126, %dma_wait3A_131] : memref<80x128xi32, #tpu.memory_space<vmem>> -> memref<1x128xi32, #tpu.memory_space<vmem>>
      %dma_wait3A_133 = tpu.memref_squeeze %dma_wait3A_132 : memref<1x128xi32, #tpu.memory_space<vmem>> -> memref<128xi32, #tpu.memory_space<vmem>>
      %dma_wait3A_134 = arith.constant 0 : i32
      %dma_wait3A_135 = arith.constant 0 : i32
      %dma_wait3A_136 = tpu.memref_slice %arg2[%dma_wait3A_134, %dma_wait3A_135] : memref<10000x16xf32, #tpu.memory_space<hbm>> -> memref<10000x16xf32, #tpu.memory_space<hbm>>
      tpu.wait_indirect_dma semaphore(%arg12 : memref<!tpu.dma_semaphore, #tpu.memory_space<semaphore_mem>>) src(%dma_wait3A_136 : memref<10000x16xf32, #tpu.memory_space<hbm>>) dst(%dma_wait3A_130 : memref<128x16xf32, #tpu.memory_space<vmem>>)
      %mul3A_137 = arith.constant 2 : i32
      %mul3A_138 = arith.muli %mul3A_137, %while3A_94 : i32
      %add3A_139 = arith.constant 1 : i32
      %add3A_140 = arith.addi %mul3A_138, %add3A_139 : i32
      "tpu.region"() ({
        %run_scoped3A_155 = tpu.sem_alloc : memref<!tpu.dma_semaphore, #tpu.memory_space<semaphore_mem>>
        %dma_start3A_156 = arith.constant 0 : i32
        %dma_start3A_157 = arith.constant 0 : i32
        %dma_start3A_158 = tpu.memref_slice %arg9[%while3A_53, %dma_start3A_156, %dma_start3A_157] : memref<2x128x16xf32, #tpu.memory_space<vmem>> -> memref<1x128x16xf32, #tpu.memory_space<vmem>>
        %dma_start3A_159 = tpu.memref_squeeze %dma_start3A_158 : memref<1x128x16xf32, #tpu.memory_space<vmem>> -> memref<128x16xf32, #tpu.memory_space<vmem>>
        %dma_start3A_160 = arith.constant 0 : i32
        %dma_start3A_161 = tpu.memref_slice %arg8[%add3A_140, %dma_start3A_160] : memref<80x128xi32, #tpu.memory_space<vmem>> -> memref<1x128xi32, #tpu.memory_space<vmem>>
        %dma_start3A_162 = tpu.memref_squeeze %dma_start3A_161 : memref<1x128xi32, #tpu.memory_space<vmem>> -> memref<128xi32, #tpu.memory_space<vmem>>
        %dma_start3A_163 = arith.constant 0 : i32
        %dma_start3A_164 = arith.constant 0 : i32
        %dma_start3A_165 = tpu.memref_slice %arg10[%dma_start3A_163, %dma_start3A_164] : memref<10112x16xf32, #tpu.memory_space<vmem_shared>> -> memref<10112x16xf32, #tpu.memory_space<vmem_shared>>
        tpu.enqueue_indirect_dma source(%dma_start3A_159 : memref<128x16xf32, #tpu.memory_space<vmem>>) target(%dma_start3A_165 : memref<10112x16xf32, #tpu.memory_space<vmem_shared>>) offsets(%dma_start3A_162 : memref<128xi32, #tpu.memory_space<vmem>>) semaphore(%run_scoped3A_155 : memref<!tpu.dma_semaphore, #tpu.memory_space<semaphore_mem>>) {add = true}
        %dma_wait3A_166 = arith.constant 0 : i32
        %dma_wait3A_167 = arith.constant 0 : i32
        %dma_wait3A_168 = tpu.memref_slice %arg9[%while3A_53, %dma_wait3A_166, %dma_wait3A_167] : memref<2x128x16xf32, #tpu.memory_space<vmem>> -> memref<1x128x16xf32, #tpu.memory_space<vmem>>
        %dma_wait3A_169 = tpu.memref_squeeze %dma_wait3A_168 : memref<1x128x16xf32, #tpu.memory_space<vmem>> -> memref<128x16xf32, #tpu.memory_space<vmem>>
        %dma_wait3A_170 = arith.constant 0 : i32
        %dma_wait3A_171 = tpu.memref_slice %arg8[%add3A_140, %dma_wait3A_170] : memref<80x128xi32, #tpu.memory_space<vmem>> -> memref<1x128xi32, #tpu.memory_space<vmem>>
        %dma_wait3A_172 = tpu.memref_squeeze %dma_wait3A_171 : memref<1x128xi32, #tpu.memory_space<vmem>> -> memref<128xi32, #tpu.memory_space<vmem>>
        %dma_wait3A_173 = arith.constant 0 : i32
        %dma_wait3A_174 = arith.constant 0 : i32
        %dma_wait3A_175 = tpu.memref_slice %arg10[%dma_wait3A_173, %dma_wait3A_174] : memref<10112x16xf32, #tpu.memory_space<vmem_shared>> -> memref<10112x16xf32, #tpu.memory_space<vmem_shared>>
        tpu.wait_indirect_dma semaphore(%run_scoped3A_155 : memref<!tpu.dma_semaphore, #tpu.memory_space<semaphore_mem>>) src(%dma_wait3A_169 : memref<128x16xf32, #tpu.memory_space<vmem>>) dst(%dma_wait3A_175 : memref<10112x16xf32, #tpu.memory_space<vmem_shared>>)
        tpu.yield
      }) : () -> ()
      %mul3A_141 = arith.constant 2 : i32
      %mul3A_142 = arith.muli %mul3A_141, %while3A_94 : i32
      %add3A_143 = arith.constant 3 : i32
      %add3A_144 = arith.addi %mul3A_142, %add3A_143 : i32
      %dma_start3A_145 = arith.constant 0 : i32
      %dma_start3A_146 = arith.constant 0 : i32
      %dma_start3A_147 = tpu.memref_slice %arg9[%while3A_53, %dma_start3A_145, %dma_start3A_146] : memref<2x128x16xf32, #tpu.memory_space<vmem>> -> memref<1x128x16xf32, #tpu.memory_space<vmem>>
      %dma_start3A_148 = tpu.memref_squeeze %dma_start3A_147 : memref<1x128x16xf32, #tpu.memory_space<vmem>> -> memref<128x16xf32, #tpu.memory_space<vmem>>
      %dma_start3A_149 = arith.constant 0 : i32
      %dma_start3A_150 = tpu.memref_slice %arg7[%add3A_144, %dma_start3A_149] : memref<80x128xi32, #tpu.memory_space<vmem>> -> memref<1x128xi32, #tpu.memory_space<vmem>>
      %dma_start3A_151 = tpu.memref_squeeze %dma_start3A_150 : memref<1x128xi32, #tpu.memory_space<vmem>> -> memref<128xi32, #tpu.memory_space<vmem>>
      %dma_start3A_152 = arith.constant 0 : i32
      %dma_start3A_153 = arith.constant 0 : i32
      %dma_start3A_154 = tpu.memref_slice %arg2[%dma_start3A_152, %dma_start3A_153] : memref<10000x16xf32, #tpu.memory_space<hbm>> -> memref<10000x16xf32, #tpu.memory_space<hbm>>
      tpu.enqueue_indirect_dma source(%dma_start3A_154 : memref<10000x16xf32, #tpu.memory_space<hbm>>) target(%dma_start3A_148 : memref<128x16xf32, #tpu.memory_space<vmem>>) offsets(%dma_start3A_151 : memref<128xi32, #tpu.memory_space<vmem>>) semaphore(%arg12 : memref<!tpu.dma_semaphore, #tpu.memory_space<semaphore_mem>>)
    }
    %sub3A_63 = arith.constant 2 : i32
    %sub3A_64 = arith.subi %select_n3A_3, %sub3A_63 : i32
    %dma_wait3A = arith.constant 0 : i32
    %dma_wait3A_65 = arith.constant 0 : i32
    %dma_wait3A_66 = arith.constant 0 : i32
    %dma_wait3A_67 = tpu.memref_slice %arg9[%dma_wait3A, %dma_wait3A_65, %dma_wait3A_66] : memref<2x128x16xf32, #tpu.memory_space<vmem>> -> memref<1x128x16xf32, #tpu.memory_space<vmem>>
    %dma_wait3A_68 = tpu.memref_squeeze %dma_wait3A_67 : memref<1x128x16xf32, #tpu.memory_space<vmem>> -> memref<128x16xf32, #tpu.memory_space<vmem>>
    %dma_wait3A_69 = arith.constant 0 : i32
    %dma_wait3A_70 = tpu.memref_slice %arg7[%sub3A_64, %dma_wait3A_69] : memref<80x128xi32, #tpu.memory_space<vmem>> -> memref<1x128xi32, #tpu.memory_space<vmem>>
    %dma_wait3A_71 = tpu.memref_squeeze %dma_wait3A_70 : memref<1x128xi32, #tpu.memory_space<vmem>> -> memref<128xi32, #tpu.memory_space<vmem>>
    %dma_wait3A_72 = arith.constant 0 : i32
    %dma_wait3A_73 = arith.constant 0 : i32
    %dma_wait3A_74 = tpu.memref_slice %arg2[%dma_wait3A_72, %dma_wait3A_73] : memref<10000x16xf32, #tpu.memory_space<hbm>> -> memref<10000x16xf32, #tpu.memory_space<hbm>>
    tpu.wait_indirect_dma semaphore(%arg11 : memref<!tpu.dma_semaphore, #tpu.memory_space<semaphore_mem>>) src(%dma_wait3A_74 : memref<10000x16xf32, #tpu.memory_space<hbm>>) dst(%dma_wait3A_68 : memref<128x16xf32, #tpu.memory_space<vmem>>)
    %sub3A_75 = arith.constant 2 : i32
    %sub3A_76 = arith.subi %select_n3A_3, %sub3A_75 : i32
    %run_scoped3A = arith.constant 0 : i32
    "tpu.region"() ({
      %run_scoped3A_94 = tpu.sem_alloc : memref<!tpu.dma_semaphore, #tpu.memory_space<semaphore_mem>>
      %dma_start3A_95 = arith.constant 0 : i32
      %dma_start3A_96 = arith.constant 0 : i32
      %dma_start3A_97 = tpu.memref_slice %arg9[%run_scoped3A, %dma_start3A_95, %dma_start3A_96] : memref<2x128x16xf32, #tpu.memory_space<vmem>> -> memref<1x128x16xf32, #tpu.memory_space<vmem>>
      %dma_start3A_98 = tpu.memref_squeeze %dma_start3A_97 : memref<1x128x16xf32, #tpu.memory_space<vmem>> -> memref<128x16xf32, #tpu.memory_space<vmem>>
      %dma_start3A_99 = arith.constant 0 : i32
      %dma_start3A_100 = tpu.memref_slice %arg8[%sub3A_76, %dma_start3A_99] : memref<80x128xi32, #tpu.memory_space<vmem>> -> memref<1x128xi32, #tpu.memory_space<vmem>>
      %dma_start3A_101 = tpu.memref_squeeze %dma_start3A_100 : memref<1x128xi32, #tpu.memory_space<vmem>> -> memref<128xi32, #tpu.memory_space<vmem>>
      %dma_start3A_102 = arith.constant 0 : i32
      %dma_start3A_103 = arith.constant 0 : i32
      %dma_start3A_104 = tpu.memref_slice %arg10[%dma_start3A_102, %dma_start3A_103] : memref<10112x16xf32, #tpu.memory_space<vmem_shared>> -> memref<10112x16xf32, #tpu.memory_space<vmem_shared>>
      tpu.enqueue_indirect_dma source(%dma_start3A_98 : memref<128x16xf32, #tpu.memory_space<vmem>>) target(%dma_start3A_104 : memref<10112x16xf32, #tpu.memory_space<vmem_shared>>) offsets(%dma_start3A_101 : memref<128xi32, #tpu.memory_space<vmem>>) semaphore(%run_scoped3A_94 : memref<!tpu.dma_semaphore, #tpu.memory_space<semaphore_mem>>) {add = true}
      %dma_wait3A_105 = arith.constant 0 : i32
      %dma_wait3A_106 = arith.constant 0 : i32
      %dma_wait3A_107 = tpu.memref_slice %arg9[%run_scoped3A, %dma_wait3A_105, %dma_wait3A_106] : memref<2x128x16xf32, #tpu.memory_space<vmem>> -> memref<1x128x16xf32, #tpu.memory_space<vmem>>
      %dma_wait3A_108 = tpu.memref_squeeze %dma_wait3A_107 : memref<1x128x16xf32, #tpu.memory_space<vmem>> -> memref<128x16xf32, #tpu.memory_space<vmem>>
      %dma_wait3A_109 = arith.constant 0 : i32
      %dma_wait3A_110 = tpu.memref_slice %arg8[%sub3A_76, %dma_wait3A_109] : memref<80x128xi32, #tpu.memory_space<vmem>> -> memref<1x128xi32, #tpu.memory_space<vmem>>
      %dma_wait3A_111 = tpu.memref_squeeze %dma_wait3A_110 : memref<1x128xi32, #tpu.memory_space<vmem>> -> memref<128xi32, #tpu.memory_space<vmem>>
      %dma_wait3A_112 = arith.constant 0 : i32
      %dma_wait3A_113 = arith.constant 0 : i32
      %dma_wait3A_114 = tpu.memref_slice %arg10[%dma_wait3A_112, %dma_wait3A_113] : memref<10112x16xf32, #tpu.memory_space<vmem_shared>> -> memref<10112x16xf32, #tpu.memory_space<vmem_shared>>
      tpu.wait_indirect_dma semaphore(%run_scoped3A_94 : memref<!tpu.dma_semaphore, #tpu.memory_space<semaphore_mem>>) src(%dma_wait3A_108 : memref<128x16xf32, #tpu.memory_space<vmem>>) dst(%dma_wait3A_114 : memref<10112x16xf32, #tpu.memory_space<vmem_shared>>)
      tpu.yield
    }) : () -> ()
    %sub3A_77 = arith.constant 1 : i32
    %sub3A_78 = arith.subi %select_n3A_3, %sub3A_77 : i32
    %dma_wait3A_79 = arith.constant 1 : i32
    %dma_wait3A_80 = arith.constant 0 : i32
    %dma_wait3A_81 = arith.constant 0 : i32
    %dma_wait3A_82 = tpu.memref_slice %arg9[%dma_wait3A_79, %dma_wait3A_80, %dma_wait3A_81] : memref<2x128x16xf32, #tpu.memory_space<vmem>> -> memref<1x128x16xf32, #tpu.memory_space<vmem>>
    %dma_wait3A_83 = tpu.memref_squeeze %dma_wait3A_82 : memref<1x128x16xf32, #tpu.memory_space<vmem>> -> memref<128x16xf32, #tpu.memory_space<vmem>>
    %dma_wait3A_84 = arith.constant 0 : i32
    %dma_wait3A_85 = tpu.memref_slice %arg7[%sub3A_78, %dma_wait3A_84] : memref<80x128xi32, #tpu.memory_space<vmem>> -> memref<1x128xi32, #tpu.memory_space<vmem>>
    %dma_wait3A_86 = tpu.memref_squeeze %dma_wait3A_85 : memref<1x128xi32, #tpu.memory_space<vmem>> -> memref<128xi32, #tpu.memory_space<vmem>>
    %dma_wait3A_87 = arith.constant 0 : i32
    %dma_wait3A_88 = arith.constant 0 : i32
    %dma_wait3A_89 = tpu.memref_slice %arg2[%dma_wait3A_87, %dma_wait3A_88] : memref<10000x16xf32, #tpu.memory_space<hbm>> -> memref<10000x16xf32, #tpu.memory_space<hbm>>
    tpu.wait_indirect_dma semaphore(%arg12 : memref<!tpu.dma_semaphore, #tpu.memory_space<semaphore_mem>>) src(%dma_wait3A_89 : memref<10000x16xf32, #tpu.memory_space<hbm>>) dst(%dma_wait3A_83 : memref<128x16xf32, #tpu.memory_space<vmem>>)
    %sub3A_90 = arith.constant 1 : i32
    %sub3A_91 = arith.subi %select_n3A_3, %sub3A_90 : i32
    %run_scoped3A_92 = arith.constant 1 : i32
    "tpu.region"() ({
      %run_scoped3A_94 = tpu.sem_alloc : memref<!tpu.dma_semaphore, #tpu.memory_space<semaphore_mem>>
      %dma_start3A_95 = arith.constant 0 : i32
      %dma_start3A_96 = arith.constant 0 : i32
      %dma_start3A_97 = tpu.memref_slice %arg9[%run_scoped3A_92, %dma_start3A_95, %dma_start3A_96] : memref<2x128x16xf32, #tpu.memory_space<vmem>> -> memref<1x128x16xf32, #tpu.memory_space<vmem>>
      %dma_start3A_98 = tpu.memref_squeeze %dma_start3A_97 : memref<1x128x16xf32, #tpu.memory_space<vmem>> -> memref<128x16xf32, #tpu.memory_space<vmem>>
      %dma_start3A_99 = arith.constant 0 : i32
      %dma_start3A_100 = tpu.memref_slice %arg8[%sub3A_91, %dma_start3A_99] : memref<80x128xi32, #tpu.memory_space<vmem>> -> memref<1x128xi32, #tpu.memory_space<vmem>>
      %dma_start3A_101 = tpu.memref_squeeze %dma_start3A_100 : memref<1x128xi32, #tpu.memory_space<vmem>> -> memref<128xi32, #tpu.memory_space<vmem>>
      %dma_start3A_102 = arith.constant 0 : i32
      %dma_start3A_103 = arith.constant 0 : i32
      %dma_start3A_104 = tpu.memref_slice %arg10[%dma_start3A_102, %dma_start3A_103] : memref<10112x16xf32, #tpu.memory_space<vmem_shared>> -> memref<10112x16xf32, #tpu.memory_space<vmem_shared>>
      tpu.enqueue_indirect_dma source(%dma_start3A_98 : memref<128x16xf32, #tpu.memory_space<vmem>>) target(%dma_start3A_104 : memref<10112x16xf32, #tpu.memory_space<vmem_shared>>) offsets(%dma_start3A_101 : memref<128xi32, #tpu.memory_space<vmem>>) semaphore(%run_scoped3A_94 : memref<!tpu.dma_semaphore, #tpu.memory_space<semaphore_mem>>) {add = true}
      %dma_wait3A_105 = arith.constant 0 : i32
      %dma_wait3A_106 = arith.constant 0 : i32
      %dma_wait3A_107 = tpu.memref_slice %arg9[%run_scoped3A_92, %dma_wait3A_105, %dma_wait3A_106] : memref<2x128x16xf32, #tpu.memory_space<vmem>> -> memref<1x128x16xf32, #tpu.memory_space<vmem>>
      %dma_wait3A_108 = tpu.memref_squeeze %dma_wait3A_107 : memref<1x128x16xf32, #tpu.memory_space<vmem>> -> memref<128x16xf32, #tpu.memory_space<vmem>>
      %dma_wait3A_109 = arith.constant 0 : i32
      %dma_wait3A_110 = tpu.memref_slice %arg8[%sub3A_91, %dma_wait3A_109] : memref<80x128xi32, #tpu.memory_space<vmem>> -> memref<1x128xi32, #tpu.memory_space<vmem>>
      %dma_wait3A_111 = tpu.memref_squeeze %dma_wait3A_110 : memref<1x128xi32, #tpu.memory_space<vmem>> -> memref<128xi32, #tpu.memory_space<vmem>>
      %dma_wait3A_112 = arith.constant 0 : i32
      %dma_wait3A_113 = arith.constant 0 : i32
      %dma_wait3A_114 = tpu.memref_slice %arg10[%dma_wait3A_112, %dma_wait3A_113] : memref<10112x16xf32, #tpu.memory_space<vmem_shared>> -> memref<10112x16xf32, #tpu.memory_space<vmem_shared>>
      tpu.wait_indirect_dma semaphore(%run_scoped3A_94 : memref<!tpu.dma_semaphore, #tpu.memory_space<semaphore_mem>>) src(%dma_wait3A_108 : memref<128x16xf32, #tpu.memory_space<vmem>>) dst(%dma_wait3A_114 : memref<10112x16xf32, #tpu.memory_space<vmem_shared>>)
      tpu.yield
    }) : () -> ()
    %barrier3A_93 = arith.constant 0 : index
    tpu.barrier barrier_id(%barrier3A_93)
    "tpu.region"() ({
      %run_scoped3A_94 = tpu.sem_alloc : memref<!tpu.dma_semaphore, #tpu.memory_space<semaphore_mem>>
      %dma_start3A_95 = arith.constant 0 : i32
      %dma_start3A_96 = tpu.memref_slice %arg6[%arg0, %mul3A_10, %dma_start3A_95] : memref<2x10112x16xf32, #tpu.memory_space<hbm>> -> memref<1x632x16xf32, #tpu.memory_space<hbm>>
      %dma_start3A_97 = tpu.memref_squeeze %dma_start3A_96 : memref<1x632x16xf32, #tpu.memory_space<hbm>> -> memref<632x16xf32, #tpu.memory_space<hbm>>
      %dma_start3A_98 = arith.constant 0 : i32
      %dma_start3A_99 = tpu.memref_slice %arg10[%mul3A_10, %dma_start3A_98] : memref<10112x16xf32, #tpu.memory_space<vmem_shared>> -> memref<632x16xf32, #tpu.memory_space<vmem_shared>>
      tpu.enqueue_dma source(%dma_start3A_99 : memref<632x16xf32, #tpu.memory_space<vmem_shared>>) target(%dma_start3A_97 : memref<632x16xf32, #tpu.memory_space<hbm>>) target_semaphore(%run_scoped3A_94 : memref<!tpu.dma_semaphore, #tpu.memory_space<semaphore_mem>>)
      %dma_wait3A_100 = arith.constant 0 : i32
      %dma_wait3A_101 = tpu.memref_slice %arg6[%arg0, %mul3A_10, %dma_wait3A_100] : memref<2x10112x16xf32, #tpu.memory_space<hbm>> -> memref<1x632x16xf32, #tpu.memory_space<hbm>>
      %dma_wait3A_102 = tpu.memref_squeeze %dma_wait3A_101 : memref<1x632x16xf32, #tpu.memory_space<hbm>> -> memref<632x16xf32, #tpu.memory_space<hbm>>
      %dma_wait3A_103 = arith.constant 0 : i32
      %dma_wait3A_104 = tpu.memref_slice %arg10[%mul3A_10, %dma_wait3A_103] : memref<10112x16xf32, #tpu.memory_space<vmem_shared>> -> memref<632x16xf32, #tpu.memory_space<vmem_shared>>
      tpu.wait_dma2 semaphore(%run_scoped3A_94 : memref<!tpu.dma_semaphore, #tpu.memory_space<semaphore_mem>>) src(%dma_wait3A_104 : memref<632x16xf32, #tpu.memory_space<vmem_shared>>) dst(%dma_wait3A_102 : memref<632x16xf32, #tpu.memory_space<hbm>>)
      tpu.yield
    }) : () -> ()
    return
  }
}

#map = affine_map<(d0, d1) -> (0, 0)>
#map1 = affine_map<(d0, d1) -> (0, 0, 0)>
module attributes {stable_mosaic.version = 14 : i64} {
  func.func @_sc_deg(%arg0: i32, %arg1: i32, %arg2: memref<2608x128xi32, #tpu.memory_space<hbm>>, %arg3: memref<128x16xf32, #tpu.memory_space<hbm>>, %arg4: memref<10112x16xf32, #tpu.memory_space<hbm>>, %arg5: memref<2x10112x16xf32, #tpu.memory_space<hbm>>, %arg6: memref<80x128xi32, #tpu.memory_space<vmem>>, %arg7: memref<128x16xf32, #tpu.memory_space<vmem>>, %arg8: memref<10112x16xf32, #tpu.memory_space<vmem_shared>>, %arg9: memref<!tpu.dma_semaphore, #tpu.memory_space<semaphore_mem>>) attributes {dimension_semantics = [#tpu.dimension_semantics<core_parallel>, #tpu.dimension_semantics<subcore_parallel>], iteration_bounds = array<i64: 2, 16>, scalar_prefetch = 0 : i64, scratch_operands = 4 : i64, tpu.core_type = #tpu.core_type<sc_vector_subcore>, window_params = [{transform_indices = #map}, {transform_indices = #map}, {transform_indices = #map}, {transform_indices = #map1}]} {
    %mul3A = arith.constant 2 : i32
    %mul3A_0 = arith.muli %arg1, %mul3A : i32
    %add3A = arith.addi %mul3A_0, %arg0 : i32
    %eq3A = arith.constant 0 : i32
    %eq3A_1 = arith.cmpi eq, %arg0, %eq3A : i32
    %select_n3A = arith.constant 80 : i32
    %select_n3A_2 = arith.constant 78 : i32
    %select_n3A_3 = arith.select %eq3A_1, %select_n3A_2, %select_n3A : i32
    %mul3A_4 = arith.constant 158 : i32
    %mul3A_5 = arith.muli %arg1, %mul3A_4 : i32
    %mul3A_6 = arith.constant 78 : i32
    %mul3A_7 = arith.muli %arg0, %mul3A_6 : i32
    %add3A_8 = arith.addi %mul3A_5, %mul3A_7 : i32
    %mul3A_9 = arith.constant 632 : i32
    %mul3A_10 = arith.muli %arg1, %mul3A_9 : i32
    "tpu.region"() ({
      %run_scoped3A = tpu.sem_alloc : memref<!tpu.dma_semaphore, #tpu.memory_space<semaphore_mem>>
      %dma_start3A = arith.constant 0 : i32
      %dma_start3A_29 = tpu.memref_slice %arg8[%mul3A_10, %dma_start3A] : memref<10112x16xf32, #tpu.memory_space<vmem_shared>> -> memref<632x16xf32, #tpu.memory_space<vmem_shared>>
      %dma_start3A_30 = arith.constant 0 : i32
      %dma_start3A_31 = tpu.memref_slice %arg4[%mul3A_10, %dma_start3A_30] : memref<10112x16xf32, #tpu.memory_space<hbm>> -> memref<632x16xf32, #tpu.memory_space<hbm>>
      tpu.enqueue_dma source(%dma_start3A_31 : memref<632x16xf32, #tpu.memory_space<hbm>>) target(%dma_start3A_29 : memref<632x16xf32, #tpu.memory_space<vmem_shared>>) target_semaphore(%run_scoped3A : memref<!tpu.dma_semaphore, #tpu.memory_space<semaphore_mem>>)
      %dma_wait3A = arith.constant 0 : i32
      %dma_wait3A_32 = tpu.memref_slice %arg8[%mul3A_10, %dma_wait3A] : memref<10112x16xf32, #tpu.memory_space<vmem_shared>> -> memref<632x16xf32, #tpu.memory_space<vmem_shared>>
      %dma_wait3A_33 = arith.constant 0 : i32
      %dma_wait3A_34 = tpu.memref_slice %arg4[%mul3A_10, %dma_wait3A_33] : memref<10112x16xf32, #tpu.memory_space<hbm>> -> memref<632x16xf32, #tpu.memory_space<hbm>>
      tpu.wait_dma2 semaphore(%run_scoped3A : memref<!tpu.dma_semaphore, #tpu.memory_space<semaphore_mem>>) src(%dma_wait3A_34 : memref<632x16xf32, #tpu.memory_space<hbm>>) dst(%dma_wait3A_32 : memref<632x16xf32, #tpu.memory_space<vmem_shared>>)
      tpu.yield
    }) : () -> ()
    "tpu.region"() ({
      %run_scoped3A = tpu.sem_alloc : memref<!tpu.dma_semaphore, #tpu.memory_space<semaphore_mem>>
      %dma_start3A = arith.constant 0 : i32
      %dma_start3A_29 = tpu.memref_slice %arg2[%add3A_8, %dma_start3A] : memref<2608x128xi32, #tpu.memory_space<hbm>> -> memref<80x128xi32, #tpu.memory_space<hbm>>
      %dma_start3A_30 = arith.constant 0 : i32
      %dma_start3A_31 = tpu.memref_slice %arg2[%add3A_8, %dma_start3A_30] : memref<2608x128xi32, #tpu.memory_space<hbm>> -> memref<80x128xi32, #tpu.memory_space<hbm>>
      tpu.enqueue_dma source(%dma_start3A_31 : memref<80x128xi32, #tpu.memory_space<hbm>>) target(%arg6 : memref<80x128xi32, #tpu.memory_space<vmem>>) target_semaphore(%run_scoped3A : memref<!tpu.dma_semaphore, #tpu.memory_space<semaphore_mem>>)
      %dma_wait3A = arith.constant 0 : i32
      %dma_wait3A_32 = tpu.memref_slice %arg2[%add3A_8, %dma_wait3A] : memref<2608x128xi32, #tpu.memory_space<hbm>> -> memref<80x128xi32, #tpu.memory_space<hbm>>
      %dma_wait3A_33 = arith.constant 0 : i32
      %dma_wait3A_34 = tpu.memref_slice %arg2[%add3A_8, %dma_wait3A_33] : memref<2608x128xi32, #tpu.memory_space<hbm>> -> memref<80x128xi32, #tpu.memory_space<hbm>>
      tpu.wait_dma2 semaphore(%run_scoped3A : memref<!tpu.dma_semaphore, #tpu.memory_space<semaphore_mem>>) src(%dma_wait3A_34 : memref<80x128xi32, #tpu.memory_space<hbm>>) dst(%arg6 : memref<80x128xi32, #tpu.memory_space<vmem>>)
      tpu.yield
    }) : () -> ()
    "tpu.region"() ({
      %run_scoped3A = tpu.sem_alloc : memref<!tpu.dma_semaphore, #tpu.memory_space<semaphore_mem>>
      tpu.enqueue_dma source(%arg3 : memref<128x16xf32, #tpu.memory_space<hbm>>) target(%arg7 : memref<128x16xf32, #tpu.memory_space<vmem>>) target_semaphore(%run_scoped3A : memref<!tpu.dma_semaphore, #tpu.memory_space<semaphore_mem>>)
      tpu.wait_dma2 semaphore(%run_scoped3A : memref<!tpu.dma_semaphore, #tpu.memory_space<semaphore_mem>>) src(%arg3 : memref<128x16xf32, #tpu.memory_space<hbm>>) dst(%arg7 : memref<128x16xf32, #tpu.memory_space<vmem>>)
      tpu.yield
    }) : () -> ()
    %barrier3A = arith.constant 0 : index
    tpu.barrier barrier_id(%barrier3A)
    %while3A = arith.constant 0 : i32
    %while3A_11 = arith.subi %select_n3A_3, %while3A : i32
    %while3A_12 = arith.addi %while3A, %while3A_11 : i32
    %while3A_13 = arith.constant 1 : i32
    %while3A_14 = arith.divsi %while3A_11, %while3A_13 : i32
    %while3A_15 = arith.muli %while3A_14, %while3A_13 : i32
    %while3A_16 = arith.addi %while3A, %while3A_15 : i32
    %while3A_17 = arith.constant 1 : i32
    scf.for %while3A_29 = %while3A to %while3A_16 step %while3A_17  : i32 {
      %dma_start3A = arith.constant 0 : i32
      %dma_start3A_30 = tpu.memref_slice %arg6[%while3A_29, %dma_start3A] : memref<80x128xi32, #tpu.memory_space<vmem>> -> memref<1x128xi32, #tpu.memory_space<vmem>>
      %dma_start3A_31 = tpu.memref_squeeze %dma_start3A_30 : memref<1x128xi32, #tpu.memory_space<vmem>> -> memref<128xi32, #tpu.memory_space<vmem>>
      %dma_start3A_32 = arith.constant 0 : i32
      %dma_start3A_33 = arith.constant 0 : i32
      %dma_start3A_34 = tpu.memref_slice %arg8[%dma_start3A_32, %dma_start3A_33] : memref<10112x16xf32, #tpu.memory_space<vmem_shared>> -> memref<10112x16xf32, #tpu.memory_space<vmem_shared>>
      tpu.enqueue_indirect_dma source(%arg7 : memref<128x16xf32, #tpu.memory_space<vmem>>) target(%dma_start3A_34 : memref<10112x16xf32, #tpu.memory_space<vmem_shared>>) offsets(%dma_start3A_31 : memref<128xi32, #tpu.memory_space<vmem>>) semaphore(%arg9 : memref<!tpu.dma_semaphore, #tpu.memory_space<semaphore_mem>>) {add = true}
    }
    %while3A_18 = arith.constant 1 : i32
    scf.for %while3A_29 = %while3A_16 to %while3A_12 step %while3A_18  : i32 {
      %dma_start3A = arith.constant 0 : i32
      %dma_start3A_30 = tpu.memref_slice %arg6[%while3A_29, %dma_start3A] : memref<80x128xi32, #tpu.memory_space<vmem>> -> memref<1x128xi32, #tpu.memory_space<vmem>>
      %dma_start3A_31 = tpu.memref_squeeze %dma_start3A_30 : memref<1x128xi32, #tpu.memory_space<vmem>> -> memref<128xi32, #tpu.memory_space<vmem>>
      %dma_start3A_32 = arith.constant 0 : i32
      %dma_start3A_33 = arith.constant 0 : i32
      %dma_start3A_34 = tpu.memref_slice %arg8[%dma_start3A_32, %dma_start3A_33] : memref<10112x16xf32, #tpu.memory_space<vmem_shared>> -> memref<10112x16xf32, #tpu.memory_space<vmem_shared>>
      tpu.enqueue_indirect_dma source(%arg7 : memref<128x16xf32, #tpu.memory_space<vmem>>) target(%dma_start3A_34 : memref<10112x16xf32, #tpu.memory_space<vmem_shared>>) offsets(%dma_start3A_31 : memref<128xi32, #tpu.memory_space<vmem>>) semaphore(%arg9 : memref<!tpu.dma_semaphore, #tpu.memory_space<semaphore_mem>>) {add = true}
    }
    %while3A_19 = arith.constant 0 : i32
    %while3A_20 = arith.subi %select_n3A_3, %while3A_19 : i32
    %while3A_21 = arith.addi %while3A_19, %while3A_20 : i32
    %while3A_22 = arith.constant 1 : i32
    %while3A_23 = arith.divsi %while3A_20, %while3A_22 : i32
    %while3A_24 = arith.muli %while3A_23, %while3A_22 : i32
    %while3A_25 = arith.addi %while3A_19, %while3A_24 : i32
    %while3A_26 = arith.constant 1 : i32
    scf.for %while3A_29 = %while3A_19 to %while3A_25 step %while3A_26  : i32 {
      %dma_wait3A = arith.constant 0 : i32
      %dma_wait3A_30 = tpu.memref_slice %arg6[%while3A_29, %dma_wait3A] : memref<80x128xi32, #tpu.memory_space<vmem>> -> memref<1x128xi32, #tpu.memory_space<vmem>>
      %dma_wait3A_31 = tpu.memref_squeeze %dma_wait3A_30 : memref<1x128xi32, #tpu.memory_space<vmem>> -> memref<128xi32, #tpu.memory_space<vmem>>
      %dma_wait3A_32 = arith.constant 0 : i32
      %dma_wait3A_33 = arith.constant 0 : i32
      %dma_wait3A_34 = tpu.memref_slice %arg8[%dma_wait3A_32, %dma_wait3A_33] : memref<10112x16xf32, #tpu.memory_space<vmem_shared>> -> memref<10112x16xf32, #tpu.memory_space<vmem_shared>>
      tpu.wait_indirect_dma semaphore(%arg9 : memref<!tpu.dma_semaphore, #tpu.memory_space<semaphore_mem>>) src(%arg7 : memref<128x16xf32, #tpu.memory_space<vmem>>) dst(%dma_wait3A_34 : memref<10112x16xf32, #tpu.memory_space<vmem_shared>>)
    }
    %while3A_27 = arith.constant 1 : i32
    scf.for %while3A_29 = %while3A_25 to %while3A_21 step %while3A_27  : i32 {
      %dma_wait3A = arith.constant 0 : i32
      %dma_wait3A_30 = tpu.memref_slice %arg6[%while3A_29, %dma_wait3A] : memref<80x128xi32, #tpu.memory_space<vmem>> -> memref<1x128xi32, #tpu.memory_space<vmem>>
      %dma_wait3A_31 = tpu.memref_squeeze %dma_wait3A_30 : memref<1x128xi32, #tpu.memory_space<vmem>> -> memref<128xi32, #tpu.memory_space<vmem>>
      %dma_wait3A_32 = arith.constant 0 : i32
      %dma_wait3A_33 = arith.constant 0 : i32
      %dma_wait3A_34 = tpu.memref_slice %arg8[%dma_wait3A_32, %dma_wait3A_33] : memref<10112x16xf32, #tpu.memory_space<vmem_shared>> -> memref<10112x16xf32, #tpu.memory_space<vmem_shared>>
      tpu.wait_indirect_dma semaphore(%arg9 : memref<!tpu.dma_semaphore, #tpu.memory_space<semaphore_mem>>) src(%arg7 : memref<128x16xf32, #tpu.memory_space<vmem>>) dst(%dma_wait3A_34 : memref<10112x16xf32, #tpu.memory_space<vmem_shared>>)
    }
    %barrier3A_28 = arith.constant 0 : index
    tpu.barrier barrier_id(%barrier3A_28)
    "tpu.region"() ({
      %run_scoped3A = tpu.sem_alloc : memref<!tpu.dma_semaphore, #tpu.memory_space<semaphore_mem>>
      %dma_start3A = arith.constant 0 : i32
      %dma_start3A_29 = tpu.memref_slice %arg5[%arg0, %mul3A_10, %dma_start3A] : memref<2x10112x16xf32, #tpu.memory_space<hbm>> -> memref<1x632x16xf32, #tpu.memory_space<hbm>>
      %dma_start3A_30 = tpu.memref_squeeze %dma_start3A_29 : memref<1x632x16xf32, #tpu.memory_space<hbm>> -> memref<632x16xf32, #tpu.memory_space<hbm>>
      %dma_start3A_31 = arith.constant 0 : i32
      %dma_start3A_32 = tpu.memref_slice %arg8[%mul3A_10, %dma_start3A_31] : memref<10112x16xf32, #tpu.memory_space<vmem_shared>> -> memref<632x16xf32, #tpu.memory_space<vmem_shared>>
      tpu.enqueue_dma source(%dma_start3A_32 : memref<632x16xf32, #tpu.memory_space<vmem_shared>>) target(%dma_start3A_30 : memref<632x16xf32, #tpu.memory_space<hbm>>) target_semaphore(%run_scoped3A : memref<!tpu.dma_semaphore, #tpu.memory_space<semaphore_mem>>)
      %dma_wait3A = arith.constant 0 : i32
      %dma_wait3A_33 = tpu.memref_slice %arg5[%arg0, %mul3A_10, %dma_wait3A] : memref<2x10112x16xf32, #tpu.memory_space<hbm>> -> memref<1x632x16xf32, #tpu.memory_space<hbm>>
      %dma_wait3A_34 = tpu.memref_squeeze %dma_wait3A_33 : memref<1x632x16xf32, #tpu.memory_space<hbm>> -> memref<632x16xf32, #tpu.memory_space<hbm>>
      %dma_wait3A_35 = arith.constant 0 : i32
      %dma_wait3A_36 = tpu.memref_slice %arg8[%mul3A_10, %dma_wait3A_35] : memref<10112x16xf32, #tpu.memory_space<vmem_shared>> -> memref<632x16xf32, #tpu.memory_space<vmem_shared>>
      tpu.wait_dma2 semaphore(%run_scoped3A : memref<!tpu.dma_semaphore, #tpu.memory_space<semaphore_mem>>) src(%dma_wait3A_36 : memref<632x16xf32, #tpu.memory_space<vmem_shared>>) dst(%dma_wait3A_34 : memref<632x16xf32, #tpu.memory_space<hbm>>)
      tpu.yield
    }) : () -> ()
    return
  }
}

#map = affine_map<(d0, d1) -> (0, 0)>
#map1 = affine_map<(d0, d1) -> (0)>
module attributes {stable_mosaic.version = 14 : i64} {
  func.func @_sc_pred(%arg0: i32, %arg1: i32, %arg2: memref<10000x16xf32, #tpu.memory_space<hbm>>, %arg3: memref<2048xi32, #tpu.memory_space<hbm>>, %arg4: memref<10112xi32, #tpu.memory_space<hbm>>, %arg5: memref<2048x16xf32, #tpu.memory_space<hbm>>, %arg6: memref<2048xi32, #tpu.memory_space<hbm>>, %arg7: memref<64xi32, #tpu.memory_space<vmem>>, %arg8: memref<64x16xf32, #tpu.memory_space<vmem>>, %arg9: memref<10112xi32, #tpu.memory_space<vmem>>, %arg10: memref<64xi32, #tpu.memory_space<vmem>>, %arg11: memref<!tpu.dma_semaphore, #tpu.memory_space<semaphore_mem>>) attributes {dimension_semantics = [#tpu.dimension_semantics<core_parallel>, #tpu.dimension_semantics<subcore_parallel>], iteration_bounds = array<i64: 2, 16>, scalar_prefetch = 0 : i64, scratch_operands = 5 : i64, tpu.core_type = #tpu.core_type<sc_vector_subcore>, window_params = [{transform_indices = #map}, {transform_indices = #map1}, {transform_indices = #map1}, {transform_indices = #map}, {transform_indices = #map1}]} {
    %mul3A = arith.constant 2 : i32
    %mul3A_0 = arith.muli %arg1, %mul3A : i32
    %add3A = arith.addi %mul3A_0, %arg0 : i32
    %mul3A_1 = arith.constant 64 : i32
    %mul3A_2 = arith.muli %add3A, %mul3A_1 : i32
    "tpu.region"() ({
      %run_scoped3A = tpu.sem_alloc : memref<!tpu.dma_semaphore, #tpu.memory_space<semaphore_mem>>
      %dma_start3A_24 = tpu.memref_slice %arg3[%mul3A_2] : memref<2048xi32, #tpu.memory_space<hbm>> -> memref<64xi32, #tpu.memory_space<hbm>>
      %dma_start3A_25 = tpu.memref_slice %arg3[%mul3A_2] : memref<2048xi32, #tpu.memory_space<hbm>> -> memref<64xi32, #tpu.memory_space<hbm>>
      tpu.enqueue_dma source(%dma_start3A_25 : memref<64xi32, #tpu.memory_space<hbm>>) target(%arg7 : memref<64xi32, #tpu.memory_space<vmem>>) target_semaphore(%run_scoped3A : memref<!tpu.dma_semaphore, #tpu.memory_space<semaphore_mem>>)
      %dma_wait3A_26 = tpu.memref_slice %arg3[%mul3A_2] : memref<2048xi32, #tpu.memory_space<hbm>> -> memref<64xi32, #tpu.memory_space<hbm>>
      %dma_wait3A_27 = tpu.memref_slice %arg3[%mul3A_2] : memref<2048xi32, #tpu.memory_space<hbm>> -> memref<64xi32, #tpu.memory_space<hbm>>
      tpu.wait_dma2 semaphore(%run_scoped3A : memref<!tpu.dma_semaphore, #tpu.memory_space<semaphore_mem>>) src(%dma_wait3A_27 : memref<64xi32, #tpu.memory_space<hbm>>) dst(%arg7 : memref<64xi32, #tpu.memory_space<vmem>>)
      tpu.yield
    }) : () -> ()
    "tpu.region"() ({
      %run_scoped3A = tpu.sem_alloc : memref<!tpu.dma_semaphore, #tpu.memory_space<semaphore_mem>>
      tpu.enqueue_dma source(%arg4 : memref<10112xi32, #tpu.memory_space<hbm>>) target(%arg9 : memref<10112xi32, #tpu.memory_space<vmem>>) target_semaphore(%run_scoped3A : memref<!tpu.dma_semaphore, #tpu.memory_space<semaphore_mem>>)
      tpu.wait_dma2 semaphore(%run_scoped3A : memref<!tpu.dma_semaphore, #tpu.memory_space<semaphore_mem>>) src(%arg4 : memref<10112xi32, #tpu.memory_space<hbm>>) dst(%arg9 : memref<10112xi32, #tpu.memory_space<vmem>>)
      tpu.yield
    }) : () -> ()
    %dma_start3A = arith.constant 0 : i32
    %dma_start3A_3 = arith.constant 0 : i32
    %dma_start3A_4 = tpu.memref_slice %arg2[%dma_start3A, %dma_start3A_3] : memref<10000x16xf32, #tpu.memory_space<hbm>> -> memref<10000x16xf32, #tpu.memory_space<hbm>>
    tpu.enqueue_indirect_dma source(%dma_start3A_4 : memref<10000x16xf32, #tpu.memory_space<hbm>>) target(%arg8 : memref<64x16xf32, #tpu.memory_space<vmem>>) offsets(%arg7 : memref<64xi32, #tpu.memory_space<vmem>>) semaphore(%arg11 : memref<!tpu.dma_semaphore, #tpu.memory_space<semaphore_mem>>)
    %dma_wait3A = arith.constant 0 : i32
    %dma_wait3A_5 = arith.constant 0 : i32
    %dma_wait3A_6 = tpu.memref_slice %arg2[%dma_wait3A, %dma_wait3A_5] : memref<10000x16xf32, #tpu.memory_space<hbm>> -> memref<10000x16xf32, #tpu.memory_space<hbm>>
    tpu.wait_indirect_dma semaphore(%arg11 : memref<!tpu.dma_semaphore, #tpu.memory_space<semaphore_mem>>) src(%dma_wait3A_6 : memref<10000x16xf32, #tpu.memory_space<hbm>>) dst(%arg8 : memref<64x16xf32, #tpu.memory_space<vmem>>)
    "tpu.region"() ({
      %run_scoped3A = tpu.sem_alloc : memref<!tpu.dma_semaphore, #tpu.memory_space<semaphore_mem>>
      %dma_start3A_24 = arith.constant 0 : i32
      %dma_start3A_25 = tpu.memref_slice %arg5[%mul3A_2, %dma_start3A_24] : memref<2048x16xf32, #tpu.memory_space<hbm>> -> memref<64x16xf32, #tpu.memory_space<hbm>>
      %dma_start3A_26 = arith.constant 0 : i32
      %dma_start3A_27 = tpu.memref_slice %arg5[%mul3A_2, %dma_start3A_26] : memref<2048x16xf32, #tpu.memory_space<hbm>> -> memref<64x16xf32, #tpu.memory_space<hbm>>
      tpu.enqueue_dma source(%arg8 : memref<64x16xf32, #tpu.memory_space<vmem>>) target(%dma_start3A_27 : memref<64x16xf32, #tpu.memory_space<hbm>>) target_semaphore(%run_scoped3A : memref<!tpu.dma_semaphore, #tpu.memory_space<semaphore_mem>>)
      %dma_wait3A_28 = arith.constant 0 : i32
      %dma_wait3A_29 = tpu.memref_slice %arg5[%mul3A_2, %dma_wait3A_28] : memref<2048x16xf32, #tpu.memory_space<hbm>> -> memref<64x16xf32, #tpu.memory_space<hbm>>
      %dma_wait3A_30 = arith.constant 0 : i32
      %dma_wait3A_31 = tpu.memref_slice %arg5[%mul3A_2, %dma_wait3A_30] : memref<2048x16xf32, #tpu.memory_space<hbm>> -> memref<64x16xf32, #tpu.memory_space<hbm>>
      tpu.wait_dma2 semaphore(%run_scoped3A : memref<!tpu.dma_semaphore, #tpu.memory_space<semaphore_mem>>) src(%arg8 : memref<64x16xf32, #tpu.memory_space<vmem>>) dst(%dma_wait3A_31 : memref<64x16xf32, #tpu.memory_space<hbm>>)
      tpu.yield
    }) : () -> ()
    %get3A = arith.constant 0 : index
    %get3A_7 = tpu.vector_load %arg7[%get3A] {strides = array<i32>} : memref<64xi32, #tpu.memory_space<vmem>>, vector<16xi32>,
    %gather3A = tpu.vector_load_idx %arg9[%get3A_7] : memref<10112xi32, #tpu.memory_space<vmem>>[vector<16xi32>], vector<16xi32>,
    %swap3A = arith.constant 0 : index
    %swap3A_8 = tpu.vector_load %arg10[%swap3A] {strides = array<i32>} : memref<64xi32, #tpu.memory_space<vmem>>, vector<16xi32>,
    tpu.vector_store %arg10[%swap3A], %gather3A {strides = array<i32>} : memref<64xi32, #tpu.memory_space<vmem>>, vector<16xi32>,
    %get3A_9 = arith.constant 16 : index
    %get3A_10 = tpu.vector_load %arg7[%get3A_9] {strides = array<i32>} : memref<64xi32, #tpu.memory_space<vmem>>, vector<16xi32>,
    %gather3A_11 = tpu.vector_load_idx %arg9[%get3A_10] : memref<10112xi32, #tpu.memory_space<vmem>>[vector<16xi32>], vector<16xi32>,
    %swap3A_12 = arith.constant 16 : index
    %swap3A_13 = tpu.vector_load %arg10[%swap3A_12] {strides = array<i32>} : memref<64xi32, #tpu.memory_space<vmem>>, vector<16xi32>,
    tpu.vector_store %arg10[%swap3A_12], %gather3A_11 {strides = array<i32>} : memref<64xi32, #tpu.memory_space<vmem>>, vector<16xi32>,
    %get3A_14 = arith.constant 32 : index
    %get3A_15 = tpu.vector_load %arg7[%get3A_14] {strides = array<i32>} : memref<64xi32, #tpu.memory_space<vmem>>, vector<16xi32>,
    %gather3A_16 = tpu.vector_load_idx %arg9[%get3A_15] : memref<10112xi32, #tpu.memory_space<vmem>>[vector<16xi32>], vector<16xi32>,
    %swap3A_17 = arith.constant 32 : index
    %swap3A_18 = tpu.vector_load %arg10[%swap3A_17] {strides = array<i32>} : memref<64xi32, #tpu.memory_space<vmem>>, vector<16xi32>,
    tpu.vector_store %arg10[%swap3A_17], %gather3A_16 {strides = array<i32>} : memref<64xi32, #tpu.memory_space<vmem>>, vector<16xi32>,
    %get3A_19 = arith.constant 48 : index
    %get3A_20 = tpu.vector_load %arg7[%get3A_19] {strides = array<i32>} : memref<64xi32, #tpu.memory_space<vmem>>, vector<16xi32>,
    %gather3A_21 = tpu.vector_load_idx %arg9[%get3A_20] : memref<10112xi32, #tpu.memory_space<vmem>>[vector<16xi32>], vector<16xi32>,
    %swap3A_22 = arith.constant 48 : index
    %swap3A_23 = tpu.vector_load %arg10[%swap3A_22] {strides = array<i32>} : memref<64xi32, #tpu.memory_space<vmem>>, vector<16xi32>,
    tpu.vector_store %arg10[%swap3A_22], %gather3A_21 {strides = array<i32>} : memref<64xi32, #tpu.memory_space<vmem>>, vector<16xi32>,
    "tpu.region"() ({
      %run_scoped3A = tpu.sem_alloc : memref<!tpu.dma_semaphore, #tpu.memory_space<semaphore_mem>>
      %dma_start3A_24 = tpu.memref_slice %arg6[%mul3A_2] : memref<2048xi32, #tpu.memory_space<hbm>> -> memref<64xi32, #tpu.memory_space<hbm>>
      %dma_start3A_25 = tpu.memref_slice %arg6[%mul3A_2] : memref<2048xi32, #tpu.memory_space<hbm>> -> memref<64xi32, #tpu.memory_space<hbm>>
      tpu.enqueue_dma source(%arg10 : memref<64xi32, #tpu.memory_space<vmem>>) target(%dma_start3A_25 : memref<64xi32, #tpu.memory_space<hbm>>) target_semaphore(%run_scoped3A : memref<!tpu.dma_semaphore, #tpu.memory_space<semaphore_mem>>)
      %dma_wait3A_26 = tpu.memref_slice %arg6[%mul3A_2] : memref<2048xi32, #tpu.memory_space<hbm>> -> memref<64xi32, #tpu.memory_space<hbm>>
      %dma_wait3A_27 = tpu.memref_slice %arg6[%mul3A_2] : memref<2048xi32, #tpu.memory_space<hbm>> -> memref<64xi32, #tpu.memory_space<hbm>>
      tpu.wait_dma2 semaphore(%run_scoped3A : memref<!tpu.dma_semaphore, #tpu.memory_space<semaphore_mem>>) src(%arg10 : memref<64xi32, #tpu.memory_space<vmem>>) dst(%dma_wait3A_27 : memref<64xi32, #tpu.memory_space<hbm>>)
      tpu.yield
    }) : () -> ()
    return
  }
}

#map = affine_map<(d0, d1) -> (0, 0)>
#map1 = affine_map<(d0, d1) -> (0, 0, 0)>
module attributes {stable_mosaic.version = 14 : i64} {
  func.func @_sc_pass(%arg0: i32, %arg1: i32, %arg2: memref<10000x128xf32, #tpu.memory_space<hbm>>, %arg3: memref<5182x64xi32, #tpu.memory_space<hbm>>, %arg4: memref<5182x64xi32, #tpu.memory_space<hbm>>, %arg5: memref<10112x128xf32, #tpu.memory_space<hbm>>, %arg6: memref<2x10112x128xf32, #tpu.memory_space<hbm>>, %arg7: memref<158x64xi32, #tpu.memory_space<vmem>>, %arg8: memref<158x64xi32, #tpu.memory_space<vmem>>, %arg9: memref<2x64x128xf32, #tpu.memory_space<vmem>>, %arg10: memref<10112x128xf32, #tpu.memory_space<vmem_shared>>, %arg11: memref<!tpu.dma_semaphore, #tpu.memory_space<semaphore_mem>>, %arg12: memref<!tpu.dma_semaphore, #tpu.memory_space<semaphore_mem>>) attributes {dimension_semantics = [#tpu.dimension_semantics<core_parallel>, #tpu.dimension_semantics<subcore_parallel>], iteration_bounds = array<i64: 2, 16>, scalar_prefetch = 0 : i64, scratch_operands = 6 : i64, tpu.core_type = #tpu.core_type<sc_vector_subcore>, window_params = [{transform_indices = #map}, {transform_indices = #map}, {transform_indices = #map}, {transform_indices = #map}, {transform_indices = #map1}]} {
    %mul3A = arith.constant 2 : i32
    %mul3A_0 = arith.muli %arg1, %mul3A : i32
    %add3A = arith.addi %mul3A_0, %arg0 : i32
    %eq3A = arith.constant 0 : i32
    %eq3A_1 = arith.cmpi eq, %arg0, %eq3A : i32
    %select_n3A = arith.constant 158 : i32
    %select_n3A_2 = arith.constant 156 : i32
    %select_n3A_3 = arith.select %eq3A_1, %select_n3A_2, %select_n3A : i32
    %mul3A_4 = arith.constant 314 : i32
    %mul3A_5 = arith.muli %arg1, %mul3A_4 : i32
    %mul3A_6 = arith.constant 156 : i32
    %mul3A_7 = arith.muli %arg0, %mul3A_6 : i32
    %add3A_8 = arith.addi %mul3A_5, %mul3A_7 : i32
    "tpu.region"() ({
      %run_scoped3A_94 = tpu.sem_alloc : memref<!tpu.dma_semaphore, #tpu.memory_space<semaphore_mem>>
      %dma_start3A_95 = arith.constant 0 : i32
      %dma_start3A_96 = tpu.memref_slice %arg3[%add3A_8, %dma_start3A_95] : memref<5182x64xi32, #tpu.memory_space<hbm>> -> memref<158x64xi32, #tpu.memory_space<hbm>>
      %dma_start3A_97 = arith.constant 0 : i32
      %dma_start3A_98 = tpu.memref_slice %arg3[%add3A_8, %dma_start3A_97] : memref<5182x64xi32, #tpu.memory_space<hbm>> -> memref<158x64xi32, #tpu.memory_space<hbm>>
      tpu.enqueue_dma source(%dma_start3A_98 : memref<158x64xi32, #tpu.memory_space<hbm>>) target(%arg7 : memref<158x64xi32, #tpu.memory_space<vmem>>) target_semaphore(%run_scoped3A_94 : memref<!tpu.dma_semaphore, #tpu.memory_space<semaphore_mem>>)
      %dma_wait3A_99 = arith.constant 0 : i32
      %dma_wait3A_100 = tpu.memref_slice %arg3[%add3A_8, %dma_wait3A_99] : memref<5182x64xi32, #tpu.memory_space<hbm>> -> memref<158x64xi32, #tpu.memory_space<hbm>>
      %dma_wait3A_101 = arith.constant 0 : i32
      %dma_wait3A_102 = tpu.memref_slice %arg3[%add3A_8, %dma_wait3A_101] : memref<5182x64xi32, #tpu.memory_space<hbm>> -> memref<158x64xi32, #tpu.memory_space<hbm>>
      tpu.wait_dma2 semaphore(%run_scoped3A_94 : memref<!tpu.dma_semaphore, #tpu.memory_space<semaphore_mem>>) src(%dma_wait3A_102 : memref<158x64xi32, #tpu.memory_space<hbm>>) dst(%arg7 : memref<158x64xi32, #tpu.memory_space<vmem>>)
      tpu.yield
    }) : () -> ()
    "tpu.region"() ({
      %run_scoped3A_94 = tpu.sem_alloc : memref<!tpu.dma_semaphore, #tpu.memory_space<semaphore_mem>>
      %dma_start3A_95 = arith.constant 0 : i32
      %dma_start3A_96 = tpu.memref_slice %arg4[%add3A_8, %dma_start3A_95] : memref<5182x64xi32, #tpu.memory_space<hbm>> -> memref<158x64xi32, #tpu.memory_space<hbm>>
      %dma_start3A_97 = arith.constant 0 : i32
      %dma_start3A_98 = tpu.memref_slice %arg4[%add3A_8, %dma_start3A_97] : memref<5182x64xi32, #tpu.memory_space<hbm>> -> memref<158x64xi32, #tpu.memory_space<hbm>>
      tpu.enqueue_dma source(%dma_start3A_98 : memref<158x64xi32, #tpu.memory_space<hbm>>) target(%arg8 : memref<158x64xi32, #tpu.memory_space<vmem>>) target_semaphore(%run_scoped3A_94 : memref<!tpu.dma_semaphore, #tpu.memory_space<semaphore_mem>>)
      %dma_wait3A_99 = arith.constant 0 : i32
      %dma_wait3A_100 = tpu.memref_slice %arg4[%add3A_8, %dma_wait3A_99] : memref<5182x64xi32, #tpu.memory_space<hbm>> -> memref<158x64xi32, #tpu.memory_space<hbm>>
      %dma_wait3A_101 = arith.constant 0 : i32
      %dma_wait3A_102 = tpu.memref_slice %arg4[%add3A_8, %dma_wait3A_101] : memref<5182x64xi32, #tpu.memory_space<hbm>> -> memref<158x64xi32, #tpu.memory_space<hbm>>
      tpu.wait_dma2 semaphore(%run_scoped3A_94 : memref<!tpu.dma_semaphore, #tpu.memory_space<semaphore_mem>>) src(%dma_wait3A_102 : memref<158x64xi32, #tpu.memory_space<hbm>>) dst(%arg8 : memref<158x64xi32, #tpu.memory_space<vmem>>)
      tpu.yield
    }) : () -> ()
    %mul3A_9 = arith.constant 632 : i32
    %mul3A_10 = arith.muli %arg1, %mul3A_9 : i32
    "tpu.region"() ({
      %run_scoped3A_94 = tpu.sem_alloc : memref<!tpu.dma_semaphore, #tpu.memory_space<semaphore_mem>>
      %dma_start3A_95 = arith.constant 0 : i32
      %dma_start3A_96 = tpu.memref_slice %arg10[%mul3A_10, %dma_start3A_95] : memref<10112x128xf32, #tpu.memory_space<vmem_shared>> -> memref<632x128xf32, #tpu.memory_space<vmem_shared>>
      %dma_start3A_97 = arith.constant 0 : i32
      %dma_start3A_98 = tpu.memref_slice %arg5[%mul3A_10, %dma_start3A_97] : memref<10112x128xf32, #tpu.memory_space<hbm>> -> memref<632x128xf32, #tpu.memory_space<hbm>>
      tpu.enqueue_dma source(%dma_start3A_98 : memref<632x128xf32, #tpu.memory_space<hbm>>) target(%dma_start3A_96 : memref<632x128xf32, #tpu.memory_space<vmem_shared>>) target_semaphore(%run_scoped3A_94 : memref<!tpu.dma_semaphore, #tpu.memory_space<semaphore_mem>>)
      %dma_wait3A_99 = arith.constant 0 : i32
      %dma_wait3A_100 = tpu.memref_slice %arg10[%mul3A_10, %dma_wait3A_99] : memref<10112x128xf32, #tpu.memory_space<vmem_shared>> -> memref<632x128xf32, #tpu.memory_space<vmem_shared>>
      %dma_wait3A_101 = arith.constant 0 : i32
      %dma_wait3A_102 = tpu.memref_slice %arg5[%mul3A_10, %dma_wait3A_101] : memref<10112x128xf32, #tpu.memory_space<hbm>> -> memref<632x128xf32, #tpu.memory_space<hbm>>
      tpu.wait_dma2 semaphore(%run_scoped3A_94 : memref<!tpu.dma_semaphore, #tpu.memory_space<semaphore_mem>>) src(%dma_wait3A_102 : memref<632x128xf32, #tpu.memory_space<hbm>>) dst(%dma_wait3A_100 : memref<632x128xf32, #tpu.memory_space<vmem_shared>>)
      tpu.yield
    }) : () -> ()
    %barrier3A = arith.constant 0 : index
    tpu.barrier barrier_id(%barrier3A)
    %dma_start3A = arith.constant 0 : i32
    %dma_start3A_11 = arith.constant 0 : i32
    %dma_start3A_12 = arith.constant 0 : i32
    %dma_start3A_13 = arith.constant 0 : i32
    %dma_start3A_14 = tpu.memref_slice %arg9[%dma_start3A_11, %dma_start3A_12, %dma_start3A_13] : memref<2x64x128xf32, #tpu.memory_space<vmem>> -> memref<1x64x128xf32, #tpu.memory_space<vmem>>
    %dma_start3A_15 = tpu.memref_squeeze %dma_start3A_14 : memref<1x64x128xf32, #tpu.memory_space<vmem>> -> memref<64x128xf32, #tpu.memory_space<vmem>>
    %dma_start3A_16 = arith.constant 0 : i32
    %dma_start3A_17 = tpu.memref_slice %arg7[%dma_start3A, %dma_start3A_16] : memref<158x64xi32, #tpu.memory_space<vmem>> -> memref<1x64xi32, #tpu.memory_space<vmem>>
    %dma_start3A_18 = tpu.memref_squeeze %dma_start3A_17 : memref<1x64xi32, #tpu.memory_space<vmem>> -> memref<64xi32, #tpu.memory_space<vmem>>
    %dma_start3A_19 = arith.constant 0 : i32
    %dma_start3A_20 = arith.constant 0 : i32
    %dma_start3A_21 = tpu.memref_slice %arg2[%dma_start3A_19, %dma_start3A_20] : memref<10000x128xf32, #tpu.memory_space<hbm>> -> memref<10000x128xf32, #tpu.memory_space<hbm>>
    tpu.enqueue_indirect_dma source(%dma_start3A_21 : memref<10000x128xf32, #tpu.memory_space<hbm>>) target(%dma_start3A_15 : memref<64x128xf32, #tpu.memory_space<vmem>>) offsets(%dma_start3A_18 : memref<64xi32, #tpu.memory_space<vmem>>) semaphore(%arg11 : memref<!tpu.dma_semaphore, #tpu.memory_space<semaphore_mem>>)
    %dma_start3A_22 = arith.constant 1 : i32
    %dma_start3A_23 = arith.constant 1 : i32
    %dma_start3A_24 = arith.constant 0 : i32
    %dma_start3A_25 = arith.constant 0 : i32
    %dma_start3A_26 = tpu.memref_slice %arg9[%dma_start3A_23, %dma_start3A_24, %dma_start3A_25] : memref<2x64x128xf32, #tpu.memory_space<vmem>> -> memref<1x64x128xf32, #tpu.memory_space<vmem>>
    %dma_start3A_27 = tpu.memref_squeeze %dma_start3A_26 : memref<1x64x128xf32, #tpu.memory_space<vmem>> -> memref<64x128xf32, #tpu.memory_space<vmem>>
    %dma_start3A_28 = arith.constant 0 : i32
    %dma_start3A_29 = tpu.memref_slice %arg7[%dma_start3A_22, %dma_start3A_28] : memref<158x64xi32, #tpu.memory_space<vmem>> -> memref<1x64xi32, #tpu.memory_space<vmem>>
    %dma_start3A_30 = tpu.memref_squeeze %dma_start3A_29 : memref<1x64xi32, #tpu.memory_space<vmem>> -> memref<64xi32, #tpu.memory_space<vmem>>
    %dma_start3A_31 = arith.constant 0 : i32
    %dma_start3A_32 = arith.constant 0 : i32
    %dma_start3A_33 = tpu.memref_slice %arg2[%dma_start3A_31, %dma_start3A_32] : memref<10000x128xf32, #tpu.memory_space<hbm>> -> memref<10000x128xf32, #tpu.memory_space<hbm>>
    tpu.enqueue_indirect_dma source(%dma_start3A_33 : memref<10000x128xf32, #tpu.memory_space<hbm>>) target(%dma_start3A_27 : memref<64x128xf32, #tpu.memory_space<vmem>>) offsets(%dma_start3A_30 : memref<64xi32, #tpu.memory_space<vmem>>) semaphore(%arg12 : memref<!tpu.dma_semaphore, #tpu.memory_space<semaphore_mem>>)
    %jit3A = arith.constant 2 : i32
    %div3A = arith.divsi %select_n3A_3, %jit3A : i32
    %sign3A = arith.constant 0 : i32
    %sign3A_34 = arith.cmpi sgt, %select_n3A_3, %sign3A : i32
    %sign3A_35 = arith.extui %sign3A_34 : i1 to i32
    %sign3A_36 = arith.constant 0 : i32
    %sign3A_37 = arith.cmpi slt, %select_n3A_3, %sign3A_36 : i32
    %sign3A_38 = arith.extui %sign3A_37 : i1 to i32
    %sign3A_39 = arith.subi %sign3A_35, %sign3A_38 : i32
    %sign3A_40 = arith.constant 0 : i32
    %sign3A_41 = arith.cmpi sgt, %jit3A, %sign3A_40 : i32
    %sign3A_42 = arith.extui %sign3A_41 : i1 to i32
    %sign3A_43 = arith.constant 0 : i32
    %sign3A_44 = arith.cmpi slt, %jit3A, %sign3A_43 : i32
    %sign3A_45 = arith.extui %sign3A_44 : i1 to i32
    %sign3A_46 = arith.subi %sign3A_42, %sign3A_45 : i32
    %ne3A = arith.cmpi ne, %sign3A_39, %sign3A_46 : i32
    %rem3A = arith.remsi %select_n3A_3, %jit3A : i32
    %ne3A_47 = arith.constant 0 : i32
    %ne3A_48 = arith.cmpi ne, %rem3A, %ne3A_47 : i32
    %and3A = arith.andi %ne3A, %ne3A_48 : i1
    %sub3A = arith.constant 1 : i32
    %sub3A_49 = arith.subi %div3A, %sub3A : i32
    %select_n3A_50 = arith.select %and3A, %sub3A_49, %div3A : i32
    %sub3A_51 = arith.constant 1 : i32
    %sub3A_52 = arith.subi %select_n3A_50, %sub3A_51 : i32
    %while3A = arith.constant 0 : i32
    %while3A_53 = arith.constant 1 : i32
    %while3A_54 = arith.constant 0 : i32
    %while3A_55 = arith.subi %sub3A_52, %while3A_54 : i32
    %while3A_56 = arith.addi %while3A_54, %while3A_55 : i32
    %while3A_57 = arith.constant 1 : i32
    %while3A_58 = arith.divsi %while3A_55, %while3A_57 : i32
    %while3A_59 = arith.muli %while3A_58, %while3A_57 : i32
    %while3A_60 = arith.addi %while3A_54, %while3A_59 : i32
    %while3A_61 = arith.constant 1 : i32
    scf.for %while3A_94 = %while3A_54 to %while3A_60 step %while3A_61  : i32 {
      %mul3A_95 = arith.constant 2 : i32
      %mul3A_96 = arith.muli %mul3A_95, %while3A_94 : i32
      %dma_wait3A_97 = arith.constant 0 : i32
      %dma_wait3A_98 = arith.constant 0 : i32
      %dma_wait3A_99 = tpu.memref_slice %arg9[%while3A, %dma_wait3A_97, %dma_wait3A_98] : memref<2x64x128xf32, #tpu.memory_space<vmem>> -> memref<1x64x128xf32, #tpu.memory_space<vmem>>
      %dma_wait3A_100 = tpu.memref_squeeze %dma_wait3A_99 : memref<1x64x128xf32, #tpu.memory_space<vmem>> -> memref<64x128xf32, #tpu.memory_space<vmem>>
      %dma_wait3A_101 = arith.constant 0 : i32
      %dma_wait3A_102 = tpu.memref_slice %arg7[%mul3A_96, %dma_wait3A_101] : memref<158x64xi32, #tpu.memory_space<vmem>> -> memref<1x64xi32, #tpu.memory_space<vmem>>
      %dma_wait3A_103 = tpu.memref_squeeze %dma_wait3A_102 : memref<1x64xi32, #tpu.memory_space<vmem>> -> memref<64xi32, #tpu.memory_space<vmem>>
      %dma_wait3A_104 = arith.constant 0 : i32
      %dma_wait3A_105 = arith.constant 0 : i32
      %dma_wait3A_106 = tpu.memref_slice %arg2[%dma_wait3A_104, %dma_wait3A_105] : memref<10000x128xf32, #tpu.memory_space<hbm>> -> memref<10000x128xf32, #tpu.memory_space<hbm>>
      tpu.wait_indirect_dma semaphore(%arg11 : memref<!tpu.dma_semaphore, #tpu.memory_space<semaphore_mem>>) src(%dma_wait3A_106 : memref<10000x128xf32, #tpu.memory_space<hbm>>) dst(%dma_wait3A_100 : memref<64x128xf32, #tpu.memory_space<vmem>>)
      %mul3A_107 = arith.constant 2 : i32
      %mul3A_108 = arith.muli %mul3A_107, %while3A_94 : i32
      "tpu.region"() ({
        %run_scoped3A_155 = tpu.sem_alloc : memref<!tpu.dma_semaphore, #tpu.memory_space<semaphore_mem>>
        %dma_start3A_156 = arith.constant 0 : i32
        %dma_start3A_157 = arith.constant 0 : i32
        %dma_start3A_158 = tpu.memref_slice %arg9[%while3A, %dma_start3A_156, %dma_start3A_157] : memref<2x64x128xf32, #tpu.memory_space<vmem>> -> memref<1x64x128xf32, #tpu.memory_space<vmem>>
        %dma_start3A_159 = tpu.memref_squeeze %dma_start3A_158 : memref<1x64x128xf32, #tpu.memory_space<vmem>> -> memref<64x128xf32, #tpu.memory_space<vmem>>
        %dma_start3A_160 = arith.constant 0 : i32
        %dma_start3A_161 = tpu.memref_slice %arg8[%mul3A_108, %dma_start3A_160] : memref<158x64xi32, #tpu.memory_space<vmem>> -> memref<1x64xi32, #tpu.memory_space<vmem>>
        %dma_start3A_162 = tpu.memref_squeeze %dma_start3A_161 : memref<1x64xi32, #tpu.memory_space<vmem>> -> memref<64xi32, #tpu.memory_space<vmem>>
        %dma_start3A_163 = arith.constant 0 : i32
        %dma_start3A_164 = arith.constant 0 : i32
        %dma_start3A_165 = tpu.memref_slice %arg10[%dma_start3A_163, %dma_start3A_164] : memref<10112x128xf32, #tpu.memory_space<vmem_shared>> -> memref<10112x128xf32, #tpu.memory_space<vmem_shared>>
        tpu.enqueue_indirect_dma source(%dma_start3A_159 : memref<64x128xf32, #tpu.memory_space<vmem>>) target(%dma_start3A_165 : memref<10112x128xf32, #tpu.memory_space<vmem_shared>>) offsets(%dma_start3A_162 : memref<64xi32, #tpu.memory_space<vmem>>) semaphore(%run_scoped3A_155 : memref<!tpu.dma_semaphore, #tpu.memory_space<semaphore_mem>>) {add = true}
        %dma_wait3A_166 = arith.constant 0 : i32
        %dma_wait3A_167 = arith.constant 0 : i32
        %dma_wait3A_168 = tpu.memref_slice %arg9[%while3A, %dma_wait3A_166, %dma_wait3A_167] : memref<2x64x128xf32, #tpu.memory_space<vmem>> -> memref<1x64x128xf32, #tpu.memory_space<vmem>>
        %dma_wait3A_169 = tpu.memref_squeeze %dma_wait3A_168 : memref<1x64x128xf32, #tpu.memory_space<vmem>> -> memref<64x128xf32, #tpu.memory_space<vmem>>
        %dma_wait3A_170 = arith.constant 0 : i32
        %dma_wait3A_171 = tpu.memref_slice %arg8[%mul3A_108, %dma_wait3A_170] : memref<158x64xi32, #tpu.memory_space<vmem>> -> memref<1x64xi32, #tpu.memory_space<vmem>>
        %dma_wait3A_172 = tpu.memref_squeeze %dma_wait3A_171 : memref<1x64xi32, #tpu.memory_space<vmem>> -> memref<64xi32, #tpu.memory_space<vmem>>
        %dma_wait3A_173 = arith.constant 0 : i32
        %dma_wait3A_174 = arith.constant 0 : i32
        %dma_wait3A_175 = tpu.memref_slice %arg10[%dma_wait3A_173, %dma_wait3A_174] : memref<10112x128xf32, #tpu.memory_space<vmem_shared>> -> memref<10112x128xf32, #tpu.memory_space<vmem_shared>>
        tpu.wait_indirect_dma semaphore(%run_scoped3A_155 : memref<!tpu.dma_semaphore, #tpu.memory_space<semaphore_mem>>) src(%dma_wait3A_169 : memref<64x128xf32, #tpu.memory_space<vmem>>) dst(%dma_wait3A_175 : memref<10112x128xf32, #tpu.memory_space<vmem_shared>>)
        tpu.yield
      }) : () -> ()
      %mul3A_109 = arith.constant 2 : i32
      %mul3A_110 = arith.muli %mul3A_109, %while3A_94 : i32
      %add3A_111 = arith.constant 2 : i32
      %add3A_112 = arith.addi %mul3A_110, %add3A_111 : i32
      %dma_start3A_113 = arith.constant 0 : i32
      %dma_start3A_114 = arith.constant 0 : i32
      %dma_start3A_115 = tpu.memref_slice %arg9[%while3A, %dma_start3A_113, %dma_start3A_114] : memref<2x64x128xf32, #tpu.memory_space<vmem>> -> memref<1x64x128xf32, #tpu.memory_space<vmem>>
      %dma_start3A_116 = tpu.memref_squeeze %dma_start3A_115 : memref<1x64x128xf32, #tpu.memory_space<vmem>> -> memref<64x128xf32, #tpu.memory_space<vmem>>
      %dma_start3A_117 = arith.constant 0 : i32
      %dma_start3A_118 = tpu.memref_slice %arg7[%add3A_112, %dma_start3A_117] : memref<158x64xi32, #tpu.memory_space<vmem>> -> memref<1x64xi32, #tpu.memory_space<vmem>>
      %dma_start3A_119 = tpu.memref_squeeze %dma_start3A_118 : memref<1x64xi32, #tpu.memory_space<vmem>> -> memref<64xi32, #tpu.memory_space<vmem>>
      %dma_start3A_120 = arith.constant 0 : i32
      %dma_start3A_121 = arith.constant 0 : i32
      %dma_start3A_122 = tpu.memref_slice %arg2[%dma_start3A_120, %dma_start3A_121] : memref<10000x128xf32, #tpu.memory_space<hbm>> -> memref<10000x128xf32, #tpu.memory_space<hbm>>
      tpu.enqueue_indirect_dma source(%dma_start3A_122 : memref<10000x128xf32, #tpu.memory_space<hbm>>) target(%dma_start3A_116 : memref<64x128xf32, #tpu.memory_space<vmem>>) offsets(%dma_start3A_119 : memref<64xi32, #tpu.memory_space<vmem>>) semaphore(%arg11 : memref<!tpu.dma_semaphore, #tpu.memory_space<semaphore_mem>>)
      %mul3A_123 = arith.constant 2 : i32
      %mul3A_124 = arith.muli %mul3A_123, %while3A_94 : i32
      %add3A_125 = arith.constant 1 : i32
      %add3A_126 = arith.addi %mul3A_124, %add3A_125 : i32
      %dma_wait3A_127 = arith.constant 0 : i32
      %dma_wait3A_128 = arith.constant 0 : i32
      %dma_wait3A_129 = tpu.memref_slice %arg9[%while3A_53, %dma_wait3A_127, %dma_wait3A_128] : memref<2x64x128xf32, #tpu.memory_space<vmem>> -> memref<1x64x128xf32, #tpu.memory_space<vmem>>
      %dma_wait3A_130 = tpu.memref_squeeze %dma_wait3A_129 : memref<1x64x128xf32, #tpu.memory_space<vmem>> -> memref<64x128xf32, #tpu.memory_space<vmem>>
      %dma_wait3A_131 = arith.constant 0 : i32
      %dma_wait3A_132 = tpu.memref_slice %arg7[%add3A_126, %dma_wait3A_131] : memref<158x64xi32, #tpu.memory_space<vmem>> -> memref<1x64xi32, #tpu.memory_space<vmem>>
      %dma_wait3A_133 = tpu.memref_squeeze %dma_wait3A_132 : memref<1x64xi32, #tpu.memory_space<vmem>> -> memref<64xi32, #tpu.memory_space<vmem>>
      %dma_wait3A_134 = arith.constant 0 : i32
      %dma_wait3A_135 = arith.constant 0 : i32
      %dma_wait3A_136 = tpu.memref_slice %arg2[%dma_wait3A_134, %dma_wait3A_135] : memref<10000x128xf32, #tpu.memory_space<hbm>> -> memref<10000x128xf32, #tpu.memory_space<hbm>>
      tpu.wait_indirect_dma semaphore(%arg12 : memref<!tpu.dma_semaphore, #tpu.memory_space<semaphore_mem>>) src(%dma_wait3A_136 : memref<10000x128xf32, #tpu.memory_space<hbm>>) dst(%dma_wait3A_130 : memref<64x128xf32, #tpu.memory_space<vmem>>)
      %mul3A_137 = arith.constant 2 : i32
      %mul3A_138 = arith.muli %mul3A_137, %while3A_94 : i32
      %add3A_139 = arith.constant 1 : i32
      %add3A_140 = arith.addi %mul3A_138, %add3A_139 : i32
      "tpu.region"() ({
        %run_scoped3A_155 = tpu.sem_alloc : memref<!tpu.dma_semaphore, #tpu.memory_space<semaphore_mem>>
        %dma_start3A_156 = arith.constant 0 : i32
        %dma_start3A_157 = arith.constant 0 : i32
        %dma_start3A_158 = tpu.memref_slice %arg9[%while3A_53, %dma_start3A_156, %dma_start3A_157] : memref<2x64x128xf32, #tpu.memory_space<vmem>> -> memref<1x64x128xf32, #tpu.memory_space<vmem>>
        %dma_start3A_159 = tpu.memref_squeeze %dma_start3A_158 : memref<1x64x128xf32, #tpu.memory_space<vmem>> -> memref<64x128xf32, #tpu.memory_space<vmem>>
        %dma_start3A_160 = arith.constant 0 : i32
        %dma_start3A_161 = tpu.memref_slice %arg8[%add3A_140, %dma_start3A_160] : memref<158x64xi32, #tpu.memory_space<vmem>> -> memref<1x64xi32, #tpu.memory_space<vmem>>
        %dma_start3A_162 = tpu.memref_squeeze %dma_start3A_161 : memref<1x64xi32, #tpu.memory_space<vmem>> -> memref<64xi32, #tpu.memory_space<vmem>>
        %dma_start3A_163 = arith.constant 0 : i32
        %dma_start3A_164 = arith.constant 0 : i32
        %dma_start3A_165 = tpu.memref_slice %arg10[%dma_start3A_163, %dma_start3A_164] : memref<10112x128xf32, #tpu.memory_space<vmem_shared>> -> memref<10112x128xf32, #tpu.memory_space<vmem_shared>>
        tpu.enqueue_indirect_dma source(%dma_start3A_159 : memref<64x128xf32, #tpu.memory_space<vmem>>) target(%dma_start3A_165 : memref<10112x128xf32, #tpu.memory_space<vmem_shared>>) offsets(%dma_start3A_162 : memref<64xi32, #tpu.memory_space<vmem>>) semaphore(%run_scoped3A_155 : memref<!tpu.dma_semaphore, #tpu.memory_space<semaphore_mem>>) {add = true}
        %dma_wait3A_166 = arith.constant 0 : i32
        %dma_wait3A_167 = arith.constant 0 : i32
        %dma_wait3A_168 = tpu.memref_slice %arg9[%while3A_53, %dma_wait3A_166, %dma_wait3A_167] : memref<2x64x128xf32, #tpu.memory_space<vmem>> -> memref<1x64x128xf32, #tpu.memory_space<vmem>>
        %dma_wait3A_169 = tpu.memref_squeeze %dma_wait3A_168 : memref<1x64x128xf32, #tpu.memory_space<vmem>> -> memref<64x128xf32, #tpu.memory_space<vmem>>
        %dma_wait3A_170 = arith.constant 0 : i32
        %dma_wait3A_171 = tpu.memref_slice %arg8[%add3A_140, %dma_wait3A_170] : memref<158x64xi32, #tpu.memory_space<vmem>> -> memref<1x64xi32, #tpu.memory_space<vmem>>
        %dma_wait3A_172 = tpu.memref_squeeze %dma_wait3A_171 : memref<1x64xi32, #tpu.memory_space<vmem>> -> memref<64xi32, #tpu.memory_space<vmem>>
        %dma_wait3A_173 = arith.constant 0 : i32
        %dma_wait3A_174 = arith.constant 0 : i32
        %dma_wait3A_175 = tpu.memref_slice %arg10[%dma_wait3A_173, %dma_wait3A_174] : memref<10112x128xf32, #tpu.memory_space<vmem_shared>> -> memref<10112x128xf32, #tpu.memory_space<vmem_shared>>
        tpu.wait_indirect_dma semaphore(%run_scoped3A_155 : memref<!tpu.dma_semaphore, #tpu.memory_space<semaphore_mem>>) src(%dma_wait3A_169 : memref<64x128xf32, #tpu.memory_space<vmem>>) dst(%dma_wait3A_175 : memref<10112x128xf32, #tpu.memory_space<vmem_shared>>)
        tpu.yield
      }) : () -> ()
      %mul3A_141 = arith.constant 2 : i32
      %mul3A_142 = arith.muli %mul3A_141, %while3A_94 : i32
      %add3A_143 = arith.constant 3 : i32
      %add3A_144 = arith.addi %mul3A_142, %add3A_143 : i32
      %dma_start3A_145 = arith.constant 0 : i32
      %dma_start3A_146 = arith.constant 0 : i32
      %dma_start3A_147 = tpu.memref_slice %arg9[%while3A_53, %dma_start3A_145, %dma_start3A_146] : memref<2x64x128xf32, #tpu.memory_space<vmem>> -> memref<1x64x128xf32, #tpu.memory_space<vmem>>
      %dma_start3A_148 = tpu.memref_squeeze %dma_start3A_147 : memref<1x64x128xf32, #tpu.memory_space<vmem>> -> memref<64x128xf32, #tpu.memory_space<vmem>>
      %dma_start3A_149 = arith.constant 0 : i32
      %dma_start3A_150 = tpu.memref_slice %arg7[%add3A_144, %dma_start3A_149] : memref<158x64xi32, #tpu.memory_space<vmem>> -> memref<1x64xi32, #tpu.memory_space<vmem>>
      %dma_start3A_151 = tpu.memref_squeeze %dma_start3A_150 : memref<1x64xi32, #tpu.memory_space<vmem>> -> memref<64xi32, #tpu.memory_space<vmem>>
      %dma_start3A_152 = arith.constant 0 : i32
      %dma_start3A_153 = arith.constant 0 : i32
      %dma_start3A_154 = tpu.memref_slice %arg2[%dma_start3A_152, %dma_start3A_153] : memref<10000x128xf32, #tpu.memory_space<hbm>> -> memref<10000x128xf32, #tpu.memory_space<hbm>>
      tpu.enqueue_indirect_dma source(%dma_start3A_154 : memref<10000x128xf32, #tpu.memory_space<hbm>>) target(%dma_start3A_148 : memref<64x128xf32, #tpu.memory_space<vmem>>) offsets(%dma_start3A_151 : memref<64xi32, #tpu.memory_space<vmem>>) semaphore(%arg12 : memref<!tpu.dma_semaphore, #tpu.memory_space<semaphore_mem>>)
    }
    %while3A_62 = arith.constant 1 : i32
    scf.for %while3A_94 = %while3A_60 to %while3A_56 step %while3A_62  : i32 {
      %mul3A_95 = arith.constant 2 : i32
      %mul3A_96 = arith.muli %mul3A_95, %while3A_94 : i32
      %dma_wait3A_97 = arith.constant 0 : i32
      %dma_wait3A_98 = arith.constant 0 : i32
      %dma_wait3A_99 = tpu.memref_slice %arg9[%while3A, %dma_wait3A_97, %dma_wait3A_98] : memref<2x64x128xf32, #tpu.memory_space<vmem>> -> memref<1x64x128xf32, #tpu.memory_space<vmem>>
      %dma_wait3A_100 = tpu.memref_squeeze %dma_wait3A_99 : memref<1x64x128xf32, #tpu.memory_space<vmem>> -> memref<64x128xf32, #tpu.memory_space<vmem>>
      %dma_wait3A_101 = arith.constant 0 : i32
      %dma_wait3A_102 = tpu.memref_slice %arg7[%mul3A_96, %dma_wait3A_101] : memref<158x64xi32, #tpu.memory_space<vmem>> -> memref<1x64xi32, #tpu.memory_space<vmem>>
      %dma_wait3A_103 = tpu.memref_squeeze %dma_wait3A_102 : memref<1x64xi32, #tpu.memory_space<vmem>> -> memref<64xi32, #tpu.memory_space<vmem>>
      %dma_wait3A_104 = arith.constant 0 : i32
      %dma_wait3A_105 = arith.constant 0 : i32
      %dma_wait3A_106 = tpu.memref_slice %arg2[%dma_wait3A_104, %dma_wait3A_105] : memref<10000x128xf32, #tpu.memory_space<hbm>> -> memref<10000x128xf32, #tpu.memory_space<hbm>>
      tpu.wait_indirect_dma semaphore(%arg11 : memref<!tpu.dma_semaphore, #tpu.memory_space<semaphore_mem>>) src(%dma_wait3A_106 : memref<10000x128xf32, #tpu.memory_space<hbm>>) dst(%dma_wait3A_100 : memref<64x128xf32, #tpu.memory_space<vmem>>)
      %mul3A_107 = arith.constant 2 : i32
      %mul3A_108 = arith.muli %mul3A_107, %while3A_94 : i32
      "tpu.region"() ({
        %run_scoped3A_155 = tpu.sem_alloc : memref<!tpu.dma_semaphore, #tpu.memory_space<semaphore_mem>>
        %dma_start3A_156 = arith.constant 0 : i32
        %dma_start3A_157 = arith.constant 0 : i32
        %dma_start3A_158 = tpu.memref_slice %arg9[%while3A, %dma_start3A_156, %dma_start3A_157] : memref<2x64x128xf32, #tpu.memory_space<vmem>> -> memref<1x64x128xf32, #tpu.memory_space<vmem>>
        %dma_start3A_159 = tpu.memref_squeeze %dma_start3A_158 : memref<1x64x128xf32, #tpu.memory_space<vmem>> -> memref<64x128xf32, #tpu.memory_space<vmem>>
        %dma_start3A_160 = arith.constant 0 : i32
        %dma_start3A_161 = tpu.memref_slice %arg8[%mul3A_108, %dma_start3A_160] : memref<158x64xi32, #tpu.memory_space<vmem>> -> memref<1x64xi32, #tpu.memory_space<vmem>>
        %dma_start3A_162 = tpu.memref_squeeze %dma_start3A_161 : memref<1x64xi32, #tpu.memory_space<vmem>> -> memref<64xi32, #tpu.memory_space<vmem>>
        %dma_start3A_163 = arith.constant 0 : i32
        %dma_start3A_164 = arith.constant 0 : i32
        %dma_start3A_165 = tpu.memref_slice %arg10[%dma_start3A_163, %dma_start3A_164] : memref<10112x128xf32, #tpu.memory_space<vmem_shared>> -> memref<10112x128xf32, #tpu.memory_space<vmem_shared>>
        tpu.enqueue_indirect_dma source(%dma_start3A_159 : memref<64x128xf32, #tpu.memory_space<vmem>>) target(%dma_start3A_165 : memref<10112x128xf32, #tpu.memory_space<vmem_shared>>) offsets(%dma_start3A_162 : memref<64xi32, #tpu.memory_space<vmem>>) semaphore(%run_scoped3A_155 : memref<!tpu.dma_semaphore, #tpu.memory_space<semaphore_mem>>) {add = true}
        %dma_wait3A_166 = arith.constant 0 : i32
        %dma_wait3A_167 = arith.constant 0 : i32
        %dma_wait3A_168 = tpu.memref_slice %arg9[%while3A, %dma_wait3A_166, %dma_wait3A_167] : memref<2x64x128xf32, #tpu.memory_space<vmem>> -> memref<1x64x128xf32, #tpu.memory_space<vmem>>
        %dma_wait3A_169 = tpu.memref_squeeze %dma_wait3A_168 : memref<1x64x128xf32, #tpu.memory_space<vmem>> -> memref<64x128xf32, #tpu.memory_space<vmem>>
        %dma_wait3A_170 = arith.constant 0 : i32
        %dma_wait3A_171 = tpu.memref_slice %arg8[%mul3A_108, %dma_wait3A_170] : memref<158x64xi32, #tpu.memory_space<vmem>> -> memref<1x64xi32, #tpu.memory_space<vmem>>
        %dma_wait3A_172 = tpu.memref_squeeze %dma_wait3A_171 : memref<1x64xi32, #tpu.memory_space<vmem>> -> memref<64xi32, #tpu.memory_space<vmem>>
        %dma_wait3A_173 = arith.constant 0 : i32
        %dma_wait3A_174 = arith.constant 0 : i32
        %dma_wait3A_175 = tpu.memref_slice %arg10[%dma_wait3A_173, %dma_wait3A_174] : memref<10112x128xf32, #tpu.memory_space<vmem_shared>> -> memref<10112x128xf32, #tpu.memory_space<vmem_shared>>
        tpu.wait_indirect_dma semaphore(%run_scoped3A_155 : memref<!tpu.dma_semaphore, #tpu.memory_space<semaphore_mem>>) src(%dma_wait3A_169 : memref<64x128xf32, #tpu.memory_space<vmem>>) dst(%dma_wait3A_175 : memref<10112x128xf32, #tpu.memory_space<vmem_shared>>)
        tpu.yield
      }) : () -> ()
      %mul3A_109 = arith.constant 2 : i32
      %mul3A_110 = arith.muli %mul3A_109, %while3A_94 : i32
      %add3A_111 = arith.constant 2 : i32
      %add3A_112 = arith.addi %mul3A_110, %add3A_111 : i32
      %dma_start3A_113 = arith.constant 0 : i32
      %dma_start3A_114 = arith.constant 0 : i32
      %dma_start3A_115 = tpu.memref_slice %arg9[%while3A, %dma_start3A_113, %dma_start3A_114] : memref<2x64x128xf32, #tpu.memory_space<vmem>> -> memref<1x64x128xf32, #tpu.memory_space<vmem>>
      %dma_start3A_116 = tpu.memref_squeeze %dma_start3A_115 : memref<1x64x128xf32, #tpu.memory_space<vmem>> -> memref<64x128xf32, #tpu.memory_space<vmem>>
      %dma_start3A_117 = arith.constant 0 : i32
      %dma_start3A_118 = tpu.memref_slice %arg7[%add3A_112, %dma_start3A_117] : memref<158x64xi32, #tpu.memory_space<vmem>> -> memref<1x64xi32, #tpu.memory_space<vmem>>
      %dma_start3A_119 = tpu.memref_squeeze %dma_start3A_118 : memref<1x64xi32, #tpu.memory_space<vmem>> -> memref<64xi32, #tpu.memory_space<vmem>>
      %dma_start3A_120 = arith.constant 0 : i32
      %dma_start3A_121 = arith.constant 0 : i32
      %dma_start3A_122 = tpu.memref_slice %arg2[%dma_start3A_120, %dma_start3A_121] : memref<10000x128xf32, #tpu.memory_space<hbm>> -> memref<10000x128xf32, #tpu.memory_space<hbm>>
      tpu.enqueue_indirect_dma source(%dma_start3A_122 : memref<10000x128xf32, #tpu.memory_space<hbm>>) target(%dma_start3A_116 : memref<64x128xf32, #tpu.memory_space<vmem>>) offsets(%dma_start3A_119 : memref<64xi32, #tpu.memory_space<vmem>>) semaphore(%arg11 : memref<!tpu.dma_semaphore, #tpu.memory_space<semaphore_mem>>)
      %mul3A_123 = arith.constant 2 : i32
      %mul3A_124 = arith.muli %mul3A_123, %while3A_94 : i32
      %add3A_125 = arith.constant 1 : i32
      %add3A_126 = arith.addi %mul3A_124, %add3A_125 : i32
      %dma_wait3A_127 = arith.constant 0 : i32
      %dma_wait3A_128 = arith.constant 0 : i32
      %dma_wait3A_129 = tpu.memref_slice %arg9[%while3A_53, %dma_wait3A_127, %dma_wait3A_128] : memref<2x64x128xf32, #tpu.memory_space<vmem>> -> memref<1x64x128xf32, #tpu.memory_space<vmem>>
      %dma_wait3A_130 = tpu.memref_squeeze %dma_wait3A_129 : memref<1x64x128xf32, #tpu.memory_space<vmem>> -> memref<64x128xf32, #tpu.memory_space<vmem>>
      %dma_wait3A_131 = arith.constant 0 : i32
      %dma_wait3A_132 = tpu.memref_slice %arg7[%add3A_126, %dma_wait3A_131] : memref<158x64xi32, #tpu.memory_space<vmem>> -> memref<1x64xi32, #tpu.memory_space<vmem>>
      %dma_wait3A_133 = tpu.memref_squeeze %dma_wait3A_132 : memref<1x64xi32, #tpu.memory_space<vmem>> -> memref<64xi32, #tpu.memory_space<vmem>>
      %dma_wait3A_134 = arith.constant 0 : i32
      %dma_wait3A_135 = arith.constant 0 : i32
      %dma_wait3A_136 = tpu.memref_slice %arg2[%dma_wait3A_134, %dma_wait3A_135] : memref<10000x128xf32, #tpu.memory_space<hbm>> -> memref<10000x128xf32, #tpu.memory_space<hbm>>
      tpu.wait_indirect_dma semaphore(%arg12 : memref<!tpu.dma_semaphore, #tpu.memory_space<semaphore_mem>>) src(%dma_wait3A_136 : memref<10000x128xf32, #tpu.memory_space<hbm>>) dst(%dma_wait3A_130 : memref<64x128xf32, #tpu.memory_space<vmem>>)
      %mul3A_137 = arith.constant 2 : i32
      %mul3A_138 = arith.muli %mul3A_137, %while3A_94 : i32
      %add3A_139 = arith.constant 1 : i32
      %add3A_140 = arith.addi %mul3A_138, %add3A_139 : i32
      "tpu.region"() ({
        %run_scoped3A_155 = tpu.sem_alloc : memref<!tpu.dma_semaphore, #tpu.memory_space<semaphore_mem>>
        %dma_start3A_156 = arith.constant 0 : i32
        %dma_start3A_157 = arith.constant 0 : i32
        %dma_start3A_158 = tpu.memref_slice %arg9[%while3A_53, %dma_start3A_156, %dma_start3A_157] : memref<2x64x128xf32, #tpu.memory_space<vmem>> -> memref<1x64x128xf32, #tpu.memory_space<vmem>>
        %dma_start3A_159 = tpu.memref_squeeze %dma_start3A_158 : memref<1x64x128xf32, #tpu.memory_space<vmem>> -> memref<64x128xf32, #tpu.memory_space<vmem>>
        %dma_start3A_160 = arith.constant 0 : i32
        %dma_start3A_161 = tpu.memref_slice %arg8[%add3A_140, %dma_start3A_160] : memref<158x64xi32, #tpu.memory_space<vmem>> -> memref<1x64xi32, #tpu.memory_space<vmem>>
        %dma_start3A_162 = tpu.memref_squeeze %dma_start3A_161 : memref<1x64xi32, #tpu.memory_space<vmem>> -> memref<64xi32, #tpu.memory_space<vmem>>
        %dma_start3A_163 = arith.constant 0 : i32
        %dma_start3A_164 = arith.constant 0 : i32
        %dma_start3A_165 = tpu.memref_slice %arg10[%dma_start3A_163, %dma_start3A_164] : memref<10112x128xf32, #tpu.memory_space<vmem_shared>> -> memref<10112x128xf32, #tpu.memory_space<vmem_shared>>
        tpu.enqueue_indirect_dma source(%dma_start3A_159 : memref<64x128xf32, #tpu.memory_space<vmem>>) target(%dma_start3A_165 : memref<10112x128xf32, #tpu.memory_space<vmem_shared>>) offsets(%dma_start3A_162 : memref<64xi32, #tpu.memory_space<vmem>>) semaphore(%run_scoped3A_155 : memref<!tpu.dma_semaphore, #tpu.memory_space<semaphore_mem>>) {add = true}
        %dma_wait3A_166 = arith.constant 0 : i32
        %dma_wait3A_167 = arith.constant 0 : i32
        %dma_wait3A_168 = tpu.memref_slice %arg9[%while3A_53, %dma_wait3A_166, %dma_wait3A_167] : memref<2x64x128xf32, #tpu.memory_space<vmem>> -> memref<1x64x128xf32, #tpu.memory_space<vmem>>
        %dma_wait3A_169 = tpu.memref_squeeze %dma_wait3A_168 : memref<1x64x128xf32, #tpu.memory_space<vmem>> -> memref<64x128xf32, #tpu.memory_space<vmem>>
        %dma_wait3A_170 = arith.constant 0 : i32
        %dma_wait3A_171 = tpu.memref_slice %arg8[%add3A_140, %dma_wait3A_170] : memref<158x64xi32, #tpu.memory_space<vmem>> -> memref<1x64xi32, #tpu.memory_space<vmem>>
        %dma_wait3A_172 = tpu.memref_squeeze %dma_wait3A_171 : memref<1x64xi32, #tpu.memory_space<vmem>> -> memref<64xi32, #tpu.memory_space<vmem>>
        %dma_wait3A_173 = arith.constant 0 : i32
        %dma_wait3A_174 = arith.constant 0 : i32
        %dma_wait3A_175 = tpu.memref_slice %arg10[%dma_wait3A_173, %dma_wait3A_174] : memref<10112x128xf32, #tpu.memory_space<vmem_shared>> -> memref<10112x128xf32, #tpu.memory_space<vmem_shared>>
        tpu.wait_indirect_dma semaphore(%run_scoped3A_155 : memref<!tpu.dma_semaphore, #tpu.memory_space<semaphore_mem>>) src(%dma_wait3A_169 : memref<64x128xf32, #tpu.memory_space<vmem>>) dst(%dma_wait3A_175 : memref<10112x128xf32, #tpu.memory_space<vmem_shared>>)
        tpu.yield
      }) : () -> ()
      %mul3A_141 = arith.constant 2 : i32
      %mul3A_142 = arith.muli %mul3A_141, %while3A_94 : i32
      %add3A_143 = arith.constant 3 : i32
      %add3A_144 = arith.addi %mul3A_142, %add3A_143 : i32
      %dma_start3A_145 = arith.constant 0 : i32
      %dma_start3A_146 = arith.constant 0 : i32
      %dma_start3A_147 = tpu.memref_slice %arg9[%while3A_53, %dma_start3A_145, %dma_start3A_146] : memref<2x64x128xf32, #tpu.memory_space<vmem>> -> memref<1x64x128xf32, #tpu.memory_space<vmem>>
      %dma_start3A_148 = tpu.memref_squeeze %dma_start3A_147 : memref<1x64x128xf32, #tpu.memory_space<vmem>> -> memref<64x128xf32, #tpu.memory_space<vmem>>
      %dma_start3A_149 = arith.constant 0 : i32
      %dma_start3A_150 = tpu.memref_slice %arg7[%add3A_144, %dma_start3A_149] : memref<158x64xi32, #tpu.memory_space<vmem>> -> memref<1x64xi32, #tpu.memory_space<vmem>>
      %dma_start3A_151 = tpu.memref_squeeze %dma_start3A_150 : memref<1x64xi32, #tpu.memory_space<vmem>> -> memref<64xi32, #tpu.memory_space<vmem>>
      %dma_start3A_152 = arith.constant 0 : i32
      %dma_start3A_153 = arith.constant 0 : i32
      %dma_start3A_154 = tpu.memref_slice %arg2[%dma_start3A_152, %dma_start3A_153] : memref<10000x128xf32, #tpu.memory_space<hbm>> -> memref<10000x128xf32, #tpu.memory_space<hbm>>
      tpu.enqueue_indirect_dma source(%dma_start3A_154 : memref<10000x128xf32, #tpu.memory_space<hbm>>) target(%dma_start3A_148 : memref<64x128xf32, #tpu.memory_space<vmem>>) offsets(%dma_start3A_151 : memref<64xi32, #tpu.memory_space<vmem>>) semaphore(%arg12 : memref<!tpu.dma_semaphore, #tpu.memory_space<semaphore_mem>>)
    }
    %sub3A_63 = arith.constant 2 : i32
    %sub3A_64 = arith.subi %select_n3A_3, %sub3A_63 : i32
    %dma_wait3A = arith.constant 0 : i32
    %dma_wait3A_65 = arith.constant 0 : i32
    %dma_wait3A_66 = arith.constant 0 : i32
    %dma_wait3A_67 = tpu.memref_slice %arg9[%dma_wait3A, %dma_wait3A_65, %dma_wait3A_66] : memref<2x64x128xf32, #tpu.memory_space<vmem>> -> memref<1x64x128xf32, #tpu.memory_space<vmem>>
    %dma_wait3A_68 = tpu.memref_squeeze %dma_wait3A_67 : memref<1x64x128xf32, #tpu.memory_space<vmem>> -> memref<64x128xf32, #tpu.memory_space<vmem>>
    %dma_wait3A_69 = arith.constant 0 : i32
    %dma_wait3A_70 = tpu.memref_slice %arg7[%sub3A_64, %dma_wait3A_69] : memref<158x64xi32, #tpu.memory_space<vmem>> -> memref<1x64xi32, #tpu.memory_space<vmem>>
    %dma_wait3A_71 = tpu.memref_squeeze %dma_wait3A_70 : memref<1x64xi32, #tpu.memory_space<vmem>> -> memref<64xi32, #tpu.memory_space<vmem>>
    %dma_wait3A_72 = arith.constant 0 : i32
    %dma_wait3A_73 = arith.constant 0 : i32
    %dma_wait3A_74 = tpu.memref_slice %arg2[%dma_wait3A_72, %dma_wait3A_73] : memref<10000x128xf32, #tpu.memory_space<hbm>> -> memref<10000x128xf32, #tpu.memory_space<hbm>>
    tpu.wait_indirect_dma semaphore(%arg11 : memref<!tpu.dma_semaphore, #tpu.memory_space<semaphore_mem>>) src(%dma_wait3A_74 : memref<10000x128xf32, #tpu.memory_space<hbm>>) dst(%dma_wait3A_68 : memref<64x128xf32, #tpu.memory_space<vmem>>)
    %sub3A_75 = arith.constant 2 : i32
    %sub3A_76 = arith.subi %select_n3A_3, %sub3A_75 : i32
    %run_scoped3A = arith.constant 0 : i32
    "tpu.region"() ({
      %run_scoped3A_94 = tpu.sem_alloc : memref<!tpu.dma_semaphore, #tpu.memory_space<semaphore_mem>>
      %dma_start3A_95 = arith.constant 0 : i32
      %dma_start3A_96 = arith.constant 0 : i32
      %dma_start3A_97 = tpu.memref_slice %arg9[%run_scoped3A, %dma_start3A_95, %dma_start3A_96] : memref<2x64x128xf32, #tpu.memory_space<vmem>> -> memref<1x64x128xf32, #tpu.memory_space<vmem>>
      %dma_start3A_98 = tpu.memref_squeeze %dma_start3A_97 : memref<1x64x128xf32, #tpu.memory_space<vmem>> -> memref<64x128xf32, #tpu.memory_space<vmem>>
      %dma_start3A_99 = arith.constant 0 : i32
      %dma_start3A_100 = tpu.memref_slice %arg8[%sub3A_76, %dma_start3A_99] : memref<158x64xi32, #tpu.memory_space<vmem>> -> memref<1x64xi32, #tpu.memory_space<vmem>>
      %dma_start3A_101 = tpu.memref_squeeze %dma_start3A_100 : memref<1x64xi32, #tpu.memory_space<vmem>> -> memref<64xi32, #tpu.memory_space<vmem>>
      %dma_start3A_102 = arith.constant 0 : i32
      %dma_start3A_103 = arith.constant 0 : i32
      %dma_start3A_104 = tpu.memref_slice %arg10[%dma_start3A_102, %dma_start3A_103] : memref<10112x128xf32, #tpu.memory_space<vmem_shared>> -> memref<10112x128xf32, #tpu.memory_space<vmem_shared>>
      tpu.enqueue_indirect_dma source(%dma_start3A_98 : memref<64x128xf32, #tpu.memory_space<vmem>>) target(%dma_start3A_104 : memref<10112x128xf32, #tpu.memory_space<vmem_shared>>) offsets(%dma_start3A_101 : memref<64xi32, #tpu.memory_space<vmem>>) semaphore(%run_scoped3A_94 : memref<!tpu.dma_semaphore, #tpu.memory_space<semaphore_mem>>) {add = true}
      %dma_wait3A_105 = arith.constant 0 : i32
      %dma_wait3A_106 = arith.constant 0 : i32
      %dma_wait3A_107 = tpu.memref_slice %arg9[%run_scoped3A, %dma_wait3A_105, %dma_wait3A_106] : memref<2x64x128xf32, #tpu.memory_space<vmem>> -> memref<1x64x128xf32, #tpu.memory_space<vmem>>
      %dma_wait3A_108 = tpu.memref_squeeze %dma_wait3A_107 : memref<1x64x128xf32, #tpu.memory_space<vmem>> -> memref<64x128xf32, #tpu.memory_space<vmem>>
      %dma_wait3A_109 = arith.constant 0 : i32
      %dma_wait3A_110 = tpu.memref_slice %arg8[%sub3A_76, %dma_wait3A_109] : memref<158x64xi32, #tpu.memory_space<vmem>> -> memref<1x64xi32, #tpu.memory_space<vmem>>
      %dma_wait3A_111 = tpu.memref_squeeze %dma_wait3A_110 : memref<1x64xi32, #tpu.memory_space<vmem>> -> memref<64xi32, #tpu.memory_space<vmem>>
      %dma_wait3A_112 = arith.constant 0 : i32
      %dma_wait3A_113 = arith.constant 0 : i32
      %dma_wait3A_114 = tpu.memref_slice %arg10[%dma_wait3A_112, %dma_wait3A_113] : memref<10112x128xf32, #tpu.memory_space<vmem_shared>> -> memref<10112x128xf32, #tpu.memory_space<vmem_shared>>
      tpu.wait_indirect_dma semaphore(%run_scoped3A_94 : memref<!tpu.dma_semaphore, #tpu.memory_space<semaphore_mem>>) src(%dma_wait3A_108 : memref<64x128xf32, #tpu.memory_space<vmem>>) dst(%dma_wait3A_114 : memref<10112x128xf32, #tpu.memory_space<vmem_shared>>)
      tpu.yield
    }) : () -> ()
    %sub3A_77 = arith.constant 1 : i32
    %sub3A_78 = arith.subi %select_n3A_3, %sub3A_77 : i32
    %dma_wait3A_79 = arith.constant 1 : i32
    %dma_wait3A_80 = arith.constant 0 : i32
    %dma_wait3A_81 = arith.constant 0 : i32
    %dma_wait3A_82 = tpu.memref_slice %arg9[%dma_wait3A_79, %dma_wait3A_80, %dma_wait3A_81] : memref<2x64x128xf32, #tpu.memory_space<vmem>> -> memref<1x64x128xf32, #tpu.memory_space<vmem>>
    %dma_wait3A_83 = tpu.memref_squeeze %dma_wait3A_82 : memref<1x64x128xf32, #tpu.memory_space<vmem>> -> memref<64x128xf32, #tpu.memory_space<vmem>>
    %dma_wait3A_84 = arith.constant 0 : i32
    %dma_wait3A_85 = tpu.memref_slice %arg7[%sub3A_78, %dma_wait3A_84] : memref<158x64xi32, #tpu.memory_space<vmem>> -> memref<1x64xi32, #tpu.memory_space<vmem>>
    %dma_wait3A_86 = tpu.memref_squeeze %dma_wait3A_85 : memref<1x64xi32, #tpu.memory_space<vmem>> -> memref<64xi32, #tpu.memory_space<vmem>>
    %dma_wait3A_87 = arith.constant 0 : i32
    %dma_wait3A_88 = arith.constant 0 : i32
    %dma_wait3A_89 = tpu.memref_slice %arg2[%dma_wait3A_87, %dma_wait3A_88] : memref<10000x128xf32, #tpu.memory_space<hbm>> -> memref<10000x128xf32, #tpu.memory_space<hbm>>
    tpu.wait_indirect_dma semaphore(%arg12 : memref<!tpu.dma_semaphore, #tpu.memory_space<semaphore_mem>>) src(%dma_wait3A_89 : memref<10000x128xf32, #tpu.memory_space<hbm>>) dst(%dma_wait3A_83 : memref<64x128xf32, #tpu.memory_space<vmem>>)
    %sub3A_90 = arith.constant 1 : i32
    %sub3A_91 = arith.subi %select_n3A_3, %sub3A_90 : i32
    %run_scoped3A_92 = arith.constant 1 : i32
    "tpu.region"() ({
      %run_scoped3A_94 = tpu.sem_alloc : memref<!tpu.dma_semaphore, #tpu.memory_space<semaphore_mem>>
      %dma_start3A_95 = arith.constant 0 : i32
      %dma_start3A_96 = arith.constant 0 : i32
      %dma_start3A_97 = tpu.memref_slice %arg9[%run_scoped3A_92, %dma_start3A_95, %dma_start3A_96] : memref<2x64x128xf32, #tpu.memory_space<vmem>> -> memref<1x64x128xf32, #tpu.memory_space<vmem>>
      %dma_start3A_98 = tpu.memref_squeeze %dma_start3A_97 : memref<1x64x128xf32, #tpu.memory_space<vmem>> -> memref<64x128xf32, #tpu.memory_space<vmem>>
      %dma_start3A_99 = arith.constant 0 : i32
      %dma_start3A_100 = tpu.memref_slice %arg8[%sub3A_91, %dma_start3A_99] : memref<158x64xi32, #tpu.memory_space<vmem>> -> memref<1x64xi32, #tpu.memory_space<vmem>>
      %dma_start3A_101 = tpu.memref_squeeze %dma_start3A_100 : memref<1x64xi32, #tpu.memory_space<vmem>> -> memref<64xi32, #tpu.memory_space<vmem>>
      %dma_start3A_102 = arith.constant 0 : i32
      %dma_start3A_103 = arith.constant 0 : i32
      %dma_start3A_104 = tpu.memref_slice %arg10[%dma_start3A_102, %dma_start3A_103] : memref<10112x128xf32, #tpu.memory_space<vmem_shared>> -> memref<10112x128xf32, #tpu.memory_space<vmem_shared>>
      tpu.enqueue_indirect_dma source(%dma_start3A_98 : memref<64x128xf32, #tpu.memory_space<vmem>>) target(%dma_start3A_104 : memref<10112x128xf32, #tpu.memory_space<vmem_shared>>) offsets(%dma_start3A_101 : memref<64xi32, #tpu.memory_space<vmem>>) semaphore(%run_scoped3A_94 : memref<!tpu.dma_semaphore, #tpu.memory_space<semaphore_mem>>) {add = true}
      %dma_wait3A_105 = arith.constant 0 : i32
      %dma_wait3A_106 = arith.constant 0 : i32
      %dma_wait3A_107 = tpu.memref_slice %arg9[%run_scoped3A_92, %dma_wait3A_105, %dma_wait3A_106] : memref<2x64x128xf32, #tpu.memory_space<vmem>> -> memref<1x64x128xf32, #tpu.memory_space<vmem>>
      %dma_wait3A_108 = tpu.memref_squeeze %dma_wait3A_107 : memref<1x64x128xf32, #tpu.memory_space<vmem>> -> memref<64x128xf32, #tpu.memory_space<vmem>>
      %dma_wait3A_109 = arith.constant 0 : i32
      %dma_wait3A_110 = tpu.memref_slice %arg8[%sub3A_91, %dma_wait3A_109] : memref<158x64xi32, #tpu.memory_space<vmem>> -> memref<1x64xi32, #tpu.memory_space<vmem>>
      %dma_wait3A_111 = tpu.memref_squeeze %dma_wait3A_110 : memref<1x64xi32, #tpu.memory_space<vmem>> -> memref<64xi32, #tpu.memory_space<vmem>>
      %dma_wait3A_112 = arith.constant 0 : i32
      %dma_wait3A_113 = arith.constant 0 : i32
      %dma_wait3A_114 = tpu.memref_slice %arg10[%dma_wait3A_112, %dma_wait3A_113] : memref<10112x128xf32, #tpu.memory_space<vmem_shared>> -> memref<10112x128xf32, #tpu.memory_space<vmem_shared>>
      tpu.wait_indirect_dma semaphore(%run_scoped3A_94 : memref<!tpu.dma_semaphore, #tpu.memory_space<semaphore_mem>>) src(%dma_wait3A_108 : memref<64x128xf32, #tpu.memory_space<vmem>>) dst(%dma_wait3A_114 : memref<10112x128xf32, #tpu.memory_space<vmem_shared>>)
      tpu.yield
    }) : () -> ()
    %barrier3A_93 = arith.constant 0 : index
    tpu.barrier barrier_id(%barrier3A_93)
    "tpu.region"() ({
      %run_scoped3A_94 = tpu.sem_alloc : memref<!tpu.dma_semaphore, #tpu.memory_space<semaphore_mem>>
      %dma_start3A_95 = arith.constant 0 : i32
      %dma_start3A_96 = tpu.memref_slice %arg6[%arg0, %mul3A_10, %dma_start3A_95] : memref<2x10112x128xf32, #tpu.memory_space<hbm>> -> memref<1x632x128xf32, #tpu.memory_space<hbm>>
      %dma_start3A_97 = tpu.memref_squeeze %dma_start3A_96 : memref<1x632x128xf32, #tpu.memory_space<hbm>> -> memref<632x128xf32, #tpu.memory_space<hbm>>
      %dma_start3A_98 = arith.constant 0 : i32
      %dma_start3A_99 = tpu.memref_slice %arg10[%mul3A_10, %dma_start3A_98] : memref<10112x128xf32, #tpu.memory_space<vmem_shared>> -> memref<632x128xf32, #tpu.memory_space<vmem_shared>>
      tpu.enqueue_dma source(%dma_start3A_99 : memref<632x128xf32, #tpu.memory_space<vmem_shared>>) target(%dma_start3A_97 : memref<632x128xf32, #tpu.memory_space<hbm>>) target_semaphore(%run_scoped3A_94 : memref<!tpu.dma_semaphore, #tpu.memory_space<semaphore_mem>>)
      %dma_wait3A_100 = arith.constant 0 : i32
      %dma_wait3A_101 = tpu.memref_slice %arg6[%arg0, %mul3A_10, %dma_wait3A_100] : memref<2x10112x128xf32, #tpu.memory_space<hbm>> -> memref<1x632x128xf32, #tpu.memory_space<hbm>>
      %dma_wait3A_102 = tpu.memref_squeeze %dma_wait3A_101 : memref<1x632x128xf32, #tpu.memory_space<hbm>> -> memref<632x128xf32, #tpu.memory_space<hbm>>
      %dma_wait3A_103 = arith.constant 0 : i32
      %dma_wait3A_104 = tpu.memref_slice %arg10[%mul3A_10, %dma_wait3A_103] : memref<10112x128xf32, #tpu.memory_space<vmem_shared>> -> memref<632x128xf32, #tpu.memory_space<vmem_shared>>
      tpu.wait_dma2 semaphore(%run_scoped3A_94 : memref<!tpu.dma_semaphore, #tpu.memory_space<semaphore_mem>>) src(%dma_wait3A_104 : memref<632x128xf32, #tpu.memory_space<vmem_shared>>) dst(%dma_wait3A_102 : memref<632x128xf32, #tpu.memory_space<hbm>>)
      tpu.yield
    }) : () -> ()
    return
  }
}

module attributes {stable_mosaic.version = 14 : i64} {
  func.func @_tc1_body(%arg0: i32, %arg1: memref<1000x128xf32, #tpu.memory_space<vmem>>, %arg2: memref<128x128xf32, #tpu.memory_space<vmem>>, %arg3: memref<2x1000x16xf32, #tpu.memory_space<vmem>>, %arg4: memref<1000x128xf32, #tpu.memory_space<vmem>>) attributes {dimension_semantics = [#tpu.dimension_semantics<arbitrary>], iteration_bounds = array<i64: 10>, scalar_prefetch = 0 : i64, scratch_operands = 0 : i64, tpu.core_type = #tpu.core_type<tc>, window_params = [{transform_indices = @transform_0, window_bounds = array<i64: 1000, 128>}, {pipeline_mode = #tpu.pipeline_mode<synchronous>, transform_indices = @transform_1, window_bounds = array<i64: 128, 128>}, {transform_indices = @transform_2, window_bounds = array<i64: 2, 1000, 16>}, {transform_indices = @transform_3, window_bounds = array<i64: 1000, 128>}]} {
    %get3A = arith.constant 0 : index
    %get3A_0 = arith.constant 0 : index
    %get3A_1 = arith.constant 0 : index
    %get3A_2 = vector.load %arg3[%get3A, %get3A_0, %get3A_1] : memref<2x1000x16xf32, #tpu.memory_space<vmem>>, vector<2x1000x16xf32>
    %slice3A = vector.extract_strided_slice %get3A_2 {offsets = [0, 0, 0], sizes = [1, 1000, 1], strides = [1, 1, 1]} : vector<2x1000x16xf32> to vector<1x1000x1xf32>
    %squeeze3A = vector.shape_cast %slice3A : vector<1x1000x1xf32> to vector<1000xf32>
    %slice3A_3 = vector.extract_strided_slice %get3A_2 {offsets = [1, 0, 0], sizes = [1, 1000, 1], strides = [1, 1, 1]} : vector<2x1000x16xf32> to vector<1x1000x1xf32>
    %squeeze3A_4 = vector.shape_cast %slice3A_3 : vector<1x1000x1xf32> to vector<1000xf32>
    %add3A = arith.addf %squeeze3A, %squeeze3A_4 : vector<1000xf32>
    %add3A_5 = arith.constant 1.000000e+00 : f32
    %add3A_6 = vector.broadcast %add3A_5 : f32 to vector<1000xf32>
    %add3A_7 = arith.addf %add3A, %add3A_6 : vector<1000xf32>
    %rsqrt3A = math.rsqrt %add3A_7 : vector<1000xf32>
    %get3A_8 = arith.constant 0 : index
    %get3A_9 = arith.constant 0 : index
    %get3A_10 = vector.load %arg1[%get3A_8, %get3A_9] : memref<1000x128xf32, #tpu.memory_space<vmem>>, vector<1000x128xf32>
    %get3A_11 = arith.constant 0 : index
    %get3A_12 = arith.constant 0 : index
    %get3A_13 = vector.load %arg2[%get3A_11, %get3A_12] : memref<128x128xf32, #tpu.memory_space<vmem>>, vector<128x128xf32>
    %dot_general3A = arith.constant dense<0.000000e+00> : vector<1000x128xf32>
    %dot_general3A_14 = tpu.matmul %get3A_10, %get3A_13, %dot_general3A {dimension_numbers = #tpu.dot_dimension_numbers<[1], [0], [0], [1], [0, 0, 1, 1], [], []>, transpose_lhs_hint = false} : vector<1000x128xf32>, vector<128x128xf32>, vector<1000x128xf32> -> vector<1000x128xf32>
    %broadcast_in_dim3A = vector.shape_cast %rsqrt3A : vector<1000xf32> to vector<1000x1xf32>
    %mul3A = vector.broadcast %broadcast_in_dim3A : vector<1000x1xf32> to vector<1000x128xf32>
    %mul3A_15 = arith.mulf %dot_general3A_14, %mul3A : vector<1000x128xf32>
    %swap3A = arith.constant 0 : index
    %swap3A_16 = arith.constant 0 : index
    %swap3A_17 = vector.load %arg4[%swap3A, %swap3A_16] : memref<1000x128xf32, #tpu.memory_space<vmem>>, vector<1000x128xf32>
    tpu.vector_store %arg4[%swap3A, %swap3A_16], %mul3A_15 {strides = array<i32>} : memref<1000x128xf32, #tpu.memory_space<vmem>>, vector<1000x128xf32>,
    return
  }
  func.func @transform_0(%arg0: i32) -> (i32, i32) {
    %c0_i32 = arith.constant 0 : i32
    %c0_i32_0 = arith.constant 0 : i32
    return %arg0, %c0_i32 : i32, i32
  }
  func.func @transform_1(%arg0: i32) -> (i32, i32) {
    %c0_i32 = arith.constant 0 : i32
    %c0_i32_0 = arith.constant 0 : i32
    %c0_i32_1 = arith.constant 0 : i32
    return %c0_i32, %c0_i32_0 : i32, i32
  }
  func.func @transform_2(%arg0: i32) -> (i32, i32, i32) {
    %c0_i32 = arith.constant 0 : i32
    %c0_i32_0 = arith.constant 0 : i32
    %c0_i32_1 = arith.constant 0 : i32
    return %c0_i32, %arg0, %c0_i32_0 : i32, i32, i32
  }
  func.func @transform_3(%arg0: i32) -> (i32, i32) {
    %c0_i32 = arith.constant 0 : i32
    %c0_i32_0 = arith.constant 0 : i32
    return %arg0, %c0_i32 : i32, i32
  }
}

module attributes {stable_mosaic.version = 14 : i64} {
  func.func @_tc2_body(%arg0: i32, %arg1: memref<2x1000x128xf32, #tpu.memory_space<vmem>>, %arg2: memref<1000x128xf32, #tpu.memory_space<vmem>>, %arg3: memref<2x1000x16xf32, #tpu.memory_space<vmem>>, %arg4: memref<1x128xf32, #tpu.memory_space<vmem>>, %arg5: memref<128x16xf32, #tpu.memory_space<vmem>>, %arg6: memref<1000x16xf32, #tpu.memory_space<vmem>>) attributes {dimension_semantics = [#tpu.dimension_semantics<arbitrary>], iteration_bounds = array<i64: 10>, scalar_prefetch = 0 : i64, scratch_operands = 0 : i64, tpu.core_type = #tpu.core_type<tc>, window_params = [{transform_indices = @transform_0, window_bounds = array<i64: 2, 1000, 128>}, {transform_indices = @transform_1, window_bounds = array<i64: 1000, 128>}, {transform_indices = @transform_2, window_bounds = array<i64: 2, 1000, 16>}, {pipeline_mode = #tpu.pipeline_mode<synchronous>, transform_indices = @transform_3, window_bounds = array<i64: 1, 128>}, {pipeline_mode = #tpu.pipeline_mode<synchronous>, transform_indices = @transform_4, window_bounds = array<i64: 128, 16>}, {transform_indices = @transform_5, window_bounds = array<i64: 1000, 16>}]} {
    %get3A = arith.constant 0 : index
    %get3A_0 = arith.constant 0 : index
    %get3A_1 = arith.constant 0 : index
    %get3A_2 = vector.load %arg3[%get3A, %get3A_0, %get3A_1] : memref<2x1000x16xf32, #tpu.memory_space<vmem>>, vector<2x1000x16xf32>
    %slice3A = vector.extract_strided_slice %get3A_2 {offsets = [0, 0, 0], sizes = [1, 1000, 1], strides = [1, 1, 1]} : vector<2x1000x16xf32> to vector<1x1000x1xf32>
    %squeeze3A = vector.shape_cast %slice3A : vector<1x1000x1xf32> to vector<1000xf32>
    %slice3A_3 = vector.extract_strided_slice %get3A_2 {offsets = [1, 0, 0], sizes = [1, 1000, 1], strides = [1, 1, 1]} : vector<2x1000x16xf32> to vector<1x1000x1xf32>
    %squeeze3A_4 = vector.shape_cast %slice3A_3 : vector<1x1000x1xf32> to vector<1000xf32>
    %add3A = arith.addf %squeeze3A, %squeeze3A_4 : vector<1000xf32>
    %add3A_5 = arith.constant 1.000000e+00 : f32
    %add3A_6 = vector.broadcast %add3A_5 : f32 to vector<1000xf32>
    %add3A_7 = arith.addf %add3A, %add3A_6 : vector<1000xf32>
    %rsqrt3A = math.rsqrt %add3A_7 : vector<1000xf32>
    %get3A_8 = arith.constant 0 : index
    %get3A_9 = arith.constant 0 : index
    %get3A_10 = arith.constant 0 : index
    %get3A_11 = vector.load %arg1[%get3A_8, %get3A_9, %get3A_10] : memref<2x1000x128xf32, #tpu.memory_space<vmem>>, vector<1x1000x128xf32>
    %get3A_12 = vector.shape_cast %get3A_11 : vector<1x1000x128xf32> to vector<1000x128xf32>
    %get3A_13 = arith.constant 1 : index
    %get3A_14 = arith.constant 0 : index
    %get3A_15 = arith.constant 0 : index
    %get3A_16 = vector.load %arg1[%get3A_13, %get3A_14, %get3A_15] : memref<2x1000x128xf32, #tpu.memory_space<vmem>>, vector<1x1000x128xf32>
    %get3A_17 = vector.shape_cast %get3A_16 : vector<1x1000x128xf32> to vector<1000x128xf32>
    %add3A_18 = arith.addf %get3A_12, %get3A_17 : vector<1000x128xf32>
    %get3A_19 = arith.constant 0 : index
    %get3A_20 = arith.constant 0 : index
    %get3A_21 = vector.load %arg2[%get3A_19, %get3A_20] : memref<1000x128xf32, #tpu.memory_space<vmem>>, vector<1000x128xf32>
    %add3A_22 = arith.addf %add3A_18, %get3A_21 : vector<1000x128xf32>
    %broadcast_in_dim3A = vector.shape_cast %rsqrt3A : vector<1000xf32> to vector<1000x1xf32>
    %mul3A = vector.broadcast %broadcast_in_dim3A : vector<1000x1xf32> to vector<1000x128xf32>
    %mul3A_23 = arith.mulf %add3A_22, %mul3A : vector<1000x128xf32>
    %get3A_24 = arith.constant 0 : index
    %get3A_25 = arith.constant 0 : index
    %get3A_26 = vector.load %arg4[%get3A_24, %get3A_25] : memref<1x128xf32, #tpu.memory_space<vmem>>, vector<1x128xf32>
    %add3A_27 = vector.broadcast %get3A_26 : vector<1x128xf32> to vector<1000x128xf32>
    %add3A_28 = arith.addf %mul3A_23, %add3A_27 : vector<1000x128xf32>
    %max3A = arith.constant 0.000000e+00 : f32
    %max3A_29 = vector.broadcast %max3A : f32 to vector<1000x128xf32>
    %max3A_30 = arith.maximumf %add3A_28, %max3A_29 : vector<1000x128xf32>
    %get3A_31 = arith.constant 0 : index
    %get3A_32 = arith.constant 0 : index
    %get3A_33 = vector.load %arg5[%get3A_31, %get3A_32] : memref<128x16xf32, #tpu.memory_space<vmem>>, vector<128x16xf32>
    %dot_general3A = arith.constant dense<0.000000e+00> : vector<1000x16xf32>
    %dot_general3A_34 = tpu.matmul %max3A_30, %get3A_33, %dot_general3A {dimension_numbers = #tpu.dot_dimension_numbers<[1], [0], [0], [1], [0, 0, 1, 1], [], []>, transpose_lhs_hint = false} : vector<1000x128xf32>, vector<128x16xf32>, vector<1000x16xf32> -> vector<1000x16xf32>
    %broadcast_in_dim3A_35 = vector.shape_cast %rsqrt3A : vector<1000xf32> to vector<1000x1xf32>
    %mul3A_36 = vector.broadcast %broadcast_in_dim3A_35 : vector<1000x1xf32> to vector<1000x16xf32>
    %mul3A_37 = arith.mulf %dot_general3A_34, %mul3A_36 : vector<1000x16xf32>
    %swap3A = arith.constant 0 : index
    %swap3A_38 = arith.constant 0 : index
    %swap3A_39 = vector.load %arg6[%swap3A, %swap3A_38] : memref<1000x16xf32, #tpu.memory_space<vmem>>, vector<1000x16xf32>
    tpu.vector_store %arg6[%swap3A, %swap3A_38], %mul3A_37 {strides = array<i32>} : memref<1000x16xf32, #tpu.memory_space<vmem>>, vector<1000x16xf32>,
    return
  }
  func.func @transform_0(%arg0: i32) -> (i32, i32, i32) {
    %c0_i32 = arith.constant 0 : i32
    %c0_i32_0 = arith.constant 0 : i32
    %c0_i32_1 = arith.constant 0 : i32
    return %c0_i32, %arg0, %c0_i32_0 : i32, i32, i32
  }
  func.func @transform_1(%arg0: i32) -> (i32, i32) {
    %c0_i32 = arith.constant 0 : i32
    %c0_i32_0 = arith.constant 0 : i32
    return %arg0, %c0_i32 : i32, i32
  }
  func.func @transform_2(%arg0: i32) -> (i32, i32, i32) {
    %c0_i32 = arith.constant 0 : i32
    %c0_i32_0 = arith.constant 0 : i32
    %c0_i32_1 = arith.constant 0 : i32
    return %c0_i32, %arg0, %c0_i32_0 : i32, i32, i32
  }
  func.func @transform_3(%arg0: i32) -> (i32, i32) {
    %c0_i32 = arith.constant 0 : i32
    %c0_i32_0 = arith.constant 0 : i32
    %c0_i32_1 = arith.constant 0 : i32
    return %c0_i32, %c0_i32_0 : i32, i32
  }
  func.func @transform_4(%arg0: i32) -> (i32, i32) {
    %c0_i32 = arith.constant 0 : i32
    %c0_i32_0 = arith.constant 0 : i32
    %c0_i32_1 = arith.constant 0 : i32
    return %c0_i32, %c0_i32_0 : i32, i32
  }
  func.func @transform_5(%arg0: i32) -> (i32, i32) {
    %c0_i32 = arith.constant 0 : i32
    %c0_i32_0 = arith.constant 0 : i32
    return %arg0, %c0_i32 : i32, i32
  }
}

module attributes {stable_mosaic.version = 14 : i64} {
  func.func @_tc3_body(%arg0: i32, %arg1: memref<2x1000x16xf32, #tpu.memory_space<vmem>>, %arg2: memref<1000x16xf32, #tpu.memory_space<vmem>>, %arg3: memref<2x1000x16xf32, #tpu.memory_space<vmem>>, %arg4: memref<1x16xf32, #tpu.memory_space<vmem>>, %arg5: memref<1000x16xf32, #tpu.memory_space<vmem>>) attributes {dimension_semantics = [#tpu.dimension_semantics<arbitrary>], iteration_bounds = array<i64: 10>, scalar_prefetch = 0 : i64, scratch_operands = 0 : i64, tpu.core_type = #tpu.core_type<tc>, window_params = [{transform_indices = @transform_0, window_bounds = array<i64: 2, 1000, 16>}, {transform_indices = @transform_1, window_bounds = array<i64: 1000, 16>}, {transform_indices = @transform_2, window_bounds = array<i64: 2, 1000, 16>}, {pipeline_mode = #tpu.pipeline_mode<synchronous>, transform_indices = @transform_3, window_bounds = array<i64: 1, 16>}, {transform_indices = @transform_4, window_bounds = array<i64: 1000, 16>}]} {
    %get3A = arith.constant 0 : index
    %get3A_0 = arith.constant 0 : index
    %get3A_1 = arith.constant 0 : index
    %get3A_2 = vector.load %arg3[%get3A, %get3A_0, %get3A_1] : memref<2x1000x16xf32, #tpu.memory_space<vmem>>, vector<2x1000x16xf32>
    %slice3A = vector.extract_strided_slice %get3A_2 {offsets = [0, 0, 0], sizes = [1, 1000, 1], strides = [1, 1, 1]} : vector<2x1000x16xf32> to vector<1x1000x1xf32>
    %squeeze3A = vector.shape_cast %slice3A : vector<1x1000x1xf32> to vector<1000xf32>
    %slice3A_3 = vector.extract_strided_slice %get3A_2 {offsets = [1, 0, 0], sizes = [1, 1000, 1], strides = [1, 1, 1]} : vector<2x1000x16xf32> to vector<1x1000x1xf32>
    %squeeze3A_4 = vector.shape_cast %slice3A_3 : vector<1x1000x1xf32> to vector<1000xf32>
    %add3A = arith.addf %squeeze3A, %squeeze3A_4 : vector<1000xf32>
    %add3A_5 = arith.constant 1.000000e+00 : f32
    %add3A_6 = vector.broadcast %add3A_5 : f32 to vector<1000xf32>
    %add3A_7 = arith.addf %add3A, %add3A_6 : vector<1000xf32>
    %rsqrt3A = math.rsqrt %add3A_7 : vector<1000xf32>
    %get3A_8 = arith.constant 0 : index
    %get3A_9 = arith.constant 0 : index
    %get3A_10 = arith.constant 0 : index
    %get3A_11 = vector.load %arg1[%get3A_8, %get3A_9, %get3A_10] : memref<2x1000x16xf32, #tpu.memory_space<vmem>>, vector<1x1000x16xf32>
    %get3A_12 = vector.shape_cast %get3A_11 : vector<1x1000x16xf32> to vector<1000x16xf32>
    %get3A_13 = arith.constant 1 : index
    %get3A_14 = arith.constant 0 : index
    %get3A_15 = arith.constant 0 : index
    %get3A_16 = vector.load %arg1[%get3A_13, %get3A_14, %get3A_15] : memref<2x1000x16xf32, #tpu.memory_space<vmem>>, vector<1x1000x16xf32>
    %get3A_17 = vector.shape_cast %get3A_16 : vector<1x1000x16xf32> to vector<1000x16xf32>
    %add3A_18 = arith.addf %get3A_12, %get3A_17 : vector<1000x16xf32>
    %get3A_19 = arith.constant 0 : index
    %get3A_20 = arith.constant 0 : index
    %get3A_21 = vector.load %arg2[%get3A_19, %get3A_20] : memref<1000x16xf32, #tpu.memory_space<vmem>>, vector<1000x16xf32>
    %add3A_22 = arith.addf %add3A_18, %get3A_21 : vector<1000x16xf32>
    %broadcast_in_dim3A = vector.shape_cast %rsqrt3A : vector<1000xf32> to vector<1000x1xf32>
    %mul3A = vector.broadcast %broadcast_in_dim3A : vector<1000x1xf32> to vector<1000x16xf32>
    %mul3A_23 = arith.mulf %add3A_22, %mul3A : vector<1000x16xf32>
    %get3A_24 = arith.constant 0 : index
    %get3A_25 = arith.constant 0 : index
    %get3A_26 = vector.load %arg4[%get3A_24, %get3A_25] : memref<1x16xf32, #tpu.memory_space<vmem>>, vector<1x16xf32>
    %add3A_27 = vector.broadcast %get3A_26 : vector<1x16xf32> to vector<1000x16xf32>
    %add3A_28 = arith.addf %mul3A_23, %add3A_27 : vector<1000x16xf32>
    %swap3A = arith.constant 0 : index
    %swap3A_29 = arith.constant 0 : index
    %swap3A_30 = vector.load %arg5[%swap3A, %swap3A_29] : memref<1000x16xf32, #tpu.memory_space<vmem>>, vector<1000x16xf32>
    tpu.vector_store %arg5[%swap3A, %swap3A_29], %add3A_28 {strides = array<i32>} : memref<1000x16xf32, #tpu.memory_space<vmem>>, vector<1000x16xf32>,
    return
  }
  func.func @transform_0(%arg0: i32) -> (i32, i32, i32) {
    %c0_i32 = arith.constant 0 : i32
    %c0_i32_0 = arith.constant 0 : i32
    %c0_i32_1 = arith.constant 0 : i32
    return %c0_i32, %arg0, %c0_i32_0 : i32, i32, i32
  }
  func.func @transform_1(%arg0: i32) -> (i32, i32) {
    %c0_i32 = arith.constant 0 : i32
    %c0_i32_0 = arith.constant 0 : i32
    return %arg0, %c0_i32 : i32, i32
  }
  func.func @transform_2(%arg0: i32) -> (i32, i32, i32) {
    %c0_i32 = arith.constant 0 : i32
    %c0_i32_0 = arith.constant 0 : i32
    %c0_i32_1 = arith.constant 0 : i32
    return %c0_i32, %arg0, %c0_i32_0 : i32, i32, i32
  }
  func.func @transform_3(%arg0: i32) -> (i32, i32) {
    %c0_i32 = arith.constant 0 : i32
    %c0_i32_0 = arith.constant 0 : i32
    %c0_i32_1 = arith.constant 0 : i32
    return %c0_i32, %c0_i32_0 : i32, i32
  }
  func.func @transform_4(%arg0: i32) -> (i32, i32) {
    %c0_i32 = arith.constant 0 : i32
    %c0_i32_0 = arith.constant 0 : i32
    return %arg0, %c0_i32 : i32, i32
  }
}

module attributes {stable_mosaic.version = 14 : i64} {
  func.func @_tc_loss_body(%arg0: memref<2048x16xf32, #tpu.memory_space<vmem>>, %arg1: memref<16x128xi32, #tpu.memory_space<vmem>>, %arg2: memref<1x1xf32, #tpu.memory_space<vmem>>) attributes {dimension_semantics = [], scalar_prefetch = 0 : i64, scratch_operands = 0 : i64, tpu.core_type = #tpu.core_type<tc>} {
    %get3A = arith.constant 0 : index
    %get3A_0 = arith.constant 0 : index
    %get3A_1 = vector.load %arg0[%get3A, %get3A_0] : memref<2048x16xf32, #tpu.memory_space<vmem>>, vector<2048x16xf32>
    %reshape3A = vector.shape_cast %get3A_1 : vector<2048x16xf32> to vector<16x128x16xf32>
    %get3A_2 = arith.constant 0 : index
    %get3A_3 = arith.constant 0 : index
    %get3A_4 = vector.load %arg1[%get3A_2, %get3A_3] : memref<16x128xi32, #tpu.memory_space<vmem>>, vector<16x128xi32>
    %reduce_max3A = arith.constant dense<0xFF800000> : vector<16x128xf32>
    %reduce_max3A_5 = vector.multi_reduction <maximumf>, %reshape3A, %reduce_max3A [2] : vector<16x128x16xf32> to vector<16x128xf32>
    %broadcast_in_dim3A = vector.shape_cast %reduce_max3A_5 : vector<16x128xf32> to vector<16x128x1xf32>
    %sub3A = vector.broadcast %broadcast_in_dim3A : vector<16x128x1xf32> to vector<16x128x16xf32>
    %sub3A_6 = arith.subf %reshape3A, %sub3A : vector<16x128x16xf32>
    %exp3A = math.exp %sub3A_6 : vector<16x128x16xf32>
    %reduce_sum3A = arith.constant dense<0.000000e+00> : vector<16x128xf32>
    %reduce_sum3A_7 = vector.multi_reduction <add>, %exp3A, %reduce_sum3A [2] : vector<16x128x16xf32> to vector<16x128xf32>
    %log3A = math.log %reduce_sum3A_7 : vector<16x128xf32>
    %add3A = arith.addf %log3A, %reduce_max3A_5 : vector<16x128xf32>
    %iota3A = tpu.iota {dimensions = array<i32: 2>} : vector<16x128x16xi32>
    %broadcast_in_dim3A_8 = vector.shape_cast %get3A_4 : vector<16x128xi32> to vector<16x128x1xi32>
    %eq3A = vector.broadcast %broadcast_in_dim3A_8 : vector<16x128x1xi32> to vector<16x128x16xi32>
    %eq3A_9 = arith.cmpi eq, %iota3A, %eq3A : vector<16x128x16xi32>
    %jit3A = arith.constant 0.000000e+00 : f32
    %broadcast_in_dim3A_10 = vector.broadcast %jit3A : f32 to vector<16x128x16xf32>
    %select_n3A = arith.select %eq3A_9, %reshape3A, %broadcast_in_dim3A_10 : vector<16x128x16xi1>, vector<16x128x16xf32>
    %reduce_sum3A_11 = arith.constant dense<0.000000e+00> : vector<16x128xf32>
    %reduce_sum3A_12 = vector.multi_reduction <add>, %select_n3A, %reduce_sum3A_11 [2] : vector<16x128x16xf32> to vector<16x128xf32>
    %iota3A_13 = tpu.iota {dimensions = array<i32: 0>} : vector<16x128xi32>
    %mul3A = arith.constant 128 : i32
    %mul3A_14 = vector.broadcast %mul3A : i32 to vector<16x128xi32>
    %mul3A_15 = arith.muli %iota3A_13, %mul3A_14 : vector<16x128xi32>
    %iota3A_16 = tpu.iota {dimensions = array<i32: 1>} : vector<16x128xi32>
    %add3A_17 = arith.addi %mul3A_15, %iota3A_16 : vector<16x128xi32>
    %lt3A = arith.constant 2000 : i32
    %lt3A_18 = vector.broadcast %lt3A : i32 to vector<16x128xi32>
    %lt3A_19 = arith.cmpi slt, %add3A_17, %lt3A_18 : vector<16x128xi32>
    %sub3A_20 = arith.subf %add3A, %reduce_sum3A_12 : vector<16x128xf32>
    %jit3A_21 = arith.constant 0.000000e+00 : f32
    %broadcast_in_dim3A_22 = vector.broadcast %jit3A_21 : f32 to vector<16x128xf32>
    %select_n3A_23 = arith.select %lt3A_19, %sub3A_20, %broadcast_in_dim3A_22 : vector<16x128xi1>, vector<16x128xf32>
    %reduce_sum3A_24 = vector.shape_cast %select_n3A_23 : vector<16x128xf32> to vector<1x16x128xf32>
    %reduce_sum3A_25 = arith.constant dense<0.000000e+00> : vector<1xf32>
    %reduce_sum3A_26 = vector.multi_reduction <add>, %reduce_sum3A_24, %reduce_sum3A_25 [1, 2] : vector<1x16x128xf32> to vector<1xf32>
    %reduce_sum3A_27 = vector.shape_cast %reduce_sum3A_26 : vector<1xf32> to vector<1x1x1xf32>
    %reduce_sum3A_28 = vector.extract %reduce_sum3A_27[0, 0, 0] : f32 from vector<1x1x1xf32>
    %div3A = arith.constant 2.000000e+03 : f32
    %div3A_29 = arith.divf %reduce_sum3A_28, %div3A : f32
    %reshape3A_30 = vector.broadcast %div3A_29 : f32 to vector<1x1xf32>
    %swap3A = arith.constant 0 : index
    %swap3A_31 = arith.constant 0 : index
    %swap3A_32 = vector.load %arg2[%swap3A, %swap3A_31] : memref<1x1xf32, #tpu.memory_space<vmem>>, vector<1x1xf32>
    tpu.vector_store %arg2[%swap3A, %swap3A_31], %reshape3A_30 {strides = array<i32>} : memref<1x1xf32, #tpu.memory_space<vmem>>, vector<1x1xf32>,
    return
  }
}

</mosaic_0001>

<sc_bundles>
// kernel: kernel.10.cloned.1.call-start
scs
__scs_entry_jumppad:
0x0: {  	(pc) =	sbr.rel $0x88, $3  }
0x1: {  	(tag) =	ssettag $0x0;
	lr =	simm.s32 $0x1  }
0x2: {  	[smem:$0x3F99] =	sst lr;
	_ =	strace $0xD0000000  }
0x3: {  	_ = 	snop  }
0x4: {  	_ = 	snop  }
0x5: {  	_ = 	snop  }
0x6: {  	_ = 	snop  }
0x7: {  	_ = 	snop  }
__scs_overlays_trampoline_lowered:
0x8: {  	[smem:$0x3FA8] =	sst s0  }
0x9: {  	[smem:$0x3FA9] =	sst s1  }
0xa: {  	[smem:$0x3FAA] =	sst s2  }
0xb: {  	[smem:$0x3FAB] =	sst s3  }
0xc: {  	[smem:$0x3FAC] =	sst s4  }
0xd: {  	[smem:$0x3FAD] =	sst s5  }
0xe: {  	[smem:$0x3FAE] =	sst s6  }
0xf: {  	[smem:$0x3FAF] =	sst s7  }
0x10: {  	[smem:$0x3FB0] =	sst s8  }
0x11: {  	[smem:$0x3FB1] =	sst s9;
	s0 =	simm.s32 @!p0 $0x0  }
0x12: {  	s1 =	sld [smem:$0x3F97];
	s0 =	simm.s32 @p0 $0x1  }
0x13: {  	[smem:$0x3FB2] =	sst s0;
	s0 =	simm.s32 @!p1 $0x0  }
0x14: {  	s2 =	sld [smem:$0x3F96];
	s0 =	simm.s32 @p1 $0x1  }
0x15: {  	[smem:$0x3FB3] =	sst s0;
	s0 =	simm.s32 @!p2 $0x0  }
0x16: {  	s3 =	sld [smem:$0x3FDB];
	s0 =	simm.s32 @p2 $0x1  }
0x17: {  	s4 =	simm.s32 $0x1BF5;
	[smem:$0x3FB5] =	sst s0  }
0x18: {  	s0 =	sld [smem:$0x3F98];
	_ =	swait.ge [sflag:s4], $0x0  }
0x19: {  	s7 =	sld [smem:$0x3F99]  }
0x1a: {  	s8 =	sadd.s32 $0xFFFFE003, lr  }
0x1b: {  	s9 =	sadd.s32 $0xFFFFFEF7, lr;
	s5 =	simm.s32 $0xFFFFFFFF;
	p2 =	slt.u32 s8, $0xFFFFF086  }
0x1c: {  	p1 =	slt.u32 s9, $0xF7A;
	s5 =	simm.s32 @!p2 $0x0  }
0x1d: {  	s5 =	simm.s32 @p1 $0x1;
	p0 =	seq.s32 s7, s2  }
0x1e: {  	s7 =	smul.u32 @!p0 $0xF7A, s2;
	p2 =	seq.s32 @!p0 s5, $0x0  }
0x1f: {  	s9 =	smul.u32 $0xF7A, s1;
	s8 =	simm.s32 @!p0 $0x1BF5;
	p2 =	por !p2, p0  }
0x20: {  	[sflag:s8] =	ssyncset.s32 @!p0 $0xFFFFF086;
	s6 =	sadd.s32 @!p0 s3, s7;
	s7 =	simm.s32 @!p0 $0x108  }
0x21: {  	s3 =	sadd.s32 s3, s9;
	s6 =	sadd.s32 @!p0 $0x88, s6;
	s7 =	simm.s32 @p2 $0x1082  }
0x22: {  	[simem:s7], [sflag:s8] =	dma.local @!p0 [hbm:s6], $0xF7A  }
0x23: {  	s9 =	sor.u32 $0xD0000000, s2;
	s6 =	simm.s32 $0x108;
	_ =	swait.ge @!p0 [sflag:s8], $0x0  }
0x24: {  	s3 =	sadd.s32 $0x88, s3;
	s6 =	simm.s32 @!p1 $0x1082;
	[sflag:s4] =	ssyncset.s32 $0xFFFFF086  }
0x25: {  	[simem:s6], [sflag:s4] =	dma.local [hbm:s3], $0xF7A  }
0x26: {  	[smem:$0x3F99] =	sst s1;
	(tag) =	ssettag s2;
	_ =	strace s9  }
0x27: {  	s1 =	sld [smem:$0x3FA9]  }
0x28: {  	s2 =	sld [smem:$0x3FAA]  }
0x29: {  	s4 =	sld [smem:$0x3FAC]  }
0x2a: {  	p0 =	seq.s32 s5, $0x0;
	s5 =	sld [smem:$0x3FAD]  }
0x2b: {  	s6 =	sld [smem:$0x3FAE]  }
0x2c: {  	s7 =	sld [smem:$0x3FAF]  }
0x2d: {  	s3 =	simm.s32 $0x108;
	s8 =	sld [smem:$0x3FB0]  }
0x2e: {  	s3 =	simm.s32 @!p0 $0x1082;
	s9 =	sld [smem:$0x3FB1]  }
0x2f: {  	lr =	sadd.s32 s0, s3;
	s0 =	sld [smem:$0x3FA8]  }
0x30: {  	s3 =	sld [smem:$0x3FAB]  }
0x31: {  	[smem:$0x3FB4] =	sst s10  }
0x32: {  	s10 =	sld [smem:$0x3FB2];
	_ =	sdelay $0x3  }
0x33: {  	p0 =	seq.s32 s10, $0x1;
	s10 =	sld [smem:$0x3FB4];
	_ =	sdelay $0x3  }
0x34: {  	[smem:$0x3FB4] =	sst s10  }
0x35: {  	s10 =	sld [smem:$0x3FB3];
	_ =	sdelay $0x3  }
0x36: {  	p1 =	seq.s32 s10, $0x1;
	s10 =	sld [smem:$0x3FB4];
	_ =	sdelay $0x3  }
0x37: {  	[smem:$0x3FB4] =	sst s10  }
0x38: {  	s10 =	sld [smem:$0x3FB5]  }
0x39: {  	_ = 	snop;
	(pc) =	sbr.ind lr, $3  }
0x3a: {  	_ = 	snop  }
0x3b: {  	_ = 	snop  }
0x3c: {  	p2 =	seq.s32 s10, $0x1;
	s10 =	sld [smem:$0x3FB4]  }
0x3d: {  	_ =	shalt  }
0x3e: {  	_ =	shalt  }
0x3f: {  	_ =	shalt  }
0x40: {  	_ =	shalt  }
0x41: {  	_ =	shalt  }
0x42: {  	_ =	shalt  }
0x43: {  	_ =	shalt  }
0x44: {  	_ =	shalt  }
0x45: {  	_ =	shalt  }
0x46: {  	_ =	shalt  }
0x47: {  	_ =	shalt  }
0x48: {  	_ =	shalt  }
0x49: {  	_ =	shalt  }
0x4a: {  	_ =	shalt  }
0x4b: {  	_ =	shalt  }
0x4c: {  	_ =	shalt  }
0x4d: {  	_ =	shalt  }
0x4e: {  	_ =	shalt  }
0x4f: {  	_ =	shalt  }
0x50: {  	_ =	shalt  }
0x51: {  	_ =	shalt  }
0x52: {  	_ =	shalt  }
0x53: {  	_ =	shalt  }
0x54: {  	_ =	shalt  }
0x55: {  	_ =	shalt  }
0x56: {  	_ =	shalt  }
0x57: {  	_ =	shalt  }
0x58: {  	_ =	shalt  }
0x59: {  	_ =	shalt  }
0x5a: {  	_ =	shalt  }
0x5b: {  	_ =	shalt  }
0x5c: {  	_ =	shalt  }
0x5d: {  	_ =	shalt  }
0x5e: {  	_ =	shalt  }
0x5f: {  	_ =	shalt  }
0x60: {  	_ =	shalt  }
0x61: {  	_ =	shalt  }
0x62: {  	_ =	shalt  }
0x63: {  	_ =	shalt  }
0x64: {  	_ =	shalt  }
0x65: {  	_ =	shalt  }
0x66: {  	_ =	shalt  }
0x67: {  	_ =	shalt  }
0x68: {  	_ =	shalt  }
0x69: {  	_ =	shalt  }
0x6a: {  	_ =	shalt  }
0x6b: {  	_ =	shalt  }
0x6c: {  	_ =	shalt  }
0x6d: {  	_ =	shalt  }
0x6e: {  	_ =	shalt  }
0x6f: {  	_ =	shalt  }
0x70: {  	_ =	shalt  }
0x71: {  	_ =	shalt  }
0x72: {  	_ =	shalt  }
0x73: {  	_ =	shalt  }
0x74: {  	_ =	shalt  }
0x75: {  	_ =	shalt  }
0x76: {  	_ =	shalt  }
0x77: {  	_ =	shalt  }
0x78: {  	_ =	shalt  }
0x79: {  	_ =	shalt  }
0x7a: {  	_ =	shalt  }
0x7b: {  	_ =	shalt  }
0x7c: {  	_ =	shalt  }
0x7d: {  	_ =	shalt  }
0x7e: {  	_ =	shalt  }
0x7f: {  	_ =	shalt  }
0x80: {  	_ =	shalt  }
0x81: {  	_ =	shalt  }
0x82: {  	_ =	shalt  }
0x83: {  	_ =	shalt  }
0x84: {  	_ =	shalt  }
0x85: {  	_ =	shalt  }
0x86: {  	_ =	shalt  }
0x87: {  	_ =	shalt  }
.Lfunc_end0:
.L_simem_size_0:
called_computation_lowered:
.L_overlay_start_0:
0x88: {  	s2 =	sld [smem:$0x3FD9]  }
0x89: {  	s3 =	sld [smem:$0x3FFE];
	_ =	sdelay $0x1  }
0x8a: {  	s1 =	srdreg.scid  }
0x8b: {  	s0 =	sand.u32 $0x1, s1  }
0x8c: {  	s14 =	sshll.u32 s0, $0xA;
	s2 =	sadd.s32 s3, s2  }
0x8d: {  	s2 =	sadd.s32 s2, s14  }
0x8e: {  	[smem:$0x3FC0] =	sst s2  }
0x8f: {  	_ = 	snop  }
0x90: {  	s2 =	sld [smem:$0x3FD0];
	_ =	sdelay $0x2  }
0x91: {  	s15 =	simm.s32 $0xA;
	s4 =	simm.s32 $0x10  }
0x92: {  	[smem:s4], [sflag:s15] =	dma.local [hbm:s2], $0x1  }
0x93: {  	_ =	swait.eq [sflag:s15], $0x1  }
0x94: {  	[sflag:s15] =	ssyncset.done $0x0  }
0x95: {  	[sflag:s15] =	ssyncadd.s32 $0xFFFFFFFF  }
0x96: {  	s16 =	sld [smem:$0x11];
	(tm) =	ssettm $0x1  }
0x97: {  	s17 =	sld [smem:$0x3FFB];
	_ =	sdelay $0x3  }
0x98: {  	_ =	strace s17  }
0x99: {  	s3 =	sld [smem:$0x3FFC];
	_ =	sdelay $0x3  }
0x9a: {  	_ =	strace s3  }
0x9b: {  	s3 =	sld [smem:$0x3FFD];
	_ =	sdelay $0x3  }
0x9c: {  	_ =	strace s3  }
0x9d: {  	_ =	strace $0x8FFFFFFF  }
0x9e: {  	s18 =	sld [smem:$0x3FDB];
	_ =	sdelay $0x1  }
0x9f: {  	s19 =	simm.s32 $_scs_section_size  }
0xa0: {  	s5 =	simm.s32 $_size__tile_overlayer_lowered;
	s6 =	simm.s32 $_tile_overlayer_lowered  }
0xa1: {  	s22 =	simm.s32 $0x1BFF;
	s21 =	sshll.u32 s6, $0x1;
	s3 =	sadd.s32 s19, s18  }
0xa2: {  	s7 =	simm.s32 $0x0;
	s20 =	sshll.u32 s5, $0x1;
	s5 =	sadd.s32 s21, s3  }
0xa3: {  	[timem:s7], [sflag:s22] =	dma.local [hbm:s5], s20  }
0xa4: {  	_ =	swait.ge [sflag:s22], s20  }
0xa5: {  	s4 =	ssub.s32 $0x0, s20;
	[sflag:s22] =	ssyncset.done $0x0  }
0xa6: {  	[sflag:s22] =	ssyncadd.s32 s4;
	_ =	sdelay $0x1  }
0xa7: {  	s23 =	simm.s32 $0x1B8B  }
0xa8: {  	_ =	swait.ge [sflag:s23], $0x1  }
0xa9: {  	[sflag:s23] =	ssyncset.done $0x0  }
0xaa: {  	s25 =	simm.s32 $0x1B8E;
	s24 =	sld [smem:$0x3FFE];
	[sflag:s23] =	ssyncadd.s32 $0xFFFFFFFF  }
0xab: {  	s26 =	simm.s32 $execute0_lowered;
	[smem:$0x3FD2] =	sst s25  }
0xac: {  	s5 =	sshll.u32 s26, $0x1;
	_ =	strace $0x80000046;
	[dreg:$0x1] =	wrdreg $0xFFFFFFFF  }
0xad: {  	s28 =	simm.s32 $_size_execute0_lowered;
	s3 =	sadd.s32 s3, s5;
	[dreg:$0x0] =	wrdreg $0x0  }
0xae: {  	s5 =	sshll.u32 s28, $0x1;
	[dreg:$0x2] =	wrdreg s3  }
0xaf: {  	[dreg:$0x3] =	wrdreg s5  }
0xb0: {  	[dreg:$0x4] =	wrdreg $0xC0  }
0xb1: {  	_ =	task [dreg:s7], $0x5FFFF  }
0xb2: {  	[dreg:$0x1] =	wrdreg $0xFFFFFFFF  }
0xb3: {  	[dreg:$0x0] =	wrdreg $0x60  }
0xb4: {  	[dreg:$0x2] =	wrdreg s24  }
0xb5: {  	[dreg:$0x3] =	wrdreg s16  }
0xb6: {  	[dreg:$0x4] =	wrdreg $0x30000  }
0xb7: {  	[dreg:$0x5] =	wrdreg $0x9  }
0xb8: {  	_ =	task.clear_ibuf [dreg:s7], $0x6FFFF;
	_ =	strace $0x90000046  }
0xb9: {  	s29 =	simm.s32 $0x9;
	_ =	strace $0x80000048  }
0xba: {  	_ =	swait.ge [sflag:s29], $0x1  }
0xbb: {  	[sflag:s29] =	ssyncadd.s32 $0xFFFFFFFF  }
0xbc: {  	_ =	strace $0x90000048  }
0xbd: {  	_ =	sfence  }
0xbe: {  	s30 =	sld [smem:$0x0];
	_ =	sdelay $0x2  }
0xbf: {  	s31 =	sshll.u32 s1, $0xD;
	s1 =	sshrl.u32 s1, $0x2  }
0xc0: {  	s3 =	sand.u32 $0x4000, s31;
	s1 =	sadd.s32 s1, s30  }
0xc1: {  	s0 =	sor.u32 s3, s0;
	s1 =	sshll.u32 s1, $0x11  }
0xc2: {  	s0 =	sor.u32 s1, s0  }
0xc3: {  	s0 =	sadd.s32 $0x8F2B, s0  }
0xc4: {  	[sflag:s0] =	ssyncadd.remote.s32 $0x1  }
0xc5: {  	_ =	sfence.sel $0xFFFF  }
0xc6: {  	[dreg:$0x0] =	wrdreg $0xFFFFFFFF;
	(pc) =	sbr.abs _section_cstart, $3  }
0xc7: {  	[dreg:$0x1] =	wrdreg $0xFFFFFFFF  }
0xc8: {  	_ =	task.clear_ibuf [dreg:s7], $0x2FFFF;
	_ =	strace $0x9FFFFFFF  }
0xc9: {  	(tm) =	ssettm $0x7FFFFFFF  }
tec
execute0_lowered:
.L_overlay_start_1:
0x0: {  	(tag) =	ssettag $0x1  }
0x1: {  	s1 =	srdreg.scid;
	s5 =	rddreg [dreg:$0x0]  }
0x2: {  	s0 =	stileid.u32;
	s2 =	rddreg [dreg:$0x1]  }
0x3: {  	s3 =	rddreg [dreg:$0x2];
	s4 =	simm.s32 $0x0;
	s14 =	simm.s32 $0x80  }
0x4: {  	s15 =	simm.s32 $0x1;
	s16 =	simm.s32 $0x0;
	s7 =	smul.u32 $0x9E0, s0  }
0x5: {  	s6 =	sand.u32 $0x1, s1;
	s9 =	smul.u32 $0x2780, s0;
	s1 =	rddreg [dreg:$0x3]  }
0x6: {  	[smem:$0x7FF] =	sst s4;
	s31 =	sshll.u32 s0, $0x6;
	s8 =	smul.u32 $0x4E0, s6  }
0x7: {  	s10 =	smul.u32 $0x27800, s6;
	_ =	strace $0x80000047;
	s30 =	ssub.s32 $0x2, s6  }
0x8: {  	p0 =	seq.s32 s6, $0x0;
	s29 =	sshrl.u32 s9, $0x3;
	s12 =	sshrl.u32 s30, $0x1  }
0x9: {  	s13 =	sadd.s32 s9, s3;
	s7 =	sadd.s32 s8, s7;
	s26 =	sadd.s32 s9, s10  }
0xa: {  	s12 =	ssub.s32 s30, s12;
	s28 =	sadd.s32 s7, s5;
	s8 =	sshrl.u32 s26, $0x3  }
0xb: {  	s7 =	sadd.s32 s29, s5;
	s10 =	smax.u32 s12, $0x1;
	s12 =	simm.s32 $0x2  }
0xc: {  	s11 =	sadd.s32 s8, s5;
	s5 =	simm.s32 $0x4E;
	s6 =	sadd.s32 $0xD400, s7  }
0xd: {  	s7 =	sor.u32 $0x1C02, s31;
	s8 =	sadd.s32 $0x3000, s28;
	s5 =	simm.s32 @!p0 $0x50  }
0xe: {  	s9 =	sadd.s32 $0x12400, s11;
	s11 =	sshrl.u32 s13, $0x3;
	s13 =	simm.s32 $0x2800  }
.LBB2_1:
0xf: {  	[spmem:s11], [sflag:s7] =	dma.local [hbm:s6], $0x4F0  }
0x10: {  	_ =	swait.ge [sflag:s12], $0x4F0  }
0x11: {  	[sflag:s12] =	ssyncset.done $0x0  }
0x12: {  	[sflag:s12] =	ssyncadd.s32 $0xFFFFFB10  }
0x13: {  	[tilespmem:s4], [sflag:$0x2] =	stream.linear.gather [hbm4b:s8+s4], $0x2800, $0x38;
	[tilespmem:$0x5780] =	vst v63  }
0x14: {  	_ =	swait.ge [sflag:s12], $0x2800  }
0x15: {  	[sflag:s12] =	ssyncset.done $0x0  }
0x16: {  	p0 =	sne.s32 s5, $0x1;
	[sflag:s12] =	ssyncadd.s32 $0xFFFFD800  }
0x17: {  	[tilespmem:s13], [sflag:$0x2] =	stream.linear.gather [hbm4b:s2+s4], $0x800, $0x38;
	[tilespmem:$0x5780] =	vst v63  }
.Ltmp0:
0x18: {  	_ =	swait.ge [sflag:s12], $0x800;
	(pc) =	sbr.rel @!p0 .LBB2_3-.Ltmp0, $4  }
0x19: {  	[sflag:s12] =	ssyncset.done $0x0  }
0x1a: {  	[sflag:s12] =	ssyncadd.s32 $0xFFFFF800  }
0x1b: {  	s17 =	sadd.s32 $0xFFFFFFFF, s5;
	s18 =	simm.s32 $0x0;
	[bflag:$0x0] =	sbarrier.arrive $0xFFFF  }
0x1c: {  	[spmem:s3] =	stream.indirect.scatter.add.f32 [tilespmem:s13], [sflag:$0x1], $0x10, s4, s14, $0xb8;
	[tilespmem:$0x5780] =	vst v63  }
.LBB2_2:
0x1d: {  	p1 =	sne.s32 s17, $0x1  }
.Ltmp1:
0x1e: {  	_ = 	snop;
	(pc) =	sbr.rel @p1 .LBB2_2-.Ltmp1, $3  }
0x1f: {  	_ = 	snop  }
0x20: {  	s17 =	sadd.s32 $0xFFFFFFFF, s17;
	s18 =	sadd.s32 $0x80, s18;
	_ =	sdelay $0x1  }
0x21: {  	[spmem:s3] =	stream.indirect.scatter.add.f32 [tilespmem:s13], [sflag:$0x1], $0x10, s18, s14, $0xb8;
	[tilespmem:$0x5780] =	vst v63  }
.LBB2_3:
.Ltmp2:
0x22: {  	(pc) =	sbr.rel @!p0 .LBB2_5-.Ltmp2, $3  }
0x23: {  	_ =	sdelay $0x1  }
0x24: {  	_ =	swait.ge [sflag:s15], $0x800  }
0x25: {  	s17 =	sadd.s32 $0xFFFFFFFF, s5;
	[sflag:s15] =	ssyncset.done $0x0  }
.LBB2_4:
0x26: {  	p0 =	sne.s32 s17, $0x1;
	s17 =	sadd.s32 $0xFFFFFFFF, s17;
	[sflag:s15] =	ssyncadd.s32 $0xFFFFF800  }
.Ltmp3:
0x27: {  	(pc) =	sbr.rel @p0 .LBB2_4-.Ltmp3, $3  }
0x28: {  	_ =	sdelay $0x1  }
0x29: {  	_ =	swait.ge [sflag:s15], $0x800  }
0x2a: {  	[sflag:s15] =	ssyncset.done $0x0  }
.LBB2_5:
0x2b: {  	s16 =	sadd.s32 $0x1, s16  }
0x2c: {  	[sflag:s15] =	ssyncadd.s32 $0xFFFFF800;
	p0 =	sne.s32 s16, s10  }
.Ltmp4:
0x2d: {  	[bflag:$0x0] =	sbarrier.arrive $0xFFFF;
	(pc) =	sbr.rel @p0 .LBB2_1-.Ltmp4, $4  }
0x2e: {  	[hbm:s9], [sflag:s7] =	dma.local [spmem:s11], $0x4F0  }
0x2f: {  	_ =	swait.ge [sflag:s12], $0x4F0  }
0x30: {  	[sflag:s12] =	ssyncset.done $0x0  }
0x31: {  	[sflag:s12] =	ssyncadd.s32 $0xFFFFFB10  }
0x32: {  	_ =	sfence.sel $0x180000  }
0x33: {  	[bflag:$0x0] =	sbarrier.arrive $0xFFFF  }
0x34: {  	p0 =	sne.s32 s0, $0x0;
	_ =	strace $0x90000047  }
0x35: {  	s0 =	sadd.s32 @!p0 $0x100000, s1;
	[bflag:$0x2] =	sbarrier.arrive $0xFFFF  }
0x36: {  	[sflag:s0] =	ssyncadd.tile.s32 @!p0 $0x1;
	_ =	shalt  }
.Lfunc_end2:
_tile_overlayer_lowered:
.L_overlay_start_2:
0x37: {  	(tag) =	ssettag $0x2  }
0x38: {  	s0 =	rddreg [dreg:$0x0];
	s2 =	stileid.u32  }
0x39: {  	s1 =	rddreg [dreg:$0x1];
	p0 =	sne.s32 s2, $0x0  }
0x3a: {  	s3 =	rddreg [dreg:$0x2];
	[bflag:$0x3] =	sbarrier.arrive $0xFFFF;
	s2 =	simm.s32 @!p0 $0x1C02  }
0x3b: {  	[timem:s3], [sflag:s2] =	dma.local @!p0 [hbm:s0], s1  }
0x3c: {  	s0 =	simm.s32 @!p0 $0x2  }
0x3d: {  	_ =	swait.ge @!p0 [sflag:s0], s1  }
0x3e: {  	s1 =	ssub.s32 @!p0 $0x0, s1;
	[sflag:s0] =	ssyncset.done @!p0 $0x0  }
0x3f: {  	[sflag:s0] =	ssyncadd.s32 @!p0 s1  }
0x40: {  	[bflag:$0x3] =	sbarrier.arrive $0xFFFF  }
0x41: {  	_ =	shalt  }

// kernel: kernel.13.cloned.1.call-start
scs
__scs_entry_jumppad:
0x0: {  	(pc) =	sbr.rel $0x88, $3  }
0x1: {  	(tag) =	ssettag $0x0;
	lr =	simm.s32 $0x1  }
0x2: {  	[smem:$0x3F99] =	sst lr;
	_ =	strace $0xD0000000  }
0x3: {  	_ = 	snop  }
0x4: {  	_ = 	snop  }
0x5: {  	_ = 	snop  }
0x6: {  	_ = 	snop  }
0x7: {  	_ = 	snop  }
__scs_overlays_trampoline_lowered:
0x8: {  	[smem:$0x3FA8] =	sst s0  }
0x9: {  	[smem:$0x3FA9] =	sst s1  }
0xa: {  	[smem:$0x3FAA] =	sst s2  }
0xb: {  	[smem:$0x3FAB] =	sst s3  }
0xc: {  	[smem:$0x3FAC] =	sst s4  }
0xd: {  	[smem:$0x3FAD] =	sst s5  }
0xe: {  	[smem:$0x3FAE] =	sst s6  }
0xf: {  	[smem:$0x3FAF] =	sst s7  }
0x10: {  	[smem:$0x3FB0] =	sst s8  }
0x11: {  	[smem:$0x3FB1] =	sst s9;
	s0 =	simm.s32 @!p0 $0x0  }
0x12: {  	s1 =	sld [smem:$0x3F97];
	s0 =	simm.s32 @p0 $0x1  }
0x13: {  	[smem:$0x3FB2] =	sst s0;
	s0 =	simm.s32 @!p1 $0x0  }
0x14: {  	s2 =	sld [smem:$0x3F96];
	s0 =	simm.s32 @p1 $0x1  }
0x15: {  	[smem:$0x3FB3] =	sst s0;
	s0 =	simm.s32 @!p2 $0x0  }
0x16: {  	s3 =	sld [smem:$0x3FDB];
	s0 =	simm.s32 @p2 $0x1  }
0x17: {  	s4 =	simm.s32 $0x1BF5;
	[smem:$0x3FB5] =	sst s0  }
0x18: {  	s0 =	sld [smem:$0x3F98];
	_ =	swait.ge [sflag:s4], $0x0  }
0x19: {  	s7 =	sld [smem:$0x3F99]  }
0x1a: {  	s8 =	sadd.s32 $0xFFFFE003, lr  }
0x1b: {  	s9 =	sadd.s32 $0xFFFFFEF7, lr;
	s5 =	simm.s32 $0xFFFFFFFF;
	p2 =	slt.u32 s8, $0xFFFFF086  }
0x1c: {  	p1 =	slt.u32 s9, $0xF7A;
	s5 =	simm.s32 @!p2 $0x0  }
0x1d: {  	s5 =	simm.s32 @p1 $0x1;
	p0 =	seq.s32 s7, s2  }
0x1e: {  	s7 =	smul.u32 @!p0 $0xF7A, s2;
	p2 =	seq.s32 @!p0 s5, $0x0  }
0x1f: {  	s9 =	smul.u32 $0xF7A, s1;
	s8 =	simm.s32 @!p0 $0x1BF5;
	p2 =	por !p2, p0  }
0x20: {  	[sflag:s8] =	ssyncset.s32 @!p0 $0xFFFFF086;
	s6 =	sadd.s32 @!p0 s3, s7;
	s7 =	simm.s32 @!p0 $0x108  }
0x21: {  	s3 =	sadd.s32 s3, s9;
	s6 =	sadd.s32 @!p0 $0x88, s6;
	s7 =	simm.s32 @p2 $0x1082  }
0x22: {  	[simem:s7], [sflag:s8] =	dma.local @!p0 [hbm:s6], $0xF7A  }
0x23: {  	s9 =	sor.u32 $0xD0000000, s2;
	s6 =	simm.s32 $0x108;
	_ =	swait.ge @!p0 [sflag:s8], $0x0  }
0x24: {  	s3 =	sadd.s32 $0x88, s3;
	s6 =	simm.s32 @!p1 $0x1082;
	[sflag:s4] =	ssyncset.s32 $0xFFFFF086  }
0x25: {  	[simem:s6], [sflag:s4] =	dma.local [hbm:s3], $0xF7A  }
0x26: {  	[smem:$0x3F99] =	sst s1;
	(tag) =	ssettag s2;
	_ =	strace s9  }
0x27: {  	s1 =	sld [smem:$0x3FA9]  }
0x28: {  	s2 =	sld [smem:$0x3FAA]  }
0x29: {  	s4 =	sld [smem:$0x3FAC]  }
0x2a: {  	p0 =	seq.s32 s5, $0x0;
	s5 =	sld [smem:$0x3FAD]  }
0x2b: {  	s6 =	sld [smem:$0x3FAE]  }
0x2c: {  	s7 =	sld [smem:$0x3FAF]  }
0x2d: {  	s3 =	simm.s32 $0x108;
	s8 =	sld [smem:$0x3FB0]  }
0x2e: {  	s3 =	simm.s32 @!p0 $0x1082;
	s9 =	sld [smem:$0x3FB1]  }
0x2f: {  	lr =	sadd.s32 s0, s3;
	s0 =	sld [smem:$0x3FA8]  }
0x30: {  	s3 =	sld [smem:$0x3FAB]  }
0x31: {  	[smem:$0x3FB4] =	sst s10  }
0x32: {  	s10 =	sld [smem:$0x3FB2];
	_ =	sdelay $0x3  }
0x33: {  	p0 =	seq.s32 s10, $0x1;
	s10 =	sld [smem:$0x3FB4];
	_ =	sdelay $0x3  }
0x34: {  	[smem:$0x3FB4] =	sst s10  }
0x35: {  	s10 =	sld [smem:$0x3FB3];
	_ =	sdelay $0x3  }
0x36: {  	p1 =	seq.s32 s10, $0x1;
	s10 =	sld [smem:$0x3FB4];
	_ =	sdelay $0x3  }
0x37: {  	[smem:$0x3FB4] =	sst s10  }
0x38: {  	s10 =	sld [smem:$0x3FB5]  }
0x39: {  	_ = 	snop;
	(pc) =	sbr.ind lr, $3  }
0x3a: {  	_ = 	snop  }
0x3b: {  	_ = 	snop  }
0x3c: {  	p2 =	seq.s32 s10, $0x1;
	s10 =	sld [smem:$0x3FB4]  }
0x3d: {  	_ =	shalt  }
0x3e: {  	_ =	shalt  }
0x3f: {  	_ =	shalt  }
0x40: {  	_ =	shalt  }
0x41: {  	_ =	shalt  }
0x42: {  	_ =	shalt  }
0x43: {  	_ =	shalt  }
0x44: {  	_ =	shalt  }
0x45: {  	_ =	shalt  }
0x46: {  	_ =	shalt  }
0x47: {  	_ =	shalt  }
0x48: {  	_ =	shalt  }
0x49: {  	_ =	shalt  }
0x4a: {  	_ =	shalt  }
0x4b: {  	_ =	shalt  }
0x4c: {  	_ =	shalt  }
0x4d: {  	_ =	shalt  }
0x4e: {  	_ =	shalt  }
0x4f: {  	_ =	shalt  }
0x50: {  	_ =	shalt  }
0x51: {  	_ =	shalt  }
0x52: {  	_ =	shalt  }
0x53: {  	_ =	shalt  }
0x54: {  	_ =	shalt  }
0x55: {  	_ =	shalt  }
0x56: {  	_ =	shalt  }
0x57: {  	_ =	shalt  }
0x58: {  	_ =	shalt  }
0x59: {  	_ =	shalt  }
0x5a: {  	_ =	shalt  }
0x5b: {  	_ =	shalt  }
0x5c: {  	_ =	shalt  }
0x5d: {  	_ =	shalt  }
0x5e: {  	_ =	shalt  }
0x5f: {  	_ =	shalt  }
0x60: {  	_ =	shalt  }
0x61: {  	_ =	shalt  }
0x62: {  	_ =	shalt  }
0x63: {  	_ =	shalt  }
0x64: {  	_ =	shalt  }
0x65: {  	_ =	shalt  }
0x66: {  	_ =	shalt  }
0x67: {  	_ =	shalt  }
0x68: {  	_ =	shalt  }
0x69: {  	_ =	shalt  }
0x6a: {  	_ =	shalt  }
0x6b: {  	_ =	shalt  }
0x6c: {  	_ =	shalt  }
0x6d: {  	_ =	shalt  }
0x6e: {  	_ =	shalt  }
0x6f: {  	_ =	shalt  }
0x70: {  	_ =	shalt  }
0x71: {  	_ =	shalt  }
0x72: {  	_ =	shalt  }
0x73: {  	_ =	shalt  }
0x74: {  	_ =	shalt  }
0x75: {  	_ =	shalt  }
0x76: {  	_ =	shalt  }
0x77: {  	_ =	shalt  }
0x78: {  	_ =	shalt  }
0x79: {  	_ =	shalt  }
0x7a: {  	_ =	shalt  }
0x7b: {  	_ =	shalt  }
0x7c: {  	_ =	shalt  }
0x7d: {  	_ =	shalt  }
0x7e: {  	_ =	shalt  }
0x7f: {  	_ =	shalt  }
0x80: {  	_ =	shalt  }
0x81: {  	_ =	shalt  }
0x82: {  	_ =	shalt  }
0x83: {  	_ =	shalt  }
0x84: {  	_ =	shalt  }
0x85: {  	_ =	shalt  }
0x86: {  	_ =	shalt  }
0x87: {  	_ =	shalt  }
.Lfunc_end0:
.L_simem_size_0:
called_computation.1_lowered:
.L_overlay_start_0:
0x88: {  	s2 =	sld [smem:$0x3FD9]  }
0x89: {  	s3 =	sld [smem:$0x3FFE];
	_ =	sdelay $0x1  }
0x8a: {  	s1 =	srdreg.scid  }
0x8b: {  	s0 =	sand.u32 $0x1, s1  }
0x8c: {  	s16 =	sshll.u32 s0, $0xA;
	s2 =	sadd.s32 s3, s2  }
0x8d: {  	s2 =	sadd.s32 s2, s16  }
0x8e: {  	[smem:$0x3FC0] =	sst s2  }
0x8f: {  	_ = 	snop  }
0x90: {  	(tm) =	ssettm $0x1  }
0x91: {  	s17 =	sld [smem:$0x3FFB];
	_ =	sdelay $0x3  }
0x92: {  	_ =	strace s17  }
0x93: {  	s2 =	sld [smem:$0x3FFC];
	_ =	sdelay $0x3  }
0x94: {  	_ =	strace s2  }
0x95: {  	s2 =	sld [smem:$0x3FFD];
	_ =	sdelay $0x3  }
0x96: {  	_ =	strace s2  }
0x97: {  	_ =	strace $0x8FFFFFFF  }
0x98: {  	s18 =	sld [smem:$0x3FDB];
	_ =	sdelay $0x1  }
0x99: {  	s19 =	simm.s32 $_scs_section_size  }
0x9a: {  	s4 =	simm.s32 $_size__tile_overlayer_lowered;
	s5 =	simm.s32 $_tile_overlayer_lowered  }
0x9b: {  	s22 =	simm.s32 $0x1BFF;
	s21 =	sshll.u32 s5, $0x1;
	s2 =	sadd.s32 s19, s18  }
0x9c: {  	s6 =	simm.s32 $0x0;
	s20 =	sshll.u32 s4, $0x1;
	s4 =	sadd.s32 s21, s2  }
0x9d: {  	[timem:s6], [sflag:s22] =	dma.local [hbm:s4], s20  }
0x9e: {  	_ =	swait.ge [sflag:s22], s20  }
0x9f: {  	s3 =	ssub.s32 $0x0, s20;
	[sflag:s22] =	ssyncset.done $0x0  }
0xa0: {  	[sflag:s22] =	ssyncadd.s32 s3;
	_ =	sdelay $0x1  }
0xa1: {  	s23 =	simm.s32 $0x1B8B  }
0xa2: {  	_ =	swait.ge [sflag:s23], $0x1  }
0xa3: {  	[sflag:s23] =	ssyncset.done $0x0  }
0xa4: {  	s25 =	simm.s32 $0x1B8E;
	s24 =	sld [smem:$0x3FFE];
	[sflag:s23] =	ssyncadd.s32 $0xFFFFFFFF  }
0xa5: {  	s26 =	simm.s32 $execute0_lowered;
	[smem:$0x3FD2] =	sst s25  }
0xa6: {  	s4 =	sshll.u32 s26, $0x1;
	_ =	strace $0x80000049;
	[dreg:$0x1] =	wrdreg $0xFFFFFFFF  }
0xa7: {  	s28 =	simm.s32 $_size_execute0_lowered;
	s2 =	sadd.s32 s2, s4;
	[dreg:$0x0] =	wrdreg $0x0  }
0xa8: {  	s4 =	sshll.u32 s28, $0x1;
	[dreg:$0x2] =	wrdreg s2  }
0xa9: {  	[dreg:$0x3] =	wrdreg s4  }
0xaa: {  	[dreg:$0x4] =	wrdreg $0xC0  }
0xab: {  	_ =	task [dreg:s6], $0x5FFFF  }
0xac: {  	[dreg:$0x1] =	wrdreg $0xFFFFFFFF  }
0xad: {  	[dreg:$0x0] =	wrdreg $0x60  }
0xae: {  	[dreg:$0x2] =	wrdreg s24  }
0xaf: {  	[dreg:$0x3] =	wrdreg $0x8F000  }
0xb0: {  	[dreg:$0x4] =	wrdreg $0x9  }
0xb1: {  	_ =	task.clear_ibuf [dreg:s6], $0x5FFFF;
	_ =	strace $0x90000049  }
0xb2: {  	s29 =	simm.s32 $0x9;
	_ =	strace $0x8000004B  }
0xb3: {  	_ =	swait.ge [sflag:s29], $0x1  }
0xb4: {  	[sflag:s29] =	ssyncadd.s32 $0xFFFFFFFF  }
0xb5: {  	_ =	strace $0x9000004B  }
0xb6: {  	_ =	sfence  }
0xb7: {  	s30 =	sld [smem:$0x0];
	_ =	sdelay $0x2  }
0xb8: {  	s31 =	sshll.u32 s1, $0xD;
	s1 =	sshrl.u32 s1, $0x2  }
0xb9: {  	s3 =	sand.u32 $0x4000, s31;
	s1 =	sadd.s32 s1, s30  }
0xba: {  	s0 =	sor.u32 s3, s0;
	s1 =	sshll.u32 s1, $0x11  }
0xbb: {  	s0 =	sor.u32 s1, s0  }
0xbc: {  	s0 =	sadd.s32 $0x8F2B, s0  }
0xbd: {  	[sflag:s0] =	ssyncadd.remote.s32 $0x1  }
0xbe: {  	_ =	sfence.sel $0xFFFF  }
0xbf: {  	[dreg:$0x0] =	wrdreg $0xFFFFFFFF;
	(pc) =	sbr.abs _section_cstart, $3  }
0xc0: {  	[dreg:$0x1] =	wrdreg $0xFFFFFFFF  }
0xc1: {  	_ =	task.clear_ibuf [dreg:s6], $0x2FFFF;
	_ =	strace $0x9FFFFFFF  }
0xc2: {  	(tm) =	ssettm $0x7FFFFFFF  }
0xc3: {  	_ =	shalt  }
tec
execute0_lowered:
.L_overlay_start_1:
0x0: {  	(tag) =	ssettag $0x1  }
0x1: {  	s1 =	srdreg.scid;
	s5 =	rddreg [dreg:$0x0]  }
0x2: {  	s0 =	stileid.u32;
	s2 =	rddreg [dreg:$0x1];
	s3 =	simm.s32 $0x0  }
0x3: {  	s12 =	simm.s32 $0x9C;
	s14 =	simm.s32 $0x2780;
	s17 =	simm.s32 $0x40  }
0x4: {  	s18 =	simm.s32 $0x4F00;
	s19 =	simm.s32 $0x6F00;
	s20 =	simm.s32 $0x1  }
0x5: {  	s21 =	simm.s32 $0x2;
	s22 =	simm.s32 $0x0;
	s4 =	smul.u32 $0x13A, s0  }
0x6: {  	s6 =	sand.u32 $0x1, s1;
	s1 =	rddreg [dreg:$0x2];
	s8 =	smul.u32 $0x13C00, s0  }
0x7: {  	[smem:$0x7FF] =	sst s3;
	s15 =	sshll.u32 s0, $0x6;
	s7 =	smul.u32 $0x9C, s6  }
0x8: {  	s9 =	smul.u32 $0x13C000, s6;
	_ =	strace $0x8000004A;
	s29 =	ssub.s32 $0x2, s6  }
0x9: {  	p0 =	seq.s32 s6, $0x0;
	s15 =	sor.u32 $0x1C03, s15;
	s10 =	sshrl.u32 s8, $0x3  }
0xa: {  	s30 =	sshrl.u32 s29, $0x1;
	s12 =	simm.s32 @!p0 $0x9E;
	s16 =	sadd.s32 s8, s2  }
0xb: {  	s7 =	sadd.s32 s7, s4;
	s4 =	sadd.s32 $0x7F600, s5;
	s9 =	sadd.s32 s8, s9  }
0xc: {  	s10 =	sadd.s32 s10, s5;
	s13 =	ssub.s32 s29, s30;
	s31 =	sshll.u32 s12, $0x6  }
0xd: {  	s12 =	sshrl.u32 s12, $0x1;
	s16 =	sshrl.u32 s16, $0x3;
	s7 =	sshll.u32 s7, $0x3  }
0xe: {  	s9 =	sshrl.u32 s9, $0x3;
	s8 =	sadd.s32 $0x2700, s31;
	s12 =	sadd.s32 $0xFFFFFFFF, s12  }
0xf: {  	s7 =	sadd.s32 s7, s5;
	s11 =	sadd.s32 s9, s5;
	s9 =	sadd.s32 $0x2740, s31  }
0x10: {  	s5 =	sadd.s32 $0x26400, s7;
	s6 =	sadd.s32 $0x1C200, s7;
	s7 =	sadd.s32 $0xA6800, s10  }
0x11: {  	s10 =	sadd.s32 $0xCE000, s11;
	s11 =	smax.u32 s13, $0x1;
	s13 =	simm.s32 $0x3  }
.LBB2_1:
0x12: {  	[tilespmem:s3], [sflag:$0x3] =	stream.linear.gather [hbm4b:s5+s3], $0x2780, $0x38;
	[tilespmem:$0x1CB00] =	vst v63  }
0x13: {  	_ =	swait.ge [sflag:s13], $0x2780  }
0x14: {  	[sflag:s13] =	ssyncset.done $0x0  }
0x15: {  	[sflag:s13] =	ssyncadd.s32 $0xFFFFD880  }
0x16: {  	[tilespmem:s14], [sflag:$0x3] =	stream.linear.gather [hbm4b:s6+s3], $0x2780, $0x38;
	[tilespmem:$0x1CB00] =	vst v63  }
0x17: {  	_ =	swait.ge [sflag:s13], $0x2780  }
0x18: {  	[sflag:s13] =	ssyncset.done $0x0  }
0x19: {  	[sflag:s13] =	ssyncadd.s32 $0xFFFFD880  }
0x1a: {  	[spmem:s16], [sflag:s15] =	dma.local [hbm:s7], $0x2780  }
0x1b: {  	_ =	swait.ge [sflag:s13], $0x2780  }
0x1c: {  	[sflag:s13] =	ssyncset.done $0x0  }
0x1d: {  	[sflag:s13] =	ssyncadd.s32 $0xFFFFD880  }
0x1e: {  	[bflag:$0x0] =	sbarrier.arrive $0xFFFF  }
0x1f: {  	[tilespmem:s18], [sflag:$0x1] =	stream.indirect.gather [hbm4b:s4+s17], $0x80, s3, s17, $0xb8;
	[tilespmem:$0x1CB00] =	vst v63  }
0x20: {  	_ = 	snop  }
0x21: {  	[tilespmem:s19], [sflag:$0x2] =	stream.indirect.gather [hbm4b:s4+s17], $0x80, s17, s17, $0xb8;
	[tilespmem:$0x1CB00] =	vst v63  }
0x22: {  	_ =	swait.ge [sflag:s20], $0x2000  }
0x23: {  	[sflag:s20] =	ssyncset.done $0x0  }
0x24: {  	s23 =	simm.s32 $0x2780;
	[sflag:s20] =	ssyncadd.s32 $0xFFFFE000  }
0x25: {  	[spmem:s2] =	stream.indirect.scatter.add.f32 [tilespmem:s18], [sflag:$0x3], $0x80, s23, s17, $0xb8;
	[tilespmem:$0x1CB00] =	vst v63  }
0x26: {  	_ =	swait.ge [sflag:s13], $0x2000  }
0x27: {  	[sflag:s13] =	ssyncset.done $0x0  }
0x28: {  	s30 =	simm.s32 $0x80;
	[sflag:s13] =	ssyncadd.s32 $0xFFFFE000  }
0x29: {  	[tilespmem:s18], [sflag:$0x1] =	stream.indirect.gather [hbm4b:s4+s17], $0x80, s30, s17, $0xb8;
	[tilespmem:$0x1CB00] =	vst v63  }
0x2a: {  	_ =	swait.ge [sflag:s21], $0x2000  }
0x2b: {  	p0 =	sne.s32 s12, $0x1;
	[sflag:s21] =	ssyncset.done $0x0  }
.Ltmp0:
0x2c: {  	s31 =	simm.s32 $0x27C0;
	[sflag:s21] =	ssyncadd.s32 $0xFFFFE000;
	(pc) =	sbr.rel @!p0 .LBB2_3-.Ltmp0, $4  }
0x2d: {  	[spmem:s2] =	stream.indirect.scatter.add.f32 [tilespmem:s19], [sflag:$0x3], $0x80, s31, s17, $0xb8;
	[tilespmem:$0x1CB00] =	vst v63  }
0x2e: {  	_ =	swait.ge [sflag:s13], $0x2000  }
0x2f: {  	s24 =	simm.s32 $0xC0;
	s25 =	simm.s32 $0x140;
	[sflag:s13] =	ssyncset.done $0x0  }
0x30: {  	s26 =	simm.s32 $0x2840;
	s23 =	sadd.s32 $0xFFFFFFFF, s12;
	[sflag:s13] =	ssyncadd.s32 $0xFFFFE000  }
.LBB2_2:
0x31: {  	[tilespmem:s19], [sflag:$0x2] =	stream.indirect.gather [hbm4b:s4+s17], $0x80, s24, s17, $0xb8;
	[tilespmem:$0x1CB00] =	vst v63  }
0x32: {  	p0 =	sne.s32 s23, $0x1;
	s23 =	sadd.s32 $0xFFFFFFFF, s23;
	_ =	swait.ge [sflag:s20], $0x2000  }
0x33: {  	s24 =	smov.u32 s25;
	[sflag:s20] =	ssyncset.done $0x0  }
0x34: {  	s28 =	sadd.s32 $0xFFFFFFC0, s26;
	[sflag:s20] =	ssyncadd.s32 $0xFFFFE000  }
0x35: {  	[spmem:s2] =	stream.indirect.scatter.add.f32 [tilespmem:s18], [sflag:$0x3], $0x80, s28, s17, $0xb8;
	[tilespmem:$0x1CB00] =	vst v63  }
0x36: {  	_ =	swait.ge [sflag:s13], $0x2000  }
0x37: {  	[sflag:s13] =	ssyncset.done $0x0  }
0x38: {  	s28 =	sadd.s32 $0xFFFFFFC0, s25;
	[sflag:s13] =	ssyncadd.s32 $0xFFFFE000  }
0x39: {  	[tilespmem:s18], [sflag:$0x1] =	stream.indirect.gather [hbm4b:s4+s17], $0x80, s28, s17, $0xb8;
	[tilespmem:$0x1CB00] =	vst v63  }
0x3a: {  	_ =	swait.ge [sflag:s21], $0x2000  }
0x3b: {  	[sflag:s21] =	ssyncset.done $0x0  }
.Ltmp1:
0x3c: {  	[sflag:s21] =	ssyncadd.s32 $0xFFFFE000;
	(pc) =	sbr.rel @p0 .LBB2_2-.Ltmp1, $4  }
0x3d: {  	[spmem:s2] =	stream.indirect.scatter.add.f32 [tilespmem:s19], [sflag:$0x3], $0x80, s26, s17, $0xb8;
	[tilespmem:$0x1CB00] =	vst v63  }
0x3e: {  	_ =	swait.ge [sflag:s13], $0x2000  }
0x3f: {  	[sflag:s13] =	ssyncset.done $0x0  }
0x40: {  	s25 =	sadd.s32 $0x80, s25;
	s26 =	sadd.s32 $0x80, s26;
	[sflag:s13] =	ssyncadd.s32 $0xFFFFE000  }
.LBB2_3:
0x41: {  	[tilespmem:s19], [sflag:$0x2] =	stream.indirect.gather [hbm4b:s4+s17], $0x80, s24, s17, $0xb8;
	[tilespmem:$0x1CB00] =	vst v63  }
0x42: {  	_ =	swait.ge [sflag:s20], $0x2000  }
0x43: {  	[sflag:s20] =	ssyncset.done $0x0  }
0x44: {  	[sflag:s20] =	ssyncadd.s32 $0xFFFFE000  }
0x45: {  	[spmem:s2] =	stream.indirect.scatter.add.f32 [tilespmem:s18], [sflag:$0x3], $0x80, s8, s17, $0xb8;
	[tilespmem:$0x1CB00] =	vst v63  }
0x46: {  	_ =	swait.ge [sflag:s13], $0x2000  }
0x47: {  	[sflag:s13] =	ssyncset.done $0x0  }
0x48: {  	[sflag:s13] =	ssyncadd.s32 $0xFFFFE000  }
0x49: {  	_ =	swait.ge [sflag:s21], $0x2000  }
0x4a: {  	[sflag:s21] =	ssyncset.done $0x0  }
0x4b: {  	[sflag:s21] =	ssyncadd.s32 $0xFFFFE000  }
0x4c: {  	[spmem:s2] =	stream.indirect.scatter.add.f32 [tilespmem:s19], [sflag:$0x3], $0x80, s9, s17, $0xb8;
	[tilespmem:$0x1CB00] =	vst v63  }
0x4d: {  	_ =	swait.ge [sflag:s13], $0x2000  }
0x4e: {  	s22 =	sadd.s32 $0x1, s22;
	[sflag:s13] =	ssyncset.done $0x0  }
0x4f: {  	p0 =	sne.s32 s22, s11;
	[sflag:s13] =	ssyncadd.s32 $0xFFFFE000  }
.Ltmp2:
0x50: {  	[bflag:$0x0] =	sbarrier.arrive $0xFFFF;
	(pc) =	sbr.rel @p0 .LBB2_1-.Ltmp2, $4  }
0x51: {  	[hbm:s10], [sflag:s15] =	dma.local [spmem:s16], $0x2780  }
0x52: {  	_ =	swait.ge [sflag:s13], $0x2780  }
0x53: {  	[sflag:s13] =	ssyncset.done $0x0  }
0x54: {  	[sflag:s13] =	ssyncadd.s32 $0xFFFFD880  }
0x55: {  	_ =	sfence.sel $0x180000  }
0x56: {  	[bflag:$0x0] =	sbarrier.arrive $0xFFFF  }
0x57: {  	p0 =	sne.s32 s0, $0x0;
	_ =	strace $0x9000004A  }
0x58: {  	s0 =	sadd.s32 @!p0 $0x100000, s1;
	[bflag:$0x2] =	sbarrier.arrive $0xFFFF  }
0x59: {  	[sflag:s0] =	ssyncadd.tile.s32 @!p0 $0x1;
	_ =	shalt  }
.Lfunc_end2:
_tile_overlayer_lowered:
.L_overlay_start_2:
0x5a: {  	(tag) =	ssettag $0x2  }
0x5b: {  	s0 =	rddreg [dreg:$0x0];
	s2 =	stileid.u32  }
0x5c: {  	s1 =	rddreg [dreg:$0x1];
	p0 =	sne.s32 s2, $0x0  }
0x5d: {  	s3 =	rddreg [dreg:$0x2];
	[bflag:$0x3] =	sbarrier.arrive $0xFFFF;
	s2 =	simm.s32 @!p0 $0x1C03  }
0x5e: {  	[timem:s3], [sflag:s2] =	dma.local @!p0 [hbm:s0], s1  }
0x5f: {  	s0 =	simm.s32 @!p0 $0x3  }
0x60: {  	_ =	swait.ge @!p0 [sflag:s0], s1  }
0x61: {  	s1 =	ssub.s32 @!p0 $0x0, s1;
	[sflag:s0] =	ssyncset.done @!p0 $0x0  }
0x62: {  	[sflag:s0] =	ssyncadd.s32 @!p0 s1  }
0x63: {  	[bflag:$0x3] =	sbarrier.arrive $0xFFFF  }
0x64: {  	_ =	shalt  }

// kernel: kernel.16.cloned.1.call-start
scs
__scs_entry_jumppad:
0x0: {  	(pc) =	sbr.rel $0x88, $3  }
0x1: {  	(tag) =	ssettag $0x0;
	lr =	simm.s32 $0x1  }
0x2: {  	[smem:$0x3F99] =	sst lr;
	_ =	strace $0xD0000000  }
0x3: {  	_ = 	snop  }
0x4: {  	_ = 	snop  }
0x5: {  	_ = 	snop  }
0x6: {  	_ = 	snop  }
0x7: {  	_ = 	snop  }
__scs_overlays_trampoline_lowered:
0x8: {  	[smem:$0x3FA8] =	sst s0  }
0x9: {  	[smem:$0x3FA9] =	sst s1  }
0xa: {  	[smem:$0x3FAA] =	sst s2  }
0xb: {  	[smem:$0x3FAB] =	sst s3  }
0xc: {  	[smem:$0x3FAC] =	sst s4  }
0xd: {  	[smem:$0x3FAD] =	sst s5  }
0xe: {  	[smem:$0x3FAE] =	sst s6  }
0xf: {  	[smem:$0x3FAF] =	sst s7  }
0x10: {  	[smem:$0x3FB0] =	sst s8  }
0x11: {  	[smem:$0x3FB1] =	sst s9;
	s0 =	simm.s32 @!p0 $0x0  }
0x12: {  	s1 =	sld [smem:$0x3F97];
	s0 =	simm.s32 @p0 $0x1  }
0x13: {  	[smem:$0x3FB2] =	sst s0;
	s0 =	simm.s32 @!p1 $0x0  }
0x14: {  	s2 =	sld [smem:$0x3F96];
	s0 =	simm.s32 @p1 $0x1  }
0x15: {  	[smem:$0x3FB3] =	sst s0;
	s0 =	simm.s32 @!p2 $0x0  }
0x16: {  	s3 =	sld [smem:$0x3FDB];
	s0 =	simm.s32 @p2 $0x1  }
0x17: {  	s4 =	simm.s32 $0x1BF5;
	[smem:$0x3FB5] =	sst s0  }
0x18: {  	s0 =	sld [smem:$0x3F98];
	_ =	swait.ge [sflag:s4], $0x0  }
0x19: {  	s7 =	sld [smem:$0x3F99]  }
0x1a: {  	s8 =	sadd.s32 $0xFFFFE003, lr  }
0x1b: {  	s9 =	sadd.s32 $0xFFFFFEF7, lr;
	s5 =	simm.s32 $0xFFFFFFFF;
	p2 =	slt.u32 s8, $0xFFFFF086  }
0x1c: {  	p1 =	slt.u32 s9, $0xF7A;
	s5 =	simm.s32 @!p2 $0x0  }
0x1d: {  	s5 =	simm.s32 @p1 $0x1;
	p0 =	seq.s32 s7, s2  }
0x1e: {  	s7 =	smul.u32 @!p0 $0xF7A, s2;
	p2 =	seq.s32 @!p0 s5, $0x0  }
0x1f: {  	s9 =	smul.u32 $0xF7A, s1;
	s8 =	simm.s32 @!p0 $0x1BF5;
	p2 =	por !p2, p0  }
0x20: {  	[sflag:s8] =	ssyncset.s32 @!p0 $0xFFFFF086;
	s6 =	sadd.s32 @!p0 s3, s7;
	s7 =	simm.s32 @!p0 $0x108  }
0x21: {  	s3 =	sadd.s32 s3, s9;
	s6 =	sadd.s32 @!p0 $0x88, s6;
	s7 =	simm.s32 @p2 $0x1082  }
0x22: {  	[simem:s7], [sflag:s8] =	dma.local @!p0 [hbm:s6], $0xF7A  }
0x23: {  	s9 =	sor.u32 $0xD0000000, s2;
	s6 =	simm.s32 $0x108;
	_ =	swait.ge @!p0 [sflag:s8], $0x0  }
0x24: {  	s3 =	sadd.s32 $0x88, s3;
	s6 =	simm.s32 @!p1 $0x1082;
	[sflag:s4] =	ssyncset.s32 $0xFFFFF086  }
0x25: {  	[simem:s6], [sflag:s4] =	dma.local [hbm:s3], $0xF7A  }
0x26: {  	[smem:$0x3F99] =	sst s1;
	(tag) =	ssettag s2;
	_ =	strace s9  }
0x27: {  	s1 =	sld [smem:$0x3FA9]  }
0x28: {  	s2 =	sld [smem:$0x3FAA]  }
0x29: {  	s4 =	sld [smem:$0x3FAC]  }
0x2a: {  	p0 =	seq.s32 s5, $0x0;
	s5 =	sld [smem:$0x3FAD]  }
0x2b: {  	s6 =	sld [smem:$0x3FAE]  }
0x2c: {  	s7 =	sld [smem:$0x3FAF]  }
0x2d: {  	s3 =	simm.s32 $0x108;
	s8 =	sld [smem:$0x3FB0]  }
0x2e: {  	s3 =	simm.s32 @!p0 $0x1082;
	s9 =	sld [smem:$0x3FB1]  }
0x2f: {  	lr =	sadd.s32 s0, s3;
	s0 =	sld [smem:$0x3FA8]  }
0x30: {  	s3 =	sld [smem:$0x3FAB]  }
0x31: {  	[smem:$0x3FB4] =	sst s10  }
0x32: {  	s10 =	sld [smem:$0x3FB2];
	_ =	sdelay $0x3  }
0x33: {  	p0 =	seq.s32 s10, $0x1;
	s10 =	sld [smem:$0x3FB4];
	_ =	sdelay $0x3  }
0x34: {  	[smem:$0x3FB4] =	sst s10  }
0x35: {  	s10 =	sld [smem:$0x3FB3];
	_ =	sdelay $0x3  }
0x36: {  	p1 =	seq.s32 s10, $0x1;
	s10 =	sld [smem:$0x3FB4];
	_ =	sdelay $0x3  }
0x37: {  	[smem:$0x3FB4] =	sst s10  }
0x38: {  	s10 =	sld [smem:$0x3FB5]  }
0x39: {  	_ = 	snop;
	(pc) =	sbr.ind lr, $3  }
0x3a: {  	_ = 	snop  }
0x3b: {  	_ = 	snop  }
0x3c: {  	p2 =	seq.s32 s10, $0x1;
	s10 =	sld [smem:$0x3FB4]  }
0x3d: {  	_ =	shalt  }
0x3e: {  	_ =	shalt  }
0x3f: {  	_ =	shalt  }
0x40: {  	_ =	shalt  }
0x41: {  	_ =	shalt  }
0x42: {  	_ =	shalt  }
0x43: {  	_ =	shalt  }
0x44: {  	_ =	shalt  }
0x45: {  	_ =	shalt  }
0x46: {  	_ =	shalt  }
0x47: {  	_ =	shalt  }
0x48: {  	_ =	shalt  }
0x49: {  	_ =	shalt  }
0x4a: {  	_ =	shalt  }
0x4b: {  	_ =	shalt  }
0x4c: {  	_ =	shalt  }
0x4d: {  	_ =	shalt  }
0x4e: {  	_ =	shalt  }
0x4f: {  	_ =	shalt  }
0x50: {  	_ =	shalt  }
0x51: {  	_ =	shalt  }
0x52: {  	_ =	shalt  }
0x53: {  	_ =	shalt  }
0x54: {  	_ =	shalt  }
0x55: {  	_ =	shalt  }
0x56: {  	_ =	shalt  }
0x57: {  	_ =	shalt  }
0x58: {  	_ =	shalt  }
0x59: {  	_ =	shalt  }
0x5a: {  	_ =	shalt  }
0x5b: {  	_ =	shalt  }
0x5c: {  	_ =	shalt  }
0x5d: {  	_ =	shalt  }
0x5e: {  	_ =	shalt  }
0x5f: {  	_ =	shalt  }
0x60: {  	_ =	shalt  }
0x61: {  	_ =	shalt  }
0x62: {  	_ =	shalt  }
0x63: {  	_ =	shalt  }
0x64: {  	_ =	shalt  }
0x65: {  	_ =	shalt  }
0x66: {  	_ =	shalt  }
0x67: {  	_ =	shalt  }
0x68: {  	_ =	shalt  }
0x69: {  	_ =	shalt  }
0x6a: {  	_ =	shalt  }
0x6b: {  	_ =	shalt  }
0x6c: {  	_ =	shalt  }
0x6d: {  	_ =	shalt  }
0x6e: {  	_ =	shalt  }
0x6f: {  	_ =	shalt  }
0x70: {  	_ =	shalt  }
0x71: {  	_ =	shalt  }
0x72: {  	_ =	shalt  }
0x73: {  	_ =	shalt  }
0x74: {  	_ =	shalt  }
0x75: {  	_ =	shalt  }
0x76: {  	_ =	shalt  }
0x77: {  	_ =	shalt  }
0x78: {  	_ =	shalt  }
0x79: {  	_ =	shalt  }
0x7a: {  	_ =	shalt  }
0x7b: {  	_ =	shalt  }
0x7c: {  	_ =	shalt  }
0x7d: {  	_ =	shalt  }
0x7e: {  	_ =	shalt  }
0x7f: {  	_ =	shalt  }
0x80: {  	_ =	shalt  }
0x81: {  	_ =	shalt  }
0x82: {  	_ =	shalt  }
0x83: {  	_ =	shalt  }
0x84: {  	_ =	shalt  }
0x85: {  	_ =	shalt  }
0x86: {  	_ =	shalt  }
0x87: {  	_ =	shalt  }
.Lfunc_end0:
.L_simem_size_0:
called_computation.2_lowered:
.L_overlay_start_0:
0x88: {  	s2 =	sld [smem:$0x3FD9]  }
0x89: {  	s3 =	sld [smem:$0x3FFE];
	_ =	sdelay $0x1  }
0x8a: {  	s1 =	srdreg.scid  }
0x8b: {  	s0 =	sand.u32 $0x1, s1  }
0x8c: {  	s16 =	sshll.u32 s0, $0xA;
	s2 =	sadd.s32 s3, s2  }
0x8d: {  	s2 =	sadd.s32 s2, s16  }
0x8e: {  	[smem:$0x3FC0] =	sst s2  }
0x8f: {  	_ = 	snop  }
0x90: {  	(tm) =	ssettm $0x1  }
0x91: {  	s17 =	sld [smem:$0x3FFB];
	_ =	sdelay $0x3  }
0x92: {  	_ =	strace s17  }
0x93: {  	s2 =	sld [smem:$0x3FFC];
	_ =	sdelay $0x3  }
0x94: {  	_ =	strace s2  }
0x95: {  	s2 =	sld [smem:$0x3FFD];
	_ =	sdelay $0x3  }
0x96: {  	_ =	strace s2  }
0x97: {  	_ =	strace $0x8FFFFFFF  }
0x98: {  	s18 =	sld [smem:$0x3FDB];
	_ =	sdelay $0x1  }
0x99: {  	s19 =	simm.s32 $_scs_section_size  }
0x9a: {  	s4 =	simm.s32 $_size__tile_overlayer_lowered;
	s5 =	simm.s32 $_tile_overlayer_lowered  }
0x9b: {  	s22 =	simm.s32 $0x1BFF;
	s21 =	sshll.u32 s5, $0x1;
	s2 =	sadd.s32 s19, s18  }
0x9c: {  	s6 =	simm.s32 $0x0;
	s20 =	sshll.u32 s4, $0x1;
	s4 =	sadd.s32 s21, s2  }
0x9d: {  	[timem:s6], [sflag:s22] =	dma.local [hbm:s4], s20  }
0x9e: {  	_ =	swait.ge [sflag:s22], s20  }
0x9f: {  	s3 =	ssub.s32 $0x0, s20;
	[sflag:s22] =	ssyncset.done $0x0  }
0xa0: {  	[sflag:s22] =	ssyncadd.s32 s3;
	_ =	sdelay $0x1  }
0xa1: {  	s23 =	simm.s32 $0x1B8B  }
0xa2: {  	_ =	swait.ge [sflag:s23], $0x1  }
0xa3: {  	[sflag:s23] =	ssyncset.done $0x0  }
0xa4: {  	s25 =	simm.s32 $0x1B8E;
	s24 =	sld [smem:$0x3FFE];
	[sflag:s23] =	ssyncadd.s32 $0xFFFFFFFF  }
0xa5: {  	s26 =	simm.s32 $execute0_lowered;
	[smem:$0x3FD2] =	sst s25  }
0xa6: {  	s4 =	sshll.u32 s26, $0x1;
	_ =	strace $0x8000004C;
	[dreg:$0x1] =	wrdreg $0xFFFFFFFF  }
0xa7: {  	s28 =	simm.s32 $_size_execute0_lowered;
	s2 =	sadd.s32 s2, s4;
	[dreg:$0x0] =	wrdreg $0x0  }
0xa8: {  	s4 =	sshll.u32 s28, $0x1;
	[dreg:$0x2] =	wrdreg s2  }
0xa9: {  	[dreg:$0x3] =	wrdreg s4  }
0xaa: {  	[dreg:$0x4] =	wrdreg $0xC0  }
0xab: {  	_ =	task [dreg:s6], $0x5FFFF  }
0xac: {  	[dreg:$0x1] =	wrdreg $0xFFFFFFFF  }
0xad: {  	[dreg:$0x0] =	wrdreg $0x60  }
0xae: {  	[dreg:$0x2] =	wrdreg s24  }
0xaf: {  	[dreg:$0x3] =	wrdreg $0x60000  }
0xb0: {  	[dreg:$0x4] =	wrdreg $0x9  }
0xb1: {  	_ =	task.clear_ibuf [dreg:s6], $0x5FFFF;
	_ =	strace $0x9000004C  }
0xb2: {  	s29 =	simm.s32 $0x9;
	_ =	strace $0x8000004E  }
0xb3: {  	_ =	swait.ge [sflag:s29], $0x1  }
0xb4: {  	[sflag:s29] =	ssyncadd.s32 $0xFFFFFFFF  }
0xb5: {  	_ =	strace $0x9000004E  }
0xb6: {  	_ =	sfence  }
0xb7: {  	s30 =	sld [smem:$0x0];
	_ =	sdelay $0x2  }
0xb8: {  	s31 =	sshll.u32 s1, $0xD;
	s1 =	sshrl.u32 s1, $0x2  }
0xb9: {  	s3 =	sand.u32 $0x4000, s31;
	s1 =	sadd.s32 s1, s30  }
0xba: {  	s0 =	sor.u32 s3, s0;
	s1 =	sshll.u32 s1, $0x11  }
0xbb: {  	s0 =	sor.u32 s1, s0  }
0xbc: {  	s0 =	sadd.s32 $0x8F2B, s0  }
0xbd: {  	[sflag:s0] =	ssyncadd.remote.s32 $0x1  }
0xbe: {  	_ =	sfence.sel $0xFFFF  }
0xbf: {  	[dreg:$0x0] =	wrdreg $0xFFFFFFFF;
	(pc) =	sbr.abs _section_cstart, $3  }
0xc0: {  	[dreg:$0x1] =	wrdreg $0xFFFFFFFF  }
0xc1: {  	_ =	task.clear_ibuf [dreg:s6], $0x2FFFF;
	_ =	strace $0x9FFFFFFF  }
0xc2: {  	(tm) =	ssettm $0x7FFFFFFF  }
0xc3: {  	_ =	shalt  }
tec
execute0_lowered:
.L_overlay_start_1:
0x0: {  	(tag) =	ssettag $0x1  }
0x1: {  	s1 =	srdreg.scid;
	s5 =	rddreg [dreg:$0x0]  }
0x2: {  	s0 =	stileid.u32;
	s2 =	rddreg [dreg:$0x1];
	s3 =	simm.s32 $0x0  }
0x3: {  	s12 =	simm.s32 $0x4E;
	s14 =	simm.s32 $0x2800;
	s17 =	simm.s32 $0x80  }
0x4: {  	s18 =	simm.s32 $0x5000;
	s19 =	simm.s32 $0x5800;
	s20 =	simm.s32 $0x1  }
0x5: {  	s21 =	simm.s32 $0x2;
	s22 =	simm.s32 $0x0;
	s4 =	smul.u32 $0x9E, s0  }
0x6: {  	s6 =	sand.u32 $0x1, s1;
	s1 =	rddreg [dreg:$0x2];
	s8 =	smul.u32 $0x2780, s0  }
0x7: {  	[smem:$0x7FF] =	sst s3;
	s15 =	sshll.u32 s0, $0x6;
	s7 =	smul.u32 $0x4E, s6  }
0x8: {  	s9 =	smul.u32 $0x27800, s6;
	_ =	strace $0x8000004D;
	s29 =	ssub.s32 $0x2, s6  }
0x9: {  	p0 =	seq.s32 s6, $0x0;
	s15 =	sor.u32 $0x1C03, s15;
	s10 =	sshrl.u32 s8, $0x3  }
0xa: {  	s30 =	sshrl.u32 s29, $0x1;
	s12 =	simm.s32 @!p0 $0x50;
	s16 =	sadd.s32 s8, s2  }
0xb: {  	s7 =	sadd.s32 s7, s4;
	s4 =	sadd.s32 $0x12400, s5;
	s9 =	sadd.s32 s8, s9  }
0xc: {  	s10 =	sadd.s32 s10, s5;
	s13 =	ssub.s32 s29, s30;
	s31 =	sshll.u32 s12, $0x7  }
0xd: {  	s12 =	sshrl.u32 s12, $0x1;
	s16 =	sshrl.u32 s16, $0x3;
	s7 =	sshll.u32 s7, $0x4  }
0xe: {  	s9 =	sshrl.u32 s9, $0x3;
	s8 =	sadd.s32 $0x2700, s31;
	s12 =	sadd.s32 $0xFFFFFFFF, s12  }
0xf: {  	s7 =	sadd.s32 s7, s5;
	s11 =	sadd.s32 s9, s5;
	s9 =	sadd.s32 $0x2780, s31  }
0x10: {  	s5 =	sadd.s32 $0x11D000, s7;
	s6 =	sadd.s32 $0x3000, s7;
	s7 =	sadd.s32 $0xD400, s10  }
0x11: {  	s10 =	sadd.s32 $0x17400, s11;
	s11 =	smax.u32 s13, $0x1;
	s13 =	simm.s32 $0x3  }
.LBB2_1:
0x12: {  	[tilespmem:s3], [sflag:$0x3] =	stream.linear.gather [hbm4b:s5+s3], $0x2800, $0x38;
	[tilespmem:$0x8780] =	vst v63  }
0x13: {  	_ =	swait.ge [sflag:s13], $0x2800  }
0x14: {  	[sflag:s13] =	ssyncset.done $0x0  }
0x15: {  	[sflag:s13] =	ssyncadd.s32 $0xFFFFD800  }
0x16: {  	[tilespmem:s14], [sflag:$0x3] =	stream.linear.gather [hbm4b:s6+s3], $0x2800, $0x38;
	[tilespmem:$0x8780] =	vst v63  }
0x17: {  	_ =	swait.ge [sflag:s13], $0x2800  }
0x18: {  	[sflag:s13] =	ssyncset.done $0x0  }
0x19: {  	[sflag:s13] =	ssyncadd.s32 $0xFFFFD800  }
0x1a: {  	[spmem:s16], [sflag:s15] =	dma.local [hbm:s7], $0x4F0  }
0x1b: {  	_ =	swait.ge [sflag:s13], $0x4F0  }
0x1c: {  	[sflag:s13] =	ssyncset.done $0x0  }
0x1d: {  	[sflag:s13] =	ssyncadd.s32 $0xFFFFFB10  }
0x1e: {  	[bflag:$0x0] =	sbarrier.arrive $0xFFFF  }
0x1f: {  	[tilespmem:s18], [sflag:$0x1] =	stream.indirect.gather [hbm4b:s4+s17], $0x10, s3, s17, $0xb8;
	[tilespmem:$0x8780] =	vst v63  }
0x20: {  	_ = 	snop  }
0x21: {  	[tilespmem:s19], [sflag:$0x2] =	stream.indirect.gather [hbm4b:s4+s17], $0x10, s17, s17, $0xb8;
	[tilespmem:$0x8780] =	vst v63  }
0x22: {  	_ =	swait.ge [sflag:s20], $0x800  }
0x23: {  	[sflag:s20] =	ssyncset.done $0x0  }
0x24: {  	s23 =	simm.s32 $0x2800;
	[sflag:s20] =	ssyncadd.s32 $0xFFFFF800  }
0x25: {  	[spmem:s2] =	stream.indirect.scatter.add.f32 [tilespmem:s18], [sflag:$0x3], $0x10, s23, s17, $0xb8;
	[tilespmem:$0x8780] =	vst v63  }
0x26: {  	_ =	swait.ge [sflag:s13], $0x800  }
0x27: {  	[sflag:s13] =	ssyncset.done $0x0  }
0x28: {  	s30 =	simm.s32 $0x100;
	[sflag:s13] =	ssyncadd.s32 $0xFFFFF800  }
0x29: {  	[tilespmem:s18], [sflag:$0x1] =	stream.indirect.gather [hbm4b:s4+s17], $0x10, s30, s17, $0xb8;
	[tilespmem:$0x8780] =	vst v63  }
0x2a: {  	_ =	swait.ge [sflag:s21], $0x800  }
0x2b: {  	p0 =	sne.s32 s12, $0x1;
	[sflag:s21] =	ssyncset.done $0x0  }
.Ltmp0:
0x2c: {  	s31 =	simm.s32 $0x2880;
	[sflag:s21] =	ssyncadd.s32 $0xFFFFF800;
	(pc) =	sbr.rel @!p0 .LBB2_3-.Ltmp0, $4  }
0x2d: {  	[spmem:s2] =	stream.indirect.scatter.add.f32 [tilespmem:s19], [sflag:$0x3], $0x10, s31, s17, $0xb8;
	[tilespmem:$0x8780] =	vst v63  }
0x2e: {  	_ =	swait.ge [sflag:s13], $0x800  }
0x2f: {  	s24 =	simm.s32 $0x180;
	s25 =	simm.s32 $0x280;
	[sflag:s13] =	ssyncset.done $0x0  }
0x30: {  	s26 =	simm.s32 $0x2980;
	s23 =	sadd.s32 $0xFFFFFFFF, s12;
	[sflag:s13] =	ssyncadd.s32 $0xFFFFF800  }
.LBB2_2:
0x31: {  	[tilespmem:s19], [sflag:$0x2] =	stream.indirect.gather [hbm4b:s4+s17], $0x10, s24, s17, $0xb8;
	[tilespmem:$0x8780] =	vst v63  }
0x32: {  	p0 =	sne.s32 s23, $0x1;
	s23 =	sadd.s32 $0xFFFFFFFF, s23;
	_ =	swait.ge [sflag:s20], $0x800  }
0x33: {  	s24 =	smov.u32 s25;
	[sflag:s20] =	ssyncset.done $0x0  }
0x34: {  	s28 =	sadd.s32 $0xFFFFFF80, s26;
	[sflag:s20] =	ssyncadd.s32 $0xFFFFF800  }
0x35: {  	[spmem:s2] =	stream.indirect.scatter.add.f32 [tilespmem:s18], [sflag:$0x3], $0x10, s28, s17, $0xb8;
	[tilespmem:$0x8780] =	vst v63  }
0x36: {  	_ =	swait.ge [sflag:s13], $0x800  }
0x37: {  	[sflag:s13] =	ssyncset.done $0x0  }
0x38: {  	s28 =	sadd.s32 $0xFFFFFF80, s25;
	[sflag:s13] =	ssyncadd.s32 $0xFFFFF800  }
0x39: {  	[tilespmem:s18], [sflag:$0x1] =	stream.indirect.gather [hbm4b:s4+s17], $0x10, s28, s17, $0xb8;
	[tilespmem:$0x8780] =	vst v63  }
0x3a: {  	_ =	swait.ge [sflag:s21], $0x800  }
0x3b: {  	[sflag:s21] =	ssyncset.done $0x0  }
.Ltmp1:
0x3c: {  	[sflag:s21] =	ssyncadd.s32 $0xFFFFF800;
	(pc) =	sbr.rel @p0 .LBB2_2-.Ltmp1, $4  }
0x3d: {  	[spmem:s2] =	stream.indirect.scatter.add.f32 [tilespmem:s19], [sflag:$0x3], $0x10, s26, s17, $0xb8;
	[tilespmem:$0x8780] =	vst v63  }
0x3e: {  	_ =	swait.ge [sflag:s13], $0x800  }
0x3f: {  	[sflag:s13] =	ssyncset.done $0x0  }
0x40: {  	s25 =	sadd.s32 $0x100, s25;
	s26 =	sadd.s32 $0x100, s26;
	[sflag:s13] =	ssyncadd.s32 $0xFFFFF800  }
.LBB2_3:
0x41: {  	[tilespmem:s19], [sflag:$0x2] =	stream.indirect.gather [hbm4b:s4+s17], $0x10, s24, s17, $0xb8;
	[tilespmem:$0x8780] =	vst v63  }
0x42: {  	_ =	swait.ge [sflag:s20], $0x800  }
0x43: {  	[sflag:s20] =	ssyncset.done $0x0  }
0x44: {  	[sflag:s20] =	ssyncadd.s32 $0xFFFFF800  }
0x45: {  	[spmem:s2] =	stream.indirect.scatter.add.f32 [tilespmem:s18], [sflag:$0x3], $0x10, s8, s17, $0xb8;
	[tilespmem:$0x8780] =	vst v63  }
0x46: {  	_ =	swait.ge [sflag:s13], $0x800  }
0x47: {  	[sflag:s13] =	ssyncset.done $0x0  }
0x48: {  	[sflag:s13] =	ssyncadd.s32 $0xFFFFF800  }
0x49: {  	_ =	swait.ge [sflag:s21], $0x800  }
0x4a: {  	[sflag:s21] =	ssyncset.done $0x0  }
0x4b: {  	[sflag:s21] =	ssyncadd.s32 $0xFFFFF800  }
0x4c: {  	[spmem:s2] =	stream.indirect.scatter.add.f32 [tilespmem:s19], [sflag:$0x3], $0x10, s9, s17, $0xb8;
	[tilespmem:$0x8780] =	vst v63  }
0x4d: {  	_ =	swait.ge [sflag:s13], $0x800  }
0x4e: {  	s22 =	sadd.s32 $0x1, s22;
	[sflag:s13] =	ssyncset.done $0x0  }
0x4f: {  	p0 =	sne.s32 s22, s11;
	[sflag:s13] =	ssyncadd.s32 $0xFFFFF800  }
.Ltmp2:
0x50: {  	[bflag:$0x0] =	sbarrier.arrive $0xFFFF;
	(pc) =	sbr.rel @p0 .LBB2_1-.Ltmp2, $4  }
0x51: {  	[hbm:s10], [sflag:s15] =	dma.local [spmem:s16], $0x4F0  }
0x52: {  	_ =	swait.ge [sflag:s13], $0x4F0  }
0x53: {  	[sflag:s13] =	ssyncset.done $0x0  }
0x54: {  	[sflag:s13] =	ssyncadd.s32 $0xFFFFFB10  }
0x55: {  	_ =	sfence.sel $0x180000  }
0x56: {  	[bflag:$0x0] =	sbarrier.arrive $0xFFFF  }
0x57: {  	p0 =	sne.s32 s0, $0x0;
	_ =	strace $0x9000004D  }
0x58: {  	s0 =	sadd.s32 @!p0 $0x100000, s1;
	[bflag:$0x2] =	sbarrier.arrive $0xFFFF  }
0x59: {  	[sflag:s0] =	ssyncadd.tile.s32 @!p0 $0x1;
	_ =	shalt  }
.Lfunc_end2:
_tile_overlayer_lowered:
.L_overlay_start_2:
0x5a: {  	(tag) =	ssettag $0x2  }
0x5b: {  	s0 =	rddreg [dreg:$0x0];
	s2 =	stileid.u32  }
0x5c: {  	s1 =	rddreg [dreg:$0x1];
	p0 =	sne.s32 s2, $0x0  }
0x5d: {  	s3 =	rddreg [dreg:$0x2];
	[bflag:$0x3] =	sbarrier.arrive $0xFFFF;
	s2 =	simm.s32 @!p0 $0x1C03  }
0x5e: {  	[timem:s3], [sflag:s2] =	dma.local @!p0 [hbm:s0], s1  }
0x5f: {  	s0 =	simm.s32 @!p0 $0x3  }
0x60: {  	_ =	swait.ge @!p0 [sflag:s0], s1  }
0x61: {  	s1 =	ssub.s32 @!p0 $0x0, s1;
	[sflag:s0] =	ssyncset.done @!p0 $0x0  }
0x62: {  	[sflag:s0] =	ssyncadd.s32 @!p0 s1  }
0x63: {  	[bflag:$0x3] =	sbarrier.arrive $0xFFFF  }
0x64: {  	_ =	shalt  }

// kernel: kernel.19.cloned.1.call-start
scs
__scs_entry_jumppad:
0x0: {  	(pc) =	sbr.rel $0x88, $3  }
0x1: {  	(tag) =	ssettag $0x0;
	lr =	simm.s32 $0x1  }
0x2: {  	[smem:$0x3F99] =	sst lr;
	_ =	strace $0xD0000000  }
0x3: {  	_ = 	snop  }
0x4: {  	_ = 	snop  }
0x5: {  	_ = 	snop  }
0x6: {  	_ = 	snop  }
0x7: {  	_ = 	snop  }
__scs_overlays_trampoline_lowered:
0x8: {  	[smem:$0x3FA8] =	sst s0  }
0x9: {  	[smem:$0x3FA9] =	sst s1  }
0xa: {  	[smem:$0x3FAA] =	sst s2  }
0xb: {  	[smem:$0x3FAB] =	sst s3  }
0xc: {  	[smem:$0x3FAC] =	sst s4  }
0xd: {  	[smem:$0x3FAD] =	sst s5  }
0xe: {  	[smem:$0x3FAE] =	sst s6  }
0xf: {  	[smem:$0x3FAF] =	sst s7  }
0x10: {  	[smem:$0x3FB0] =	sst s8  }
0x11: {  	[smem:$0x3FB1] =	sst s9;
	s0 =	simm.s32 @!p0 $0x0  }
0x12: {  	s1 =	sld [smem:$0x3F97];
	s0 =	simm.s32 @p0 $0x1  }
0x13: {  	[smem:$0x3FB2] =	sst s0;
	s0 =	simm.s32 @!p1 $0x0  }
0x14: {  	s2 =	sld [smem:$0x3F96];
	s0 =	simm.s32 @p1 $0x1  }
0x15: {  	[smem:$0x3FB3] =	sst s0;
	s0 =	simm.s32 @!p2 $0x0  }
0x16: {  	s3 =	sld [smem:$0x3FDB];
	s0 =	simm.s32 @p2 $0x1  }
0x17: {  	s4 =	simm.s32 $0x1BF5;
	[smem:$0x3FB5] =	sst s0  }
0x18: {  	s0 =	sld [smem:$0x3F98];
	_ =	swait.ge [sflag:s4], $0x0  }
0x19: {  	s7 =	sld [smem:$0x3F99]  }
0x1a: {  	s8 =	sadd.s32 $0xFFFFE003, lr  }
0x1b: {  	s9 =	sadd.s32 $0xFFFFFEF7, lr;
	s5 =	simm.s32 $0xFFFFFFFF;
	p2 =	slt.u32 s8, $0xFFFFF086  }
0x1c: {  	p1 =	slt.u32 s9, $0xF7A;
	s5 =	simm.s32 @!p2 $0x0  }
0x1d: {  	s5 =	simm.s32 @p1 $0x1;
	p0 =	seq.s32 s7, s2  }
0x1e: {  	s7 =	smul.u32 @!p0 $0xF7A, s2;
	p2 =	seq.s32 @!p0 s5, $0x0  }
0x1f: {  	s9 =	smul.u32 $0xF7A, s1;
	s8 =	simm.s32 @!p0 $0x1BF5;
	p2 =	por !p2, p0  }
0x20: {  	[sflag:s8] =	ssyncset.s32 @!p0 $0xFFFFF086;
	s6 =	sadd.s32 @!p0 s3, s7;
	s7 =	simm.s32 @!p0 $0x108  }
0x21: {  	s3 =	sadd.s32 s3, s9;
	s6 =	sadd.s32 @!p0 $0x88, s6;
	s7 =	simm.s32 @p2 $0x1082  }
0x22: {  	[simem:s7], [sflag:s8] =	dma.local @!p0 [hbm:s6], $0xF7A  }
0x23: {  	s9 =	sor.u32 $0xD0000000, s2;
	s6 =	simm.s32 $0x108;
	_ =	swait.ge @!p0 [sflag:s8], $0x0  }
0x24: {  	s3 =	sadd.s32 $0x88, s3;
	s6 =	simm.s32 @!p1 $0x1082;
	[sflag:s4] =	ssyncset.s32 $0xFFFFF086  }
0x25: {  	[simem:s6], [sflag:s4] =	dma.local [hbm:s3], $0xF7A  }
0x26: {  	[smem:$0x3F99] =	sst s1;
	(tag) =	ssettag s2;
	_ =	strace s9  }
0x27: {  	s1 =	sld [smem:$0x3FA9]  }
0x28: {  	s2 =	sld [smem:$0x3FAA]  }
0x29: {  	s4 =	sld [smem:$0x3FAC]  }
0x2a: {  	p0 =	seq.s32 s5, $0x0;
	s5 =	sld [smem:$0x3FAD]  }
0x2b: {  	s6 =	sld [smem:$0x3FAE]  }
0x2c: {  	s7 =	sld [smem:$0x3FAF]  }
0x2d: {  	s3 =	simm.s32 $0x108;
	s8 =	sld [smem:$0x3FB0]  }
0x2e: {  	s3 =	simm.s32 @!p0 $0x1082;
	s9 =	sld [smem:$0x3FB1]  }
0x2f: {  	lr =	sadd.s32 s0, s3;
	s0 =	sld [smem:$0x3FA8]  }
0x30: {  	s3 =	sld [smem:$0x3FAB]  }
0x31: {  	[smem:$0x3FB4] =	sst s10  }
0x32: {  	s10 =	sld [smem:$0x3FB2];
	_ =	sdelay $0x3  }
0x33: {  	p0 =	seq.s32 s10, $0x1;
	s10 =	sld [smem:$0x3FB4];
	_ =	sdelay $0x3  }
0x34: {  	[smem:$0x3FB4] =	sst s10  }
0x35: {  	s10 =	sld [smem:$0x3FB3];
	_ =	sdelay $0x3  }
0x36: {  	p1 =	seq.s32 s10, $0x1;
	s10 =	sld [smem:$0x3FB4];
	_ =	sdelay $0x3  }
0x37: {  	[smem:$0x3FB4] =	sst s10  }
0x38: {  	s10 =	sld [smem:$0x3FB5]  }
0x39: {  	_ = 	snop;
	(pc) =	sbr.ind lr, $3  }
0x3a: {  	_ = 	snop  }
0x3b: {  	_ = 	snop  }
0x3c: {  	p2 =	seq.s32 s10, $0x1;
	s10 =	sld [smem:$0x3FB4]  }
0x3d: {  	_ =	shalt  }
0x3e: {  	_ =	shalt  }
0x3f: {  	_ =	shalt  }
0x40: {  	_ =	shalt  }
0x41: {  	_ =	shalt  }
0x42: {  	_ =	shalt  }
0x43: {  	_ =	shalt  }
0x44: {  	_ =	shalt  }
0x45: {  	_ =	shalt  }
0x46: {  	_ =	shalt  }
0x47: {  	_ =	shalt  }
0x48: {  	_ =	shalt  }
0x49: {  	_ =	shalt  }
0x4a: {  	_ =	shalt  }
0x4b: {  	_ =	shalt  }
0x4c: {  	_ =	shalt  }
0x4d: {  	_ =	shalt  }
0x4e: {  	_ =	shalt  }
0x4f: {  	_ =	shalt  }
0x50: {  	_ =	shalt  }
0x51: {  	_ =	shalt  }
0x52: {  	_ =	shalt  }
0x53: {  	_ =	shalt  }
0x54: {  	_ =	shalt  }
0x55: {  	_ =	shalt  }
0x56: {  	_ =	shalt  }
0x57: {  	_ =	shalt  }
0x58: {  	_ =	shalt  }
0x59: {  	_ =	shalt  }
0x5a: {  	_ =	shalt  }
0x5b: {  	_ =	shalt  }
0x5c: {  	_ =	shalt  }
0x5d: {  	_ =	shalt  }
0x5e: {  	_ =	shalt  }
0x5f: {  	_ =	shalt  }
0x60: {  	_ =	shalt  }
0x61: {  	_ =	shalt  }
0x62: {  	_ =	shalt  }
0x63: {  	_ =	shalt  }
0x64: {  	_ =	shalt  }
0x65: {  	_ =	shalt  }
0x66: {  	_ =	shalt  }
0x67: {  	_ =	shalt  }
0x68: {  	_ =	shalt  }
0x69: {  	_ =	shalt  }
0x6a: {  	_ =	shalt  }
0x6b: {  	_ =	shalt  }
0x6c: {  	_ =	shalt  }
0x6d: {  	_ =	shalt  }
0x6e: {  	_ =	shalt  }
0x6f: {  	_ =	shalt  }
0x70: {  	_ =	shalt  }
0x71: {  	_ =	shalt  }
0x72: {  	_ =	shalt  }
0x73: {  	_ =	shalt  }
0x74: {  	_ =	shalt  }
0x75: {  	_ =	shalt  }
0x76: {  	_ =	shalt  }
0x77: {  	_ =	shalt  }
0x78: {  	_ =	shalt  }
0x79: {  	_ =	shalt  }
0x7a: {  	_ =	shalt  }
0x7b: {  	_ =	shalt  }
0x7c: {  	_ =	shalt  }
0x7d: {  	_ =	shalt  }
0x7e: {  	_ =	shalt  }
0x7f: {  	_ =	shalt  }
0x80: {  	_ =	shalt  }
0x81: {  	_ =	shalt  }
0x82: {  	_ =	shalt  }
0x83: {  	_ =	shalt  }
0x84: {  	_ =	shalt  }
0x85: {  	_ =	shalt  }
0x86: {  	_ =	shalt  }
0x87: {  	_ =	shalt  }
.Lfunc_end0:
.L_simem_size_0:
called_computation.3_lowered:
.L_overlay_start_0:
0x88: {  	s2 =	sld [smem:$0x3FD9]  }
0x89: {  	s3 =	sld [smem:$0x3FFE];
	_ =	sdelay $0x1  }
0x8a: {  	s1 =	srdreg.scid  }
0x8b: {  	s0 =	sand.u32 $0x1, s1  }
0x8c: {  	s14 =	sshll.u32 s0, $0xA;
	s2 =	sadd.s32 s3, s2  }
0x8d: {  	s2 =	sadd.s32 s2, s14  }
0x8e: {  	[smem:$0x3FC0] =	sst s2  }
0x8f: {  	_ = 	snop  }
0x90: {  	s2 =	sld [smem:$0x3FD0];
	_ =	sdelay $0x2  }
0x91: {  	s15 =	simm.s32 $0xA;
	s4 =	simm.s32 $0x10  }
0x92: {  	[smem:s4], [sflag:s15] =	dma.local [hbm:s2], $0x1  }
0x93: {  	_ =	swait.eq [sflag:s15], $0x1  }
0x94: {  	[sflag:s15] =	ssyncset.done $0x0  }
0x95: {  	[sflag:s15] =	ssyncadd.s32 $0xFFFFFFFF  }
0x96: {  	s16 =	sld [smem:$0x11];
	(tm) =	ssettm $0x1  }
0x97: {  	s17 =	sld [smem:$0x3FFB];
	_ =	sdelay $0x3  }
0x98: {  	_ =	strace s17  }
0x99: {  	s3 =	sld [smem:$0x3FFC];
	_ =	sdelay $0x3  }
0x9a: {  	_ =	strace s3  }
0x9b: {  	s3 =	sld [smem:$0x3FFD];
	_ =	sdelay $0x3  }
0x9c: {  	_ =	strace s3  }
0x9d: {  	_ =	strace $0x8FFFFFFF  }
0x9e: {  	s18 =	sld [smem:$0x3FDB];
	_ =	sdelay $0x1  }
0x9f: {  	s19 =	simm.s32 $_scs_section_size  }
0xa0: {  	s5 =	simm.s32 $_size__tile_overlayer_lowered;
	s6 =	simm.s32 $_tile_overlayer_lowered  }
0xa1: {  	s22 =	simm.s32 $0x1BFF;
	s21 =	sshll.u32 s6, $0x1;
	s3 =	sadd.s32 s19, s18  }
0xa2: {  	s7 =	simm.s32 $0x0;
	s20 =	sshll.u32 s5, $0x1;
	s5 =	sadd.s32 s21, s3  }
0xa3: {  	[timem:s7], [sflag:s22] =	dma.local [hbm:s5], s20  }
0xa4: {  	_ =	swait.ge [sflag:s22], s20  }
0xa5: {  	s4 =	ssub.s32 $0x0, s20;
	[sflag:s22] =	ssyncset.done $0x0  }
0xa6: {  	[sflag:s22] =	ssyncadd.s32 s4;
	_ =	sdelay $0x1  }
0xa7: {  	s23 =	simm.s32 $0x1B8B  }
0xa8: {  	_ =	swait.ge [sflag:s23], $0x1  }
0xa9: {  	[sflag:s23] =	ssyncset.done $0x0  }
0xaa: {  	s25 =	simm.s32 $0x1B8E;
	s24 =	sld [smem:$0x3FFE];
	[sflag:s23] =	ssyncadd.s32 $0xFFFFFFFF  }
0xab: {  	s26 =	simm.s32 $execute0_lowered;
	[smem:$0x3FD2] =	sst s25  }
0xac: {  	s5 =	sshll.u32 s26, $0x1;
	_ =	strace $0x8000004F;
	[dreg:$0x1] =	wrdreg $0xFFFFFFFF  }
0xad: {  	s28 =	simm.s32 $_size_execute0_lowered;
	s3 =	sadd.s32 s3, s5;
	[dreg:$0x0] =	wrdreg $0x0  }
0xae: {  	s5 =	sshll.u32 s28, $0x1;
	[dreg:$0x2] =	wrdreg s3  }
0xaf: {  	[dreg:$0x3] =	wrdreg s5  }
0xb0: {  	[dreg:$0x4] =	wrdreg $0xC0  }
0xb1: {  	_ =	task [dreg:s7], $0x5FFFF  }
0xb2: {  	[dreg:$0x1] =	wrdreg $0xFFFFFFFF  }
0xb3: {  	[dreg:$0x0] =	wrdreg $0x60  }
0xb4: {  	[dreg:$0x2] =	wrdreg s24  }
0xb5: {  	[dreg:$0x3] =	wrdreg s16  }
0xb6: {  	[dreg:$0x4] =	wrdreg $0x9  }
0xb7: {  	_ =	task.clear_ibuf [dreg:s7], $0x5FFFF;
	_ =	strace $0x9000004F  }
0xb8: {  	s29 =	simm.s32 $0x9;
	_ =	strace $0x80000051  }
0xb9: {  	_ =	swait.ge [sflag:s29], $0x1  }
0xba: {  	[sflag:s29] =	ssyncadd.s32 $0xFFFFFFFF  }
0xbb: {  	_ =	strace $0x90000051  }
0xbc: {  	_ =	sfence  }
0xbd: {  	s30 =	sld [smem:$0x0];
	_ =	sdelay $0x2  }
0xbe: {  	s31 =	sshll.u32 s1, $0xD;
	s1 =	sshrl.u32 s1, $0x2  }
0xbf: {  	s3 =	sand.u32 $0x4000, s31;
	s1 =	sadd.s32 s1, s30  }
0xc0: {  	s0 =	sor.u32 s3, s0;
	s1 =	sshll.u32 s1, $0x11  }
0xc1: {  	s0 =	sor.u32 s1, s0  }
0xc2: {  	s0 =	sadd.s32 $0x8F2B, s0  }
0xc3: {  	[sflag:s0] =	ssyncadd.remote.s32 $0x1  }
0xc4: {  	_ =	sfence.sel $0xFFFF  }
0xc5: {  	[dreg:$0x0] =	wrdreg $0xFFFFFFFF;
	(pc) =	sbr.abs _section_cstart, $3  }
0xc6: {  	[dreg:$0x1] =	wrdreg $0xFFFFFFFF  }
0xc7: {  	_ =	task.clear_ibuf [dreg:s7], $0x2FFFF;
	_ =	strace $0x9FFFFFFF  }
0xc8: {  	(tm) =	ssettm $0x7FFFFFFF  }
0xc9: {  	_ =	shalt  }
tec
execute0_lowered:
.L_overlay_start_1:
0x0: {  	(tag) =	ssettag $0x1  }
0x1: {  	s1 =	srdreg.scid  }
0x2: {  	s0 =	stileid.u32;
	s11 =	sand.u32 $0x1, s1  }
0x3: {  	s7 =	rddreg [dreg:$0x0];
	s29 =	sshll.u32 s0, $0x7;
	s2 =	sshll.u32 s11, $0x6  }
0x4: {  	s10 =	rddreg [dreg:$0x1];
	s12 =	sor.u32 s2, s29  }
0x5: {  	s1 =	rddreg [dreg:$0x2];
	s2 =	simm.s32 $0x0;
	s3 =	sshrl.u32 s12, $0x3  }
0x6: {  	[smem:$0x7FF] =	sst s2;
	s13 =	sadd.s32 s3, s7  }
0x7: {  	_ =	strace $0x80000050;
	s3 =	simm.s32 $0x2;
	s4 =	sadd.s32 $0x21800, s13  }
0x8: {  	[tilespmem:s2], [sflag:$0x2] =	stream.linear.gather [hbm4b:s4+s2], $0x40, $0x38;
	[tilespmem:$0x2C00] =	vst v63  }
0x9: {  	_ =	swait.ge [sflag:s3], $0x40  }
0xa: {  	[sflag:s3] =	ssyncset.done $0x0  }
0xb: {  	s6 =	simm.s32 $0x440;
	s5 =	sadd.s32 $0x21200, s7;
	[sflag:s3] =	ssyncadd.s32 $0xFFFFFFC0  }
0xc: {  	[tilespmem:s6], [sflag:$0x2] =	stream.linear.gather [hbm4b:s5+s2], $0x2780, $0x38;
	[tilespmem:$0x2C00] =	vst v63  }
0xd: {  	_ =	swait.ge [sflag:s3], $0x2780  }
0xe: {  	s8 =	simm.s32 $0x40;
	[sflag:s3] =	ssyncset.done $0x0  }
0xf: {  	s9 =	simm.s32 $0x1;
	s7 =	sadd.s32 $0x3000, s7;
	[sflag:s3] =	ssyncadd.s32 $0xFFFFD880  }
0x10: {  	[tilespmem:s8], [sflag:$0x1] =	stream.indirect.gather [hbm4b:s7+s8], $0x10, s2, s8, $0xb8;
	[tilespmem:$0x2C00] =	vst v63  }
0x11: {  	_ =	swait.ge [sflag:s9], $0x400  }
0x12: {  	s12 =	sshll.u32 s12, $0x1;
	[sflag:s9] =	ssyncset.done $0x0  }
0x13: {  	s10 =	sadd.s32 s10, s12;
	[sflag:s9] =	ssyncadd.s32 $0xFFFFFC00  }
0x14: {  	[hbm4b:s10+s2] =	stream.linear.scatter [tilespmem:s8], [sflag:$0x2], $0x400, $0x38;
	[tilespmem:$0x2C00] =	vst v63  }
0x15: {  	_ =	swait.ge [sflag:s3], $0x400  }
0x16: {  	[sflag:s3] =	ssyncset.done $0x0  }
0x17: {  	[sflag:s3] =	ssyncadd.s32 $0xFFFFFC00  }
0x18: {  	v0 =	vld [tilespmem:$0x0];
	_ =	sdelay $0x5  }
0x19: {  	v1 =	vld [tilespmem:$0x10];
	_ =	sdelay $0x1  }
0x1a: {  	v0 =	vld.idx.msk [tilespmem:v0+s6+$0x0], $0xffff;
	_ =	sdelay $0x3  }
0x1b: {  	v2 =	vld [tilespmem:$0x20]  }
0x1c: {  	[tilespmem:$0x2BC0] =	vst v0  }
0x1d: {  	v0 =	vld.idx.msk [tilespmem:v1+s6+$0x0], $0xffff;
	_ =	sdelay $0x3  }
0x1e: {  	v63 =	vld [tilespmem:$0x30]  }
0x1f: {  	[tilespmem:$0x2BD0] =	vst v0  }
0x20: {  	v0 =	vld.idx.msk [tilespmem:v2+s6+$0x0], $0xffff;
	_ =	sdelay $0x4  }
0x21: {  	s11 =	ssub.s32 $0x2, s11;
	[tilespmem:$0x2BE0] =	vst v0  }
0x22: {  	s30 =	sshrl.u32 s11, $0x1;
	v0 =	vld.idx.msk [tilespmem:v63+s6+$0x0], $0xffff  }
0x23: {  	s12 =	ssub.s32 s11, s30  }
0x24: {  	s31 =	smax.u32 s12, $0x1  }
0x25: {  	p0 =	sne.s32 s31, $0x1  }
.Ltmp0:
0x26: {  	_ = 	snop;
	(pc) =	sbr.rel @!p0 .LBB2_2-.Ltmp0, $4  }
0x27: {  	s11 =	sadd.s32 $0x8000, s13;
	s12 =	simm.s32 $0x2BC0;
	[tilespmem:$0x2BF0] =	vst v0  }
0x28: {  	[hbm4b:s11+s2] =	stream.linear.scatter [tilespmem:s12], [sflag:$0x2], $0x40, $0x38;
	[tilespmem:$0x2C00] =	vst v63  }
0x29: {  	_ =	swait.ge [sflag:s3], $0x40  }
0x2a: {  	s13 =	sadd.s32 $0xFFFFFFFF, s31;
	[sflag:s3] =	ssyncset.done $0x0  }
.LBB2_1:
0x2b: {  	p0 =	sne.s32 s13, $0x1;
	s13 =	sadd.s32 $0xFFFFFFFF, s13;
	[sflag:s3] =	ssyncadd.s32 $0xFFFFFFC0  }
0x2c: {  	[tilespmem:s2], [sflag:$0x2] =	stream.linear.gather [hbm4b:s4+s2], $0x40, $0x38;
	[tilespmem:$0x2C00] =	vst v63  }
0x2d: {  	_ =	swait.ge [sflag:s3], $0x40  }
0x2e: {  	[sflag:s3] =	ssyncset.done $0x0  }
0x2f: {  	[sflag:s3] =	ssyncadd.s32 $0xFFFFFFC0  }
0x30: {  	[tilespmem:s6], [sflag:$0x2] =	stream.linear.gather [hbm4b:s5+s2], $0x2780, $0x38;
	[tilespmem:$0x2C00] =	vst v63  }
0x31: {  	_ =	swait.ge [sflag:s3], $0x2780  }
0x32: {  	[sflag:s3] =	ssyncset.done $0x0  }
0x33: {  	[sflag:s3] =	ssyncadd.s32 $0xFFFFD880  }
0x34: {  	[tilespmem:s8], [sflag:$0x1] =	stream.indirect.gather [hbm4b:s7+s8], $0x10, s2, s8, $0xb8;
	[tilespmem:$0x2C00] =	vst v63  }
0x35: {  	_ =	swait.ge [sflag:s9], $0x400  }
0x36: {  	[sflag:s9] =	ssyncset.done $0x0  }
0x37: {  	[sflag:s9] =	ssyncadd.s32 $0xFFFFFC00  }
0x38: {  	[hbm4b:s10+s2] =	stream.linear.scatter [tilespmem:s8], [sflag:$0x2], $0x400, $0x38;
	[tilespmem:$0x2C00] =	vst v63  }
0x39: {  	_ =	swait.ge [sflag:s3], $0x400  }
0x3a: {  	[sflag:s3] =	ssyncset.done $0x0  }
0x3b: {  	[sflag:s3] =	ssyncadd.s32 $0xFFFFFC00  }
0x3c: {  	v0 =	vld [tilespmem:$0x0];
	_ =	sdelay $0x6  }
0x3d: {  	v1 =	vld [tilespmem:$0x10]  }
0x3e: {  	v0 =	vld.idx.msk [tilespmem:v0+s6+$0x0], $0xffff;
	_ =	sdelay $0x5  }
0x3f: {  	[tilespmem:$0x2BC0] =	vst v0;
	v0 =	vld [tilespmem:$0x20]  }
0x40: {  	v1 =	vld.idx.msk [tilespmem:v1+s6+$0x0], $0xffff;
	_ =	sdelay $0x5  }
0x41: {  	[tilespmem:$0x2BD0] =	vst v1;
	v1 =	vld [tilespmem:$0x30]  }
0x42: {  	v0 =	vld.idx.msk [tilespmem:v0+s6+$0x0], $0xffff;
	_ =	sdelay $0x5  }
0x43: {  	[tilespmem:$0x2BE0] =	vst v0  }
0x44: {  	v0 =	vld.idx.msk [tilespmem:v1+s6+$0x0], $0xffff;
	_ =	sdelay $0x4  }
.Ltmp1:
0x45: {  	(pc) =	sbr.rel @p0 .LBB2_1-.Ltmp1, $4  }
0x46: {  	[tilespmem:$0x2BF0] =	vst v0  }
0x47: {  	[hbm4b:s11+s2] =	stream.linear.scatter [tilespmem:s12], [sflag:$0x2], $0x40, $0x38;
	[tilespmem:$0x2C00] =	vst v63  }
0x48: {  	_ =	swait.ge [sflag:s3], $0x40  }
0x49: {  	[sflag:s3] =	ssyncset.done $0x0  }
.LBB2_2:
0x4a: {  	[sflag:s3] =	ssyncadd.s32 $0xFFFFFFC0  }
0x4b: {  	_ =	sfence.sel $0x180000  }
0x4c: {  	[bflag:$0x0] =	sbarrier.arrive $0xFFFF  }
0x4d: {  	p0 =	sne.s32 s0, $0x0;
	_ =	strace $0x90000050  }
0x4e: {  	s0 =	sadd.s32 @!p0 $0x100000, s1;
	[bflag:$0x2] =	sbarrier.arrive $0xFFFF  }
0x4f: {  	[sflag:s0] =	ssyncadd.tile.s32 @!p0 $0x1;
	_ =	shalt  }
.Lfunc_end2:
_tile_overlayer_lowered:
.L_overlay_start_2:
0x50: {  	(tag) =	ssettag $0x2  }
0x51: {  	s0 =	rddreg [dreg:$0x0];
	s2 =	stileid.u32  }
0x52: {  	s1 =	rddreg [dreg:$0x1];
	p0 =	sne.s32 s2, $0x0  }
0x53: {  	s3 =	rddreg [dreg:$0x2];
	[bflag:$0x3] =	sbarrier.arrive $0xFFFF;
	s2 =	simm.s32 @!p0 $0x1C02  }
0x54: {  	[timem:s3], [sflag:s2] =	dma.local @!p0 [hbm:s0], s1  }
0x55: {  	s0 =	simm.s32 @!p0 $0x2  }
0x56: {  	_ =	swait.ge @!p0 [sflag:s0], s1  }
0x57: {  	s1 =	ssub.s32 @!p0 $0x0, s1;
	[sflag:s0] =	ssyncset.done @!p0 $0x0  }
0x58: {  	[sflag:s0] =	ssyncadd.s32 @!p0 s1  }
0x59: {  	[bflag:$0x3] =	sbarrier.arrive $0xFFFF  }
0x5a: {  	_ =	shalt  }

</sc_bundles>
